<compile_context>
chip_gen: v7x
topology: tpu7x:2x2x1
jax: 0.10.2.dev20260603
libtpu: 0.0.44.dev20260713+nightly
codegen_flags: <defaults>
</compile_context>

<pallas_src>
import functools

import jax
import jax.numpy as jnp
from jax import lax
from jax.experimental import pallas as pl
from jax.experimental.pallas import tpu as pltpu
from jax.experimental.pallas import tpu_sc as plsc

_N = 10000
_R = 4
_E = 80000
_D = 128
_NH = 10240
_CW = 80
_TILES = 16
_CPT = 64
_NCHUNK = _CPT * _TILES
_EPAD = _NCHUNK * _CW
_RPT = _NH // _TILES

_sc_mesh = plsc.VectorSubcoreMesh(core_axis_name="c", subcore_axis_name="s")
_sc_params = pltpu.CompilerParams(needs_layout_passes=False)


@functools.partial(
    pl.kernel, mesh=_sc_mesh, compiler_params=_sc_params,
    out_type=jax.ShapeDtypeStruct((_R, 2, _TILES, _NH), jnp.float32),
    scratch_types=[
        pltpu.VMEM((_CPT, _CW), jnp.int32),
        pltpu.VMEM((_NH,), jnp.float32),
    ],
)
def _degree_kernel(ei_hbm, cnt_hbm, idxbuf, hist):
    cid = lax.axis_index("c")
    tid = lax.axis_index("s")
    ones = jnp.ones((16,), jnp.float32)
    zeros = jnp.zeros((16,), jnp.float32)
    for ri in range(_R // 2):
        r = cid * (_R // 2) + ri
        for side in range(2):
            pltpu.sync_copy(ei_hbm.at[r, side, pl.ds(tid * _CPT, _CPT), :],
                            idxbuf)

            def zero_body(j, carry):
                for l in range(16):
                    hist[pl.ds(j * 256 + l * 16, 16)] = zeros
                return carry

            lax.fori_loop(0, _NH // 256, zero_body, 0)

            def acc_body(j, carry):
                for l in range(_CW // 16):
                    idx = idxbuf[j, pl.ds(l * 16, 16)]
                    plsc.addupdate_scatter(hist, [idx], ones)
                return carry

            lax.fori_loop(0, _CPT, acc_body, 0)
            pltpu.sync_copy(hist, cnt_hbm.at[r, side, tid])


_BLK = 512


def _zmm_body(x_ref, cnt_ref, w_ref, z_ref):
    x = x_ref[...]
    for r in range(_R):
        cnt = jnp.sum(cnt_ref[r, 0], axis=0)
        norm = lax.rsqrt(jnp.maximum(cnt, 1.0))
        z_ref[r] = jnp.dot(x * norm[:, None], w_ref[r],
                           preferred_element_type=jnp.float32)


def _zmm(x_pad, cnt, w):
    return pl.pallas_call(
        _zmm_body,
        grid=(_NH // _BLK,),
        in_specs=[
            pl.BlockSpec((_BLK, _D), lambda i: (i, 0)),
            pl.BlockSpec((_R, 1, _TILES, _BLK), lambda i: (0, 0, 0, i)),
            pl.BlockSpec((_R, _D, _D), lambda i: (0, 0, 0)),
        ],
        out_specs=pl.BlockSpec((_R, _BLK, _D), lambda i: (0, i, 0)),
        out_shape=jax.ShapeDtypeStruct((_R, _NH, _D), jnp.float32),
    )(x_pad, cnt, w)


@functools.partial(
    pl.kernel, mesh=_sc_mesh, compiler_params=_sc_params,
    out_type=jax.ShapeDtypeStruct((_R, _NH, _D), jnp.float32),
    scratch_types=[
        pltpu.VMEM((_CPT + 2, _CW), jnp.int32),
        pltpu.VMEM((_CPT, _CW), jnp.int32),
        pltpu.VMEM((_CW, _D), jnp.float32),
        pltpu.VMEM((_CW, _D), jnp.float32),
        pltpu.VMEM((_CW, _D), jnp.float32),
        pltpu.VMEM_SHARED((_NH, _D), jnp.float32),
        pltpu.SemaphoreType.DMA,
        pltpu.SemaphoreType.DMA,
        pltpu.SemaphoreType.DMA,
        pltpu.SemaphoreType.DMA,
        pltpu.SemaphoreType.DMA,
        pltpu.SemaphoreType.DMA,
    ],
)
def _edge_kernel(z_hbm, src_hbm, dst_hbm, agg_hbm,
                 srcbuf, dstbuf, rows0, rows1, rows2, aggsh,
                 g0, g1, g2, s0, s1, s2):
    cid = lax.axis_index("c")
    tid = lax.axis_index("s")
    zeros = jnp.zeros((16,), jnp.float32)
    rows = (rows0, rows1, rows2)
    gsem = (g0, g1, g2)
    ssem = (s0, s1, s2)

    def wait_gather(k):
        pltpu.make_async_copy(z_hbm.at[srcbuf.at[0]], rows[k],
                              gsem[k]).wait()

    def wait_scatter(k):
        pltpu.make_async_copy(rows[k], aggsh.at[dstbuf.at[0]],
                              ssem[k]).wait()

    for ri in range(_R // 2):
        r = cid * (_R // 2) + ri
        roff = r * _NH

        def zb_body(j, carry):
            for l in range(8):
                rows0[j, pl.ds(l * 16, 16)] = zeros
            return carry

        lax.fori_loop(0, _CW, zb_body, 0)
        for p in range(_RPT // _CW):
            pltpu.sync_copy(
                rows0, aggsh.at[pl.ds(tid * _RPT + p * _CW, _CW), :])
        plsc.subcore_barrier()

        pltpu.sync_copy(src_hbm.at[r, pl.ds(tid * _CPT, _CPT), :],
                        srcbuf.at[pl.ds(0, _CPT), :])
        pltpu.sync_copy(dst_hbm.at[r, pl.ds(tid * _CPT, _CPT), :], dstbuf)

        def off_body(j, carry):
            for l in range(_CW // 16):
                sl = pl.ds(l * 16, 16)
                srcbuf[j, sl] = srcbuf[j, sl] + roff
            return carry

        lax.fori_loop(0, _CPT, off_body, 0)
        pad = roff + _N + lax.iota(jnp.int32, 16)
        for j in (_CPT, _CPT + 1):
            for l in range(_CW // 16):
                srcbuf[j, pl.ds(l * 16, 16)] = pad + l * 16

        def step(c, k, first):
            wait_gather(k)
            pltpu.async_copy(rows[k], aggsh.at[dstbuf.at[c]], ssem[k],
                             add=True)
            k2 = (k + 2) % 3
            if not first:
                wait_scatter(k2)
            pltpu.async_copy(z_hbm.at[srcbuf.at[c + 2]], rows[k2], gsem[k2])

        pltpu.async_copy(z_hbm.at[srcbuf.at[0]], rows[0], gsem[0])
        pltpu.async_copy(z_hbm.at[srcbuf.at[1]], rows[1], gsem[1])
        step(0, 0, True)
        step(1, 1, False)
        step(2, 2, False)

        def chunk_body(jj, carry):
            c = jj * 3
            step(c, 0, False)
            step(c + 1, 1, False)
            step(c + 2, 2, False)
            return carry

        lax.fori_loop(1, 21, chunk_body, 0)
        step(63, 0, False)
        wait_scatter((_CPT - 1) % 3)
        wait_gather(_CPT % 3)
        wait_gather((_CPT + 1) % 3)
        plsc.subcore_barrier()
        pltpu.sync_copy(aggsh.at[pl.ds(tid * _RPT, _RPT), :],
                        agg_hbm.at[r, pl.ds(tid * _RPT, _RPT), :])
        plsc.subcore_barrier()


_BLK2 = 1024


def _out_body(agg_ref, cnt_ref, b_ref, o_ref):
    acc = jnp.broadcast_to(jnp.sum(b_ref[...], axis=0)[None, :], (_BLK2, _D))
    for r in range(_R):
        cnt = jnp.sum(cnt_ref[r, 0], axis=0)
        norm = lax.rsqrt(jnp.maximum(cnt, 1.0))
        acc = acc + agg_ref[r] * norm[:, None]
    o_ref[...] = acc


def _finalize(agg, cnt, b):
    return pl.pallas_call(
        _out_body,
        grid=(_NH // _BLK2,),
        in_specs=[
            pl.BlockSpec((_R, _BLK2, _D), lambda i: (0, i, 0)),
            pl.BlockSpec((_R, 1, _TILES, _BLK2), lambda i: (0, 1, 0, i)),
            pl.BlockSpec((_R, _D), lambda i: (0, 0)),
        ],
        out_specs=pl.BlockSpec((_BLK2, _D), lambda i: (i, 0)),
        out_shape=jax.ShapeDtypeStruct((_NH, _D), jnp.float32),
    )(agg, cnt, b)


def kernel(features, edge_index, W, b):
    x_pad = jnp.concatenate(
        [features, jnp.zeros((_NH - _N, _D), jnp.float32)], axis=0)
    fill = _N + (jnp.arange(_EPAD - _E, dtype=jnp.int32) % 128)
    fill = jnp.broadcast_to(fill[None, :], (_R, _EPAD - _E))
    src_pad = jnp.concatenate(
        [edge_index[:, 0, :], fill], axis=1).reshape(_R, _NCHUNK, _CW)
    dst_pad = jnp.concatenate(
        [edge_index[:, 1, :], fill], axis=1).reshape(_R, _NCHUNK, _CW)
    ei_pad = jnp.stack([src_pad, dst_pad], axis=1)

    cnt = _degree_kernel(ei_pad)
    z = _zmm(x_pad, cnt, W)
    agg = _edge_kernel(z.reshape(_R * _NH, _D), src_pad, dst_pad)
    return _finalize(agg, cnt, b)[:_N]

# --- scband reference (transcript-rebuilt; emitter-appended) ---
"""Pipeline reference for scband-rgcnlayer-88029649699360 (READ-ONLY COPY).

The authoritative reference and input builder live on the scoring server;
editing this copy changes nothing except your own understanding.
"""

import jax, jax.numpy as jnp
import numpy as np

N = 10000
R = 4
E = 80000
D_IN = 128
D_OUT = 128


def setup_inputs(seed: int = 0) -> dict:
    key = jax.random.key(seed)
    k1, k2, k3, k4 = jax.random.split(key, 4)
    features = jax.random.normal(k1, (N, D_IN), dtype=jnp.float32)
    edge_index = jax.random.randint(k2, (R, 2, E), 0, N, dtype=jnp.int32)
    # One GraphConv weight/bias per edge type (relation), as in dglnn.HeteroGraphConv
    W = jax.random.normal(k3, (R, D_IN, D_OUT), dtype=jnp.float32) * (1.0 / np.sqrt(D_IN))
    b = jnp.zeros((R, D_OUT), dtype=jnp.float32)
    return {"features": features, "edge_index": edge_index, "W": W, "b": b}


def _graph_conv(features, src, dst, W_r, b_r):
    # DGL GraphConv with norm='both': D_dst^{-1/2} A D_src^{-1/2} X W + b
    ones = jnp.ones((src.shape[0],), dtype=jnp.float32)
    deg_out = jax.ops.segment_sum(ones, src, num_segments=N)
    deg_in = jax.ops.segment_sum(ones, dst, num_segments=N)
    norm_src = jax.lax.rsqrt(jnp.maximum(deg_out, 1.0))
    norm_dst = jax.lax.rsqrt(jnp.maximum(deg_in, 1.0))
    h = features * norm_src[:, None]
    msg = jnp.take(h, src, axis=0)
    agg = jnp.zeros((N, D_IN), dtype=jnp.float32).at[dst].add(msg)
    agg = agg * norm_dst[:, None]
    return agg @ W_r + b_r


def reference(features, edge_index, W, b):
    # HeteroGraphConv with aggregate='sum' over relations
    out = jnp.zeros((N, D_OUT), dtype=jnp.float32)
    for r in range(R):
        src = edge_index[r, 0]
        dst = edge_index[r, 1]
        out = out + _graph_conv(features, src, dst, W[r], b[r])
    return out

if __name__ == "__main__":
    import jax
    _d = setup_inputs()
    print(jax.jit(kernel)(*tuple(_d.values())))

</pallas_src>

<mosaic_0001>
#map = affine_map<(d0, d1) -> (0, 0, 0, 0)>
module attributes {stable_mosaic.version = 14 : i64} {
  func.func @_degree_kernel(%arg0: i32, %arg1: i32, %arg2: memref<4x2x1024x80xi32, #tpu.memory_space<hbm>>, %arg3: memref<4x2x16x10240xf32, #tpu.memory_space<hbm>>, %arg4: memref<64x80xi32, #tpu.memory_space<vmem>>, %arg5: memref<10240xf32, #tpu.memory_space<vmem>>) attributes {dimension_semantics = [#tpu.dimension_semantics<core_parallel>, #tpu.dimension_semantics<subcore_parallel>], iteration_bounds = array<i64: 2, 16>, scalar_prefetch = 0 : i64, scratch_operands = 2 : i64, tpu.core_type = #tpu.core_type<sc_vector_subcore>, window_params = [{transform_indices = #map}, {transform_indices = #map}]} {
    %broadcast_in_dim3A = arith.constant 1.000000e+00 : f32
    %broadcast_in_dim3A_0 = vector.broadcast %broadcast_in_dim3A : f32 to vector<16xf32>
    %broadcast_in_dim3A_1 = arith.constant 0.000000e+00 : f32
    %broadcast_in_dim3A_2 = vector.broadcast %broadcast_in_dim3A_1 : f32 to vector<16xf32>
    %mul3A = arith.constant 2 : i32
    %mul3A_3 = arith.muli %arg0, %mul3A : i32
    %add3A = arith.constant 0 : i32
    %add3A_4 = arith.addi %mul3A_3, %add3A : i32
    %mul3A_5 = arith.constant 64 : i32
    %mul3A_6 = arith.muli %arg1, %mul3A_5 : i32
    %run_scoped3A = arith.constant 0 : i32
    "tpu.region"() ({
      %run_scoped3A_71 = tpu.sem_alloc : memref<!tpu.dma_semaphore, #tpu.memory_space<semaphore_mem>>
      %dma_start3A = arith.constant 0 : i32
      %dma_start3A_72 = tpu.memref_slice %arg2[%add3A_4, %run_scoped3A, %mul3A_6, %dma_start3A] : memref<4x2x1024x80xi32, #tpu.memory_space<hbm>> -> memref<1x1x64x80xi32, #tpu.memory_space<hbm>>
      %dma_start3A_73 = tpu.memref_squeeze %dma_start3A_72 : memref<1x1x64x80xi32, #tpu.memory_space<hbm>> -> memref<64x80xi32, #tpu.memory_space<hbm>>
      %dma_start3A_74 = arith.constant 0 : i32
      %dma_start3A_75 = tpu.memref_slice %arg2[%add3A_4, %run_scoped3A, %mul3A_6, %dma_start3A_74] : memref<4x2x1024x80xi32, #tpu.memory_space<hbm>> -> memref<1x1x64x80xi32, #tpu.memory_space<hbm>>
      %dma_start3A_76 = tpu.memref_squeeze %dma_start3A_75 : memref<1x1x64x80xi32, #tpu.memory_space<hbm>> -> memref<64x80xi32, #tpu.memory_space<hbm>>
      tpu.enqueue_dma source(%dma_start3A_76 : memref<64x80xi32, #tpu.memory_space<hbm>>) target(%arg4 : memref<64x80xi32, #tpu.memory_space<vmem>>) target_semaphore(%run_scoped3A_71 : memref<!tpu.dma_semaphore, #tpu.memory_space<semaphore_mem>>)
      %dma_wait3A = arith.constant 0 : i32
      %dma_wait3A_77 = tpu.memref_slice %arg2[%add3A_4, %run_scoped3A, %mul3A_6, %dma_wait3A] : memref<4x2x1024x80xi32, #tpu.memory_space<hbm>> -> memref<1x1x64x80xi32, #tpu.memory_space<hbm>>
      %dma_wait3A_78 = tpu.memref_squeeze %dma_wait3A_77 : memref<1x1x64x80xi32, #tpu.memory_space<hbm>> -> memref<64x80xi32, #tpu.memory_space<hbm>>
      %dma_wait3A_79 = arith.constant 0 : i32
      %dma_wait3A_80 = tpu.memref_slice %arg2[%add3A_4, %run_scoped3A, %mul3A_6, %dma_wait3A_79] : memref<4x2x1024x80xi32, #tpu.memory_space<hbm>> -> memref<1x1x64x80xi32, #tpu.memory_space<hbm>>
      %dma_wait3A_81 = tpu.memref_squeeze %dma_wait3A_80 : memref<1x1x64x80xi32, #tpu.memory_space<hbm>> -> memref<64x80xi32, #tpu.memory_space<hbm>>
      tpu.wait_dma2 semaphore(%run_scoped3A_71 : memref<!tpu.dma_semaphore, #tpu.memory_space<semaphore_mem>>) src(%dma_wait3A_81 : memref<64x80xi32, #tpu.memory_space<hbm>>) dst(%arg4 : memref<64x80xi32, #tpu.memory_space<vmem>>)
      tpu.yield
    }) : () -> ()
    %scan3A = arith.constant 0 : i32
    %scan3A_7 = arith.constant 0 : i32
    %scan3A_8 = arith.constant 40 : i32
    %scan3A_9 = arith.addi %scan3A_7, %scan3A_8 : i32
    %scan3A_10 = arith.constant 1 : i32
    scf.for %scan3A_71 = %scan3A_7 to %scan3A_9 step %scan3A_10  : i32 {
      %mul3A_72 = arith.constant 256 : i32
      %mul3A_73 = arith.muli %scan3A_71, %mul3A_72 : i32
      %add3A_74 = arith.constant 0 : i32
      %add3A_75 = arith.addi %mul3A_73, %add3A_74 : i32
      %swap3A = arith.index_cast %add3A_75 : i32 to index
      %swap3A_76 = tpu.vector_load %arg5[%swap3A] {strides = array<i32>} : memref<10240xf32, #tpu.memory_space<vmem>>, vector<16xf32>,
      tpu.vector_store %arg5[%swap3A], %broadcast_in_dim3A_2 {strides = array<i32>} : memref<10240xf32, #tpu.memory_space<vmem>>, vector<16xf32>,
      %mul3A_77 = arith.constant 256 : i32
      %mul3A_78 = arith.muli %scan3A_71, %mul3A_77 : i32
      %add3A_79 = arith.constant 16 : i32
      %add3A_80 = arith.addi %mul3A_78, %add3A_79 : i32
      %swap3A_81 = arith.index_cast %add3A_80 : i32 to index
      %swap3A_82 = tpu.vector_load %arg5[%swap3A_81] {strides = array<i32>} : memref<10240xf32, #tpu.memory_space<vmem>>, vector<16xf32>,
      tpu.vector_store %arg5[%swap3A_81], %broadcast_in_dim3A_2 {strides = array<i32>} : memref<10240xf32, #tpu.memory_space<vmem>>, vector<16xf32>,
      %mul3A_83 = arith.constant 256 : i32
      %mul3A_84 = arith.muli %scan3A_71, %mul3A_83 : i32
      %add3A_85 = arith.constant 32 : i32
      %add3A_86 = arith.addi %mul3A_84, %add3A_85 : i32
      %swap3A_87 = arith.index_cast %add3A_86 : i32 to index
      %swap3A_88 = tpu.vector_load %arg5[%swap3A_87] {strides = array<i32>} : memref<10240xf32, #tpu.memory_space<vmem>>, vector<16xf32>,
      tpu.vector_store %arg5[%swap3A_87], %broadcast_in_dim3A_2 {strides = array<i32>} : memref<10240xf32, #tpu.memory_space<vmem>>, vector<16xf32>,
      %mul3A_89 = arith.constant 256 : i32
      %mul3A_90 = arith.muli %scan3A_71, %mul3A_89 : i32
      %add3A_91 = arith.constant 48 : i32
      %add3A_92 = arith.addi %mul3A_90, %add3A_91 : i32
      %swap3A_93 = arith.index_cast %add3A_92 : i32 to index
      %swap3A_94 = tpu.vector_load %arg5[%swap3A_93] {strides = array<i32>} : memref<10240xf32, #tpu.memory_space<vmem>>, vector<16xf32>,
      tpu.vector_store %arg5[%swap3A_93], %broadcast_in_dim3A_2 {strides = array<i32>} : memref<10240xf32, #tpu.memory_space<vmem>>, vector<16xf32>,
      %mul3A_95 = arith.constant 256 : i32
      %mul3A_96 = arith.muli %scan3A_71, %mul3A_95 : i32
      %add3A_97 = arith.constant 64 : i32
      %add3A_98 = arith.addi %mul3A_96, %add3A_97 : i32
      %swap3A_99 = arith.index_cast %add3A_98 : i32 to index
      %swap3A_100 = tpu.vector_load %arg5[%swap3A_99] {strides = array<i32>} : memref<10240xf32, #tpu.memory_space<vmem>>, vector<16xf32>,
      tpu.vector_store %arg5[%swap3A_99], %broadcast_in_dim3A_2 {strides = array<i32>} : memref<10240xf32, #tpu.memory_space<vmem>>, vector<16xf32>,
      %mul3A_101 = arith.constant 256 : i32
      %mul3A_102 = arith.muli %scan3A_71, %mul3A_101 : i32
      %add3A_103 = arith.constant 80 : i32
      %add3A_104 = arith.addi %mul3A_102, %add3A_103 : i32
      %swap3A_105 = arith.index_cast %add3A_104 : i32 to index
      %swap3A_106 = tpu.vector_load %arg5[%swap3A_105] {strides = array<i32>} : memref<10240xf32, #tpu.memory_space<vmem>>, vector<16xf32>,
      tpu.vector_store %arg5[%swap3A_105], %broadcast_in_dim3A_2 {strides = array<i32>} : memref<10240xf32, #tpu.memory_space<vmem>>, vector<16xf32>,
      %mul3A_107 = arith.constant 256 : i32
      %mul3A_108 = arith.muli %scan3A_71, %mul3A_107 : i32
      %add3A_109 = arith.constant 96 : i32
      %add3A_110 = arith.addi %mul3A_108, %add3A_109 : i32
      %swap3A_111 = arith.index_cast %add3A_110 : i32 to index
      %swap3A_112 = tpu.vector_load %arg5[%swap3A_111] {strides = array<i32>} : memref<10240xf32, #tpu.memory_space<vmem>>, vector<16xf32>,
      tpu.vector_store %arg5[%swap3A_111], %broadcast_in_dim3A_2 {strides = array<i32>} : memref<10240xf32, #tpu.memory_space<vmem>>, vector<16xf32>,
      %mul3A_113 = arith.constant 256 : i32
      %mul3A_114 = arith.muli %scan3A_71, %mul3A_113 : i32
      %add3A_115 = arith.constant 112 : i32
      %add3A_116 = arith.addi %mul3A_114, %add3A_115 : i32
      %swap3A_117 = arith.index_cast %add3A_116 : i32 to index
      %swap3A_118 = tpu.vector_load %arg5[%swap3A_117] {strides = array<i32>} : memref<10240xf32, #tpu.memory_space<vmem>>, vector<16xf32>,
      tpu.vector_store %arg5[%swap3A_117], %broadcast_in_dim3A_2 {strides = array<i32>} : memref<10240xf32, #tpu.memory_space<vmem>>, vector<16xf32>,
      %mul3A_119 = arith.constant 256 : i32
      %mul3A_120 = arith.muli %scan3A_71, %mul3A_119 : i32
      %add3A_121 = arith.constant 128 : i32
      %add3A_122 = arith.addi %mul3A_120, %add3A_121 : i32
      %swap3A_123 = arith.index_cast %add3A_122 : i32 to index
      %swap3A_124 = tpu.vector_load %arg5[%swap3A_123] {strides = array<i32>} : memref<10240xf32, #tpu.memory_space<vmem>>, vector<16xf32>,
      tpu.vector_store %arg5[%swap3A_123], %broadcast_in_dim3A_2 {strides = array<i32>} : memref<10240xf32, #tpu.memory_space<vmem>>, vector<16xf32>,
      %mul3A_125 = arith.constant 256 : i32
      %mul3A_126 = arith.muli %scan3A_71, %mul3A_125 : i32
      %add3A_127 = arith.constant 144 : i32
      %add3A_128 = arith.addi %mul3A_126, %add3A_127 : i32
      %swap3A_129 = arith.index_cast %add3A_128 : i32 to index
      %swap3A_130 = tpu.vector_load %arg5[%swap3A_129] {strides = array<i32>} : memref<10240xf32, #tpu.memory_space<vmem>>, vector<16xf32>,
      tpu.vector_store %arg5[%swap3A_129], %broadcast_in_dim3A_2 {strides = array<i32>} : memref<10240xf32, #tpu.memory_space<vmem>>, vector<16xf32>,
      %mul3A_131 = arith.constant 256 : i32
      %mul3A_132 = arith.muli %scan3A_71, %mul3A_131 : i32
      %add3A_133 = arith.constant 160 : i32
      %add3A_134 = arith.addi %mul3A_132, %add3A_133 : i32
      %swap3A_135 = arith.index_cast %add3A_134 : i32 to index
      %swap3A_136 = tpu.vector_load %arg5[%swap3A_135] {strides = array<i32>} : memref<10240xf32, #tpu.memory_space<vmem>>, vector<16xf32>,
      tpu.vector_store %arg5[%swap3A_135], %broadcast_in_dim3A_2 {strides = array<i32>} : memref<10240xf32, #tpu.memory_space<vmem>>, vector<16xf32>,
      %mul3A_137 = arith.constant 256 : i32
      %mul3A_138 = arith.muli %scan3A_71, %mul3A_137 : i32
      %add3A_139 = arith.constant 176 : i32
      %add3A_140 = arith.addi %mul3A_138, %add3A_139 : i32
      %swap3A_141 = arith.index_cast %add3A_140 : i32 to index
      %swap3A_142 = tpu.vector_load %arg5[%swap3A_141] {strides = array<i32>} : memref<10240xf32, #tpu.memory_space<vmem>>, vector<16xf32>,
      tpu.vector_store %arg5[%swap3A_141], %broadcast_in_dim3A_2 {strides = array<i32>} : memref<10240xf32, #tpu.memory_space<vmem>>, vector<16xf32>,
      %mul3A_143 = arith.constant 256 : i32
      %mul3A_144 = arith.muli %scan3A_71, %mul3A_143 : i32
      %add3A_145 = arith.constant 192 : i32
      %add3A_146 = arith.addi %mul3A_144, %add3A_145 : i32
      %swap3A_147 = arith.index_cast %add3A_146 : i32 to index
      %swap3A_148 = tpu.vector_load %arg5[%swap3A_147] {strides = array<i32>} : memref<10240xf32, #tpu.memory_space<vmem>>, vector<16xf32>,
      tpu.vector_store %arg5[%swap3A_147], %broadcast_in_dim3A_2 {strides = array<i32>} : memref<10240xf32, #tpu.memory_space<vmem>>, vector<16xf32>,
      %mul3A_149 = arith.constant 256 : i32
      %mul3A_150 = arith.muli %scan3A_71, %mul3A_149 : i32
      %add3A_151 = arith.constant 208 : i32
      %add3A_152 = arith.addi %mul3A_150, %add3A_151 : i32
      %swap3A_153 = arith.index_cast %add3A_152 : i32 to index
      %swap3A_154 = tpu.vector_load %arg5[%swap3A_153] {strides = array<i32>} : memref<10240xf32, #tpu.memory_space<vmem>>, vector<16xf32>,
      tpu.vector_store %arg5[%swap3A_153], %broadcast_in_dim3A_2 {strides = array<i32>} : memref<10240xf32, #tpu.memory_space<vmem>>, vector<16xf32>,
      %mul3A_155 = arith.constant 256 : i32
      %mul3A_156 = arith.muli %scan3A_71, %mul3A_155 : i32
      %add3A_157 = arith.constant 224 : i32
      %add3A_158 = arith.addi %mul3A_156, %add3A_157 : i32
      %swap3A_159 = arith.index_cast %add3A_158 : i32 to index
      %swap3A_160 = tpu.vector_load %arg5[%swap3A_159] {strides = array<i32>} : memref<10240xf32, #tpu.memory_space<vmem>>, vector<16xf32>,
      tpu.vector_store %arg5[%swap3A_159], %broadcast_in_dim3A_2 {strides = array<i32>} : memref<10240xf32, #tpu.memory_space<vmem>>, vector<16xf32>,
      %mul3A_161 = arith.constant 256 : i32
      %mul3A_162 = arith.muli %scan3A_71, %mul3A_161 : i32
      %add3A_163 = arith.constant 240 : i32
      %add3A_164 = arith.addi %mul3A_162, %add3A_163 : i32
      %swap3A_165 = arith.index_cast %add3A_164 : i32 to index
      %swap3A_166 = tpu.vector_load %arg5[%swap3A_165] {strides = array<i32>} : memref<10240xf32, #tpu.memory_space<vmem>>, vector<16xf32>,
      tpu.vector_store %arg5[%swap3A_165], %broadcast_in_dim3A_2 {strides = array<i32>} : memref<10240xf32, #tpu.memory_space<vmem>>, vector<16xf32>,
    }
    %scan3A_11 = arith.constant 40 : i32
    %scan3A_12 = arith.constant 0 : i32
    %scan3A_13 = arith.constant 0 : i32
    %scan3A_14 = arith.constant 64 : i32
    %scan3A_15 = arith.addi %scan3A_13, %scan3A_14 : i32
    %scan3A_16 = arith.constant 1 : i32
    scf.for %scan3A_71 = %scan3A_13 to %scan3A_15 step %scan3A_16  : i32 {
      %get3A = arith.index_cast %scan3A_71 : i32 to index
      %get3A_72 = arith.constant 0 : index
      %get3A_73 = tpu.vector_load %arg4[%get3A, %get3A_72] {strides = array<i32>} : memref<64x80xi32, #tpu.memory_space<vmem>>, vector<16xi32>,
      tpu.vector_store_idx %arg5[%get3A_73], %broadcast_in_dim3A_0 {add = true} : memref<10240xf32, #tpu.memory_space<vmem>>[vector<16xi32>], vector<16xf32>,
      %get3A_74 = arith.index_cast %scan3A_71 : i32 to index
      %get3A_75 = arith.constant 16 : index
      %get3A_76 = tpu.vector_load %arg4[%get3A_74, %get3A_75] {strides = array<i32>} : memref<64x80xi32, #tpu.memory_space<vmem>>, vector<16xi32>,
      tpu.vector_store_idx %arg5[%get3A_76], %broadcast_in_dim3A_0 {add = true} : memref<10240xf32, #tpu.memory_space<vmem>>[vector<16xi32>], vector<16xf32>,
      %get3A_77 = arith.index_cast %scan3A_71 : i32 to index
      %get3A_78 = arith.constant 32 : index
      %get3A_79 = tpu.vector_load %arg4[%get3A_77, %get3A_78] {strides = array<i32>} : memref<64x80xi32, #tpu.memory_space<vmem>>, vector<16xi32>,
      tpu.vector_store_idx %arg5[%get3A_79], %broadcast_in_dim3A_0 {add = true} : memref<10240xf32, #tpu.memory_space<vmem>>[vector<16xi32>], vector<16xf32>,
      %get3A_80 = arith.index_cast %scan3A_71 : i32 to index
      %get3A_81 = arith.constant 48 : index
      %get3A_82 = tpu.vector_load %arg4[%get3A_80, %get3A_81] {strides = array<i32>} : memref<64x80xi32, #tpu.memory_space<vmem>>, vector<16xi32>,
      tpu.vector_store_idx %arg5[%get3A_82], %broadcast_in_dim3A_0 {add = true} : memref<10240xf32, #tpu.memory_space<vmem>>[vector<16xi32>], vector<16xf32>,
      %get3A_83 = arith.index_cast %scan3A_71 : i32 to index
      %get3A_84 = arith.constant 64 : index
      %get3A_85 = tpu.vector_load %arg4[%get3A_83, %get3A_84] {strides = array<i32>} : memref<64x80xi32, #tpu.memory_space<vmem>>, vector<16xi32>,
      tpu.vector_store_idx %arg5[%get3A_85], %broadcast_in_dim3A_0 {add = true} : memref<10240xf32, #tpu.memory_space<vmem>>[vector<16xi32>], vector<16xf32>,
    }
    %scan3A_17 = arith.constant 64 : i32
    %run_scoped3A_18 = arith.constant 0 : i32
    "tpu.region"() ({
      %run_scoped3A_71 = tpu.sem_alloc : memref<!tpu.dma_semaphore, #tpu.memory_space<semaphore_mem>>
      %dma_start3A = arith.constant 0 : i32
      %dma_start3A_72 = tpu.memref_slice %arg3[%add3A_4, %run_scoped3A_18, %arg1, %dma_start3A] : memref<4x2x16x10240xf32, #tpu.memory_space<hbm>> -> memref<1x1x1x10240xf32, #tpu.memory_space<hbm>>
      %dma_start3A_73 = tpu.memref_squeeze %dma_start3A_72 : memref<1x1x1x10240xf32, #tpu.memory_space<hbm>> -> memref<10240xf32, #tpu.memory_space<hbm>>
      %dma_start3A_74 = arith.constant 0 : i32
      %dma_start3A_75 = tpu.memref_slice %arg3[%add3A_4, %run_scoped3A_18, %arg1, %dma_start3A_74] : memref<4x2x16x10240xf32, #tpu.memory_space<hbm>> -> memref<1x1x1x10240xf32, #tpu.memory_space<hbm>>
      %dma_start3A_76 = tpu.memref_squeeze %dma_start3A_75 : memref<1x1x1x10240xf32, #tpu.memory_space<hbm>> -> memref<10240xf32, #tpu.memory_space<hbm>>
      tpu.enqueue_dma source(%arg5 : memref<10240xf32, #tpu.memory_space<vmem>>) target(%dma_start3A_76 : memref<10240xf32, #tpu.memory_space<hbm>>) target_semaphore(%run_scoped3A_71 : memref<!tpu.dma_semaphore, #tpu.memory_space<semaphore_mem>>)
      %dma_wait3A = arith.constant 0 : i32
      %dma_wait3A_77 = tpu.memref_slice %arg3[%add3A_4, %run_scoped3A_18, %arg1, %dma_wait3A] : memref<4x2x16x10240xf32, #tpu.memory_space<hbm>> -> memref<1x1x1x10240xf32, #tpu.memory_space<hbm>>
      %dma_wait3A_78 = tpu.memref_squeeze %dma_wait3A_77 : memref<1x1x1x10240xf32, #tpu.memory_space<hbm>> -> memref<10240xf32, #tpu.memory_space<hbm>>
      %dma_wait3A_79 = arith.constant 0 : i32
      %dma_wait3A_80 = tpu.memref_slice %arg3[%add3A_4, %run_scoped3A_18, %arg1, %dma_wait3A_79] : memref<4x2x16x10240xf32, #tpu.memory_space<hbm>> -> memref<1x1x1x10240xf32, #tpu.memory_space<hbm>>
      %dma_wait3A_81 = tpu.memref_squeeze %dma_wait3A_80 : memref<1x1x1x10240xf32, #tpu.memory_space<hbm>> -> memref<10240xf32, #tpu.memory_space<hbm>>
      tpu.wait_dma2 semaphore(%run_scoped3A_71 : memref<!tpu.dma_semaphore, #tpu.memory_space<semaphore_mem>>) src(%arg5 : memref<10240xf32, #tpu.memory_space<vmem>>) dst(%dma_wait3A_81 : memref<10240xf32, #tpu.memory_space<hbm>>)
      tpu.yield
    }) : () -> ()
    %mul3A_19 = arith.constant 64 : i32
    %mul3A_20 = arith.muli %arg1, %mul3A_19 : i32
    %run_scoped3A_21 = arith.constant 1 : i32
    "tpu.region"() ({
      %run_scoped3A_71 = tpu.sem_alloc : memref<!tpu.dma_semaphore, #tpu.memory_space<semaphore_mem>>
      %dma_start3A = arith.constant 0 : i32
      %dma_start3A_72 = tpu.memref_slice %arg2[%add3A_4, %run_scoped3A_21, %mul3A_20, %dma_start3A] : memref<4x2x1024x80xi32, #tpu.memory_space<hbm>> -> memref<1x1x64x80xi32, #tpu.memory_space<hbm>>
      %dma_start3A_73 = tpu.memref_squeeze %dma_start3A_72 : memref<1x1x64x80xi32, #tpu.memory_space<hbm>> -> memref<64x80xi32, #tpu.memory_space<hbm>>
      %dma_start3A_74 = arith.constant 0 : i32
      %dma_start3A_75 = tpu.memref_slice %arg2[%add3A_4, %run_scoped3A_21, %mul3A_20, %dma_start3A_74] : memref<4x2x1024x80xi32, #tpu.memory_space<hbm>> -> memref<1x1x64x80xi32, #tpu.memory_space<hbm>>
      %dma_start3A_76 = tpu.memref_squeeze %dma_start3A_75 : memref<1x1x64x80xi32, #tpu.memory_space<hbm>> -> memref<64x80xi32, #tpu.memory_space<hbm>>
      tpu.enqueue_dma source(%dma_start3A_76 : memref<64x80xi32, #tpu.memory_space<hbm>>) target(%arg4 : memref<64x80xi32, #tpu.memory_space<vmem>>) target_semaphore(%run_scoped3A_71 : memref<!tpu.dma_semaphore, #tpu.memory_space<semaphore_mem>>)
      %dma_wait3A = arith.constant 0 : i32
      %dma_wait3A_77 = tpu.memref_slice %arg2[%add3A_4, %run_scoped3A_21, %mul3A_20, %dma_wait3A] : memref<4x2x1024x80xi32, #tpu.memory_space<hbm>> -> memref<1x1x64x80xi32, #tpu.memory_space<hbm>>
      %dma_wait3A_78 = tpu.memref_squeeze %dma_wait3A_77 : memref<1x1x64x80xi32, #tpu.memory_space<hbm>> -> memref<64x80xi32, #tpu.memory_space<hbm>>
      %dma_wait3A_79 = arith.constant 0 : i32
      %dma_wait3A_80 = tpu.memref_slice %arg2[%add3A_4, %run_scoped3A_21, %mul3A_20, %dma_wait3A_79] : memref<4x2x1024x80xi32, #tpu.memory_space<hbm>> -> memref<1x1x64x80xi32, #tpu.memory_space<hbm>>
      %dma_wait3A_81 = tpu.memref_squeeze %dma_wait3A_80 : memref<1x1x64x80xi32, #tpu.memory_space<hbm>> -> memref<64x80xi32, #tpu.memory_space<hbm>>
      tpu.wait_dma2 semaphore(%run_scoped3A_71 : memref<!tpu.dma_semaphore, #tpu.memory_space<semaphore_mem>>) src(%dma_wait3A_81 : memref<64x80xi32, #tpu.memory_space<hbm>>) dst(%arg4 : memref<64x80xi32, #tpu.memory_space<vmem>>)
      tpu.yield
    }) : () -> ()
    %scan3A_22 = arith.constant 0 : i32
    %scan3A_23 = arith.constant 0 : i32
    %scan3A_24 = arith.constant 40 : i32
    %scan3A_25 = arith.addi %scan3A_23, %scan3A_24 : i32
    %scan3A_26 = arith.constant 1 : i32
    scf.for %scan3A_71 = %scan3A_23 to %scan3A_25 step %scan3A_26  : i32 {
      %mul3A_72 = arith.constant 256 : i32
      %mul3A_73 = arith.muli %scan3A_71, %mul3A_72 : i32
      %add3A_74 = arith.constant 0 : i32
      %add3A_75 = arith.addi %mul3A_73, %add3A_74 : i32
      %swap3A = arith.index_cast %add3A_75 : i32 to index
      %swap3A_76 = tpu.vector_load %arg5[%swap3A] {strides = array<i32>} : memref<10240xf32, #tpu.memory_space<vmem>>, vector<16xf32>,
      tpu.vector_store %arg5[%swap3A], %broadcast_in_dim3A_2 {strides = array<i32>} : memref<10240xf32, #tpu.memory_space<vmem>>, vector<16xf32>,
      %mul3A_77 = arith.constant 256 : i32
      %mul3A_78 = arith.muli %scan3A_71, %mul3A_77 : i32
      %add3A_79 = arith.constant 16 : i32
      %add3A_80 = arith.addi %mul3A_78, %add3A_79 : i32
      %swap3A_81 = arith.index_cast %add3A_80 : i32 to index
      %swap3A_82 = tpu.vector_load %arg5[%swap3A_81] {strides = array<i32>} : memref<10240xf32, #tpu.memory_space<vmem>>, vector<16xf32>,
      tpu.vector_store %arg5[%swap3A_81], %broadcast_in_dim3A_2 {strides = array<i32>} : memref<10240xf32, #tpu.memory_space<vmem>>, vector<16xf32>,
      %mul3A_83 = arith.constant 256 : i32
      %mul3A_84 = arith.muli %scan3A_71, %mul3A_83 : i32
      %add3A_85 = arith.constant 32 : i32
      %add3A_86 = arith.addi %mul3A_84, %add3A_85 : i32
      %swap3A_87 = arith.index_cast %add3A_86 : i32 to index
      %swap3A_88 = tpu.vector_load %arg5[%swap3A_87] {strides = array<i32>} : memref<10240xf32, #tpu.memory_space<vmem>>, vector<16xf32>,
      tpu.vector_store %arg5[%swap3A_87], %broadcast_in_dim3A_2 {strides = array<i32>} : memref<10240xf32, #tpu.memory_space<vmem>>, vector<16xf32>,
      %mul3A_89 = arith.constant 256 : i32
      %mul3A_90 = arith.muli %scan3A_71, %mul3A_89 : i32
      %add3A_91 = arith.constant 48 : i32
      %add3A_92 = arith.addi %mul3A_90, %add3A_91 : i32
      %swap3A_93 = arith.index_cast %add3A_92 : i32 to index
      %swap3A_94 = tpu.vector_load %arg5[%swap3A_93] {strides = array<i32>} : memref<10240xf32, #tpu.memory_space<vmem>>, vector<16xf32>,
      tpu.vector_store %arg5[%swap3A_93], %broadcast_in_dim3A_2 {strides = array<i32>} : memref<10240xf32, #tpu.memory_space<vmem>>, vector<16xf32>,
      %mul3A_95 = arith.constant 256 : i32
      %mul3A_96 = arith.muli %scan3A_71, %mul3A_95 : i32
      %add3A_97 = arith.constant 64 : i32
      %add3A_98 = arith.addi %mul3A_96, %add3A_97 : i32
      %swap3A_99 = arith.index_cast %add3A_98 : i32 to index
      %swap3A_100 = tpu.vector_load %arg5[%swap3A_99] {strides = array<i32>} : memref<10240xf32, #tpu.memory_space<vmem>>, vector<16xf32>,
      tpu.vector_store %arg5[%swap3A_99], %broadcast_in_dim3A_2 {strides = array<i32>} : memref<10240xf32, #tpu.memory_space<vmem>>, vector<16xf32>,
      %mul3A_101 = arith.constant 256 : i32
      %mul3A_102 = arith.muli %scan3A_71, %mul3A_101 : i32
      %add3A_103 = arith.constant 80 : i32
      %add3A_104 = arith.addi %mul3A_102, %add3A_103 : i32
      %swap3A_105 = arith.index_cast %add3A_104 : i32 to index
      %swap3A_106 = tpu.vector_load %arg5[%swap3A_105] {strides = array<i32>} : memref<10240xf32, #tpu.memory_space<vmem>>, vector<16xf32>,
      tpu.vector_store %arg5[%swap3A_105], %broadcast_in_dim3A_2 {strides = array<i32>} : memref<10240xf32, #tpu.memory_space<vmem>>, vector<16xf32>,
      %mul3A_107 = arith.constant 256 : i32
      %mul3A_108 = arith.muli %scan3A_71, %mul3A_107 : i32
      %add3A_109 = arith.constant 96 : i32
      %add3A_110 = arith.addi %mul3A_108, %add3A_109 : i32
      %swap3A_111 = arith.index_cast %add3A_110 : i32 to index
      %swap3A_112 = tpu.vector_load %arg5[%swap3A_111] {strides = array<i32>} : memref<10240xf32, #tpu.memory_space<vmem>>, vector<16xf32>,
      tpu.vector_store %arg5[%swap3A_111], %broadcast_in_dim3A_2 {strides = array<i32>} : memref<10240xf32, #tpu.memory_space<vmem>>, vector<16xf32>,
      %mul3A_113 = arith.constant 256 : i32
      %mul3A_114 = arith.muli %scan3A_71, %mul3A_113 : i32
      %add3A_115 = arith.constant 112 : i32
      %add3A_116 = arith.addi %mul3A_114, %add3A_115 : i32
      %swap3A_117 = arith.index_cast %add3A_116 : i32 to index
      %swap3A_118 = tpu.vector_load %arg5[%swap3A_117] {strides = array<i32>} : memref<10240xf32, #tpu.memory_space<vmem>>, vector<16xf32>,
      tpu.vector_store %arg5[%swap3A_117], %broadcast_in_dim3A_2 {strides = array<i32>} : memref<10240xf32, #tpu.memory_space<vmem>>, vector<16xf32>,
      %mul3A_119 = arith.constant 256 : i32
      %mul3A_120 = arith.muli %scan3A_71, %mul3A_119 : i32
      %add3A_121 = arith.constant 128 : i32
      %add3A_122 = arith.addi %mul3A_120, %add3A_121 : i32
      %swap3A_123 = arith.index_cast %add3A_122 : i32 to index
      %swap3A_124 = tpu.vector_load %arg5[%swap3A_123] {strides = array<i32>} : memref<10240xf32, #tpu.memory_space<vmem>>, vector<16xf32>,
      tpu.vector_store %arg5[%swap3A_123], %broadcast_in_dim3A_2 {strides = array<i32>} : memref<10240xf32, #tpu.memory_space<vmem>>, vector<16xf32>,
      %mul3A_125 = arith.constant 256 : i32
      %mul3A_126 = arith.muli %scan3A_71, %mul3A_125 : i32
      %add3A_127 = arith.constant 144 : i32
      %add3A_128 = arith.addi %mul3A_126, %add3A_127 : i32
      %swap3A_129 = arith.index_cast %add3A_128 : i32 to index
      %swap3A_130 = tpu.vector_load %arg5[%swap3A_129] {strides = array<i32>} : memref<10240xf32, #tpu.memory_space<vmem>>, vector<16xf32>,
      tpu.vector_store %arg5[%swap3A_129], %broadcast_in_dim3A_2 {strides = array<i32>} : memref<10240xf32, #tpu.memory_space<vmem>>, vector<16xf32>,
      %mul3A_131 = arith.constant 256 : i32
      %mul3A_132 = arith.muli %scan3A_71, %mul3A_131 : i32
      %add3A_133 = arith.constant 160 : i32
      %add3A_134 = arith.addi %mul3A_132, %add3A_133 : i32
      %swap3A_135 = arith.index_cast %add3A_134 : i32 to index
      %swap3A_136 = tpu.vector_load %arg5[%swap3A_135] {strides = array<i32>} : memref<10240xf32, #tpu.memory_space<vmem>>, vector<16xf32>,
      tpu.vector_store %arg5[%swap3A_135], %broadcast_in_dim3A_2 {strides = array<i32>} : memref<10240xf32, #tpu.memory_space<vmem>>, vector<16xf32>,
      %mul3A_137 = arith.constant 256 : i32
      %mul3A_138 = arith.muli %scan3A_71, %mul3A_137 : i32
      %add3A_139 = arith.constant 176 : i32
      %add3A_140 = arith.addi %mul3A_138, %add3A_139 : i32
      %swap3A_141 = arith.index_cast %add3A_140 : i32 to index
      %swap3A_142 = tpu.vector_load %arg5[%swap3A_141] {strides = array<i32>} : memref<10240xf32, #tpu.memory_space<vmem>>, vector<16xf32>,
      tpu.vector_store %arg5[%swap3A_141], %broadcast_in_dim3A_2 {strides = array<i32>} : memref<10240xf32, #tpu.memory_space<vmem>>, vector<16xf32>,
      %mul3A_143 = arith.constant 256 : i32
      %mul3A_144 = arith.muli %scan3A_71, %mul3A_143 : i32
      %add3A_145 = arith.constant 192 : i32
      %add3A_146 = arith.addi %mul3A_144, %add3A_145 : i32
      %swap3A_147 = arith.index_cast %add3A_146 : i32 to index
      %swap3A_148 = tpu.vector_load %arg5[%swap3A_147] {strides = array<i32>} : memref<10240xf32, #tpu.memory_space<vmem>>, vector<16xf32>,
      tpu.vector_store %arg5[%swap3A_147], %broadcast_in_dim3A_2 {strides = array<i32>} : memref<10240xf32, #tpu.memory_space<vmem>>, vector<16xf32>,
      %mul3A_149 = arith.constant 256 : i32
      %mul3A_150 = arith.muli %scan3A_71, %mul3A_149 : i32
      %add3A_151 = arith.constant 208 : i32
      %add3A_152 = arith.addi %mul3A_150, %add3A_151 : i32
      %swap3A_153 = arith.index_cast %add3A_152 : i32 to index
      %swap3A_154 = tpu.vector_load %arg5[%swap3A_153] {strides = array<i32>} : memref<10240xf32, #tpu.memory_space<vmem>>, vector<16xf32>,
      tpu.vector_store %arg5[%swap3A_153], %broadcast_in_dim3A_2 {strides = array<i32>} : memref<10240xf32, #tpu.memory_space<vmem>>, vector<16xf32>,
      %mul3A_155 = arith.constant 256 : i32
      %mul3A_156 = arith.muli %scan3A_71, %mul3A_155 : i32
      %add3A_157 = arith.constant 224 : i32
      %add3A_158 = arith.addi %mul3A_156, %add3A_157 : i32
      %swap3A_159 = arith.index_cast %add3A_158 : i32 to index
      %swap3A_160 = tpu.vector_load %arg5[%swap3A_159] {strides = array<i32>} : memref<10240xf32, #tpu.memory_space<vmem>>, vector<16xf32>,
      tpu.vector_store %arg5[%swap3A_159], %broadcast_in_dim3A_2 {strides = array<i32>} : memref<10240xf32, #tpu.memory_space<vmem>>, vector<16xf32>,
      %mul3A_161 = arith.constant 256 : i32
      %mul3A_162 = arith.muli %scan3A_71, %mul3A_161 : i32
      %add3A_163 = arith.constant 240 : i32
      %add3A_164 = arith.addi %mul3A_162, %add3A_163 : i32
      %swap3A_165 = arith.index_cast %add3A_164 : i32 to index
      %swap3A_166 = tpu.vector_load %arg5[%swap3A_165] {strides = array<i32>} : memref<10240xf32, #tpu.memory_space<vmem>>, vector<16xf32>,
      tpu.vector_store %arg5[%swap3A_165], %broadcast_in_dim3A_2 {strides = array<i32>} : memref<10240xf32, #tpu.memory_space<vmem>>, vector<16xf32>,
    }
    %scan3A_27 = arith.constant 40 : i32
    %scan3A_28 = arith.constant 0 : i32
    %scan3A_29 = arith.constant 0 : i32
    %scan3A_30 = arith.constant 64 : i32
    %scan3A_31 = arith.addi %scan3A_29, %scan3A_30 : i32
    %scan3A_32 = arith.constant 1 : i32
    scf.for %scan3A_71 = %scan3A_29 to %scan3A_31 step %scan3A_32  : i32 {
      %get3A = arith.index_cast %scan3A_71 : i32 to index
      %get3A_72 = arith.constant 0 : index
      %get3A_73 = tpu.vector_load %arg4[%get3A, %get3A_72] {strides = array<i32>} : memref<64x80xi32, #tpu.memory_space<vmem>>, vector<16xi32>,
      tpu.vector_store_idx %arg5[%get3A_73], %broadcast_in_dim3A_0 {add = true} : memref<10240xf32, #tpu.memory_space<vmem>>[vector<16xi32>], vector<16xf32>,
      %get3A_74 = arith.index_cast %scan3A_71 : i32 to index
      %get3A_75 = arith.constant 16 : index
      %get3A_76 = tpu.vector_load %arg4[%get3A_74, %get3A_75] {strides = array<i32>} : memref<64x80xi32, #tpu.memory_space<vmem>>, vector<16xi32>,
      tpu.vector_store_idx %arg5[%get3A_76], %broadcast_in_dim3A_0 {add = true} : memref<10240xf32, #tpu.memory_space<vmem>>[vector<16xi32>], vector<16xf32>,
      %get3A_77 = arith.index_cast %scan3A_71 : i32 to index
      %get3A_78 = arith.constant 32 : index
      %get3A_79 = tpu.vector_load %arg4[%get3A_77, %get3A_78] {strides = array<i32>} : memref<64x80xi32, #tpu.memory_space<vmem>>, vector<16xi32>,
      tpu.vector_store_idx %arg5[%get3A_79], %broadcast_in_dim3A_0 {add = true} : memref<10240xf32, #tpu.memory_space<vmem>>[vector<16xi32>], vector<16xf32>,
      %get3A_80 = arith.index_cast %scan3A_71 : i32 to index
      %get3A_81 = arith.constant 48 : index
      %get3A_82 = tpu.vector_load %arg4[%get3A_80, %get3A_81] {strides = array<i32>} : memref<64x80xi32, #tpu.memory_space<vmem>>, vector<16xi32>,
      tpu.vector_store_idx %arg5[%get3A_82], %broadcast_in_dim3A_0 {add = true} : memref<10240xf32, #tpu.memory_space<vmem>>[vector<16xi32>], vector<16xf32>,
      %get3A_83 = arith.index_cast %scan3A_71 : i32 to index
      %get3A_84 = arith.constant 64 : index
      %get3A_85 = tpu.vector_load %arg4[%get3A_83, %get3A_84] {strides = array<i32>} : memref<64x80xi32, #tpu.memory_space<vmem>>, vector<16xi32>,
      tpu.vector_store_idx %arg5[%get3A_85], %broadcast_in_dim3A_0 {add = true} : memref<10240xf32, #tpu.memory_space<vmem>>[vector<16xi32>], vector<16xf32>,
    }
    %scan3A_33 = arith.constant 64 : i32
    %run_scoped3A_34 = arith.constant 1 : i32
    "tpu.region"() ({
      %run_scoped3A_71 = tpu.sem_alloc : memref<!tpu.dma_semaphore, #tpu.memory_space<semaphore_mem>>
      %dma_start3A = arith.constant 0 : i32
      %dma_start3A_72 = tpu.memref_slice %arg3[%add3A_4, %run_scoped3A_34, %arg1, %dma_start3A] : memref<4x2x16x10240xf32, #tpu.memory_space<hbm>> -> memref<1x1x1x10240xf32, #tpu.memory_space<hbm>>
      %dma_start3A_73 = tpu.memref_squeeze %dma_start3A_72 : memref<1x1x1x10240xf32, #tpu.memory_space<hbm>> -> memref<10240xf32, #tpu.memory_space<hbm>>
      %dma_start3A_74 = arith.constant 0 : i32
      %dma_start3A_75 = tpu.memref_slice %arg3[%add3A_4, %run_scoped3A_34, %arg1, %dma_start3A_74] : memref<4x2x16x10240xf32, #tpu.memory_space<hbm>> -> memref<1x1x1x10240xf32, #tpu.memory_space<hbm>>
      %dma_start3A_76 = tpu.memref_squeeze %dma_start3A_75 : memref<1x1x1x10240xf32, #tpu.memory_space<hbm>> -> memref<10240xf32, #tpu.memory_space<hbm>>
      tpu.enqueue_dma source(%arg5 : memref<10240xf32, #tpu.memory_space<vmem>>) target(%dma_start3A_76 : memref<10240xf32, #tpu.memory_space<hbm>>) target_semaphore(%run_scoped3A_71 : memref<!tpu.dma_semaphore, #tpu.memory_space<semaphore_mem>>)
      %dma_wait3A = arith.constant 0 : i32
      %dma_wait3A_77 = tpu.memref_slice %arg3[%add3A_4, %run_scoped3A_34, %arg1, %dma_wait3A] : memref<4x2x16x10240xf32, #tpu.memory_space<hbm>> -> memref<1x1x1x10240xf32, #tpu.memory_space<hbm>>
      %dma_wait3A_78 = tpu.memref_squeeze %dma_wait3A_77 : memref<1x1x1x10240xf32, #tpu.memory_space<hbm>> -> memref<10240xf32, #tpu.memory_space<hbm>>
      %dma_wait3A_79 = arith.constant 0 : i32
      %dma_wait3A_80 = tpu.memref_slice %arg3[%add3A_4, %run_scoped3A_34, %arg1, %dma_wait3A_79] : memref<4x2x16x10240xf32, #tpu.memory_space<hbm>> -> memref<1x1x1x10240xf32, #tpu.memory_space<hbm>>
      %dma_wait3A_81 = tpu.memref_squeeze %dma_wait3A_80 : memref<1x1x1x10240xf32, #tpu.memory_space<hbm>> -> memref<10240xf32, #tpu.memory_space<hbm>>
      tpu.wait_dma2 semaphore(%run_scoped3A_71 : memref<!tpu.dma_semaphore, #tpu.memory_space<semaphore_mem>>) src(%arg5 : memref<10240xf32, #tpu.memory_space<vmem>>) dst(%dma_wait3A_81 : memref<10240xf32, #tpu.memory_space<hbm>>)
      tpu.yield
    }) : () -> ()
    %mul3A_35 = arith.constant 2 : i32
    %mul3A_36 = arith.muli %arg0, %mul3A_35 : i32
    %add3A_37 = arith.constant 1 : i32
    %add3A_38 = arith.addi %mul3A_36, %add3A_37 : i32
    %mul3A_39 = arith.constant 64 : i32
    %mul3A_40 = arith.muli %arg1, %mul3A_39 : i32
    %run_scoped3A_41 = arith.constant 0 : i32
    "tpu.region"() ({
      %run_scoped3A_71 = tpu.sem_alloc : memref<!tpu.dma_semaphore, #tpu.memory_space<semaphore_mem>>
      %dma_start3A = arith.constant 0 : i32
      %dma_start3A_72 = tpu.memref_slice %arg2[%add3A_38, %run_scoped3A_41, %mul3A_40, %dma_start3A] : memref<4x2x1024x80xi32, #tpu.memory_space<hbm>> -> memref<1x1x64x80xi32, #tpu.memory_space<hbm>>
      %dma_start3A_73 = tpu.memref_squeeze %dma_start3A_72 : memref<1x1x64x80xi32, #tpu.memory_space<hbm>> -> memref<64x80xi32, #tpu.memory_space<hbm>>
      %dma_start3A_74 = arith.constant 0 : i32
      %dma_start3A_75 = tpu.memref_slice %arg2[%add3A_38, %run_scoped3A_41, %mul3A_40, %dma_start3A_74] : memref<4x2x1024x80xi32, #tpu.memory_space<hbm>> -> memref<1x1x64x80xi32, #tpu.memory_space<hbm>>
      %dma_start3A_76 = tpu.memref_squeeze %dma_start3A_75 : memref<1x1x64x80xi32, #tpu.memory_space<hbm>> -> memref<64x80xi32, #tpu.memory_space<hbm>>
      tpu.enqueue_dma source(%dma_start3A_76 : memref<64x80xi32, #tpu.memory_space<hbm>>) target(%arg4 : memref<64x80xi32, #tpu.memory_space<vmem>>) target_semaphore(%run_scoped3A_71 : memref<!tpu.dma_semaphore, #tpu.memory_space<semaphore_mem>>)
      %dma_wait3A = arith.constant 0 : i32
      %dma_wait3A_77 = tpu.memref_slice %arg2[%add3A_38, %run_scoped3A_41, %mul3A_40, %dma_wait3A] : memref<4x2x1024x80xi32, #tpu.memory_space<hbm>> -> memref<1x1x64x80xi32, #tpu.memory_space<hbm>>
      %dma_wait3A_78 = tpu.memref_squeeze %dma_wait3A_77 : memref<1x1x64x80xi32, #tpu.memory_space<hbm>> -> memref<64x80xi32, #tpu.memory_space<hbm>>
      %dma_wait3A_79 = arith.constant 0 : i32
      %dma_wait3A_80 = tpu.memref_slice %arg2[%add3A_38, %run_scoped3A_41, %mul3A_40, %dma_wait3A_79] : memref<4x2x1024x80xi32, #tpu.memory_space<hbm>> -> memref<1x1x64x80xi32, #tpu.memory_space<hbm>>
      %dma_wait3A_81 = tpu.memref_squeeze %dma_wait3A_80 : memref<1x1x64x80xi32, #tpu.memory_space<hbm>> -> memref<64x80xi32, #tpu.memory_space<hbm>>
      tpu.wait_dma2 semaphore(%run_scoped3A_71 : memref<!tpu.dma_semaphore, #tpu.memory_space<semaphore_mem>>) src(%dma_wait3A_81 : memref<64x80xi32, #tpu.memory_space<hbm>>) dst(%arg4 : memref<64x80xi32, #tpu.memory_space<vmem>>)
      tpu.yield
    }) : () -> ()
    %scan3A_42 = arith.constant 0 : i32
    %scan3A_43 = arith.constant 0 : i32
    %scan3A_44 = arith.constant 40 : i32
    %scan3A_45 = arith.addi %scan3A_43, %scan3A_44 : i32
    %scan3A_46 = arith.constant 1 : i32
    scf.for %scan3A_71 = %scan3A_43 to %scan3A_45 step %scan3A_46  : i32 {
      %mul3A_72 = arith.constant 256 : i32
      %mul3A_73 = arith.muli %scan3A_71, %mul3A_72 : i32
      %add3A_74 = arith.constant 0 : i32
      %add3A_75 = arith.addi %mul3A_73, %add3A_74 : i32
      %swap3A = arith.index_cast %add3A_75 : i32 to index
      %swap3A_76 = tpu.vector_load %arg5[%swap3A] {strides = array<i32>} : memref<10240xf32, #tpu.memory_space<vmem>>, vector<16xf32>,
      tpu.vector_store %arg5[%swap3A], %broadcast_in_dim3A_2 {strides = array<i32>} : memref<10240xf32, #tpu.memory_space<vmem>>, vector<16xf32>,
      %mul3A_77 = arith.constant 256 : i32
      %mul3A_78 = arith.muli %scan3A_71, %mul3A_77 : i32
      %add3A_79 = arith.constant 16 : i32
      %add3A_80 = arith.addi %mul3A_78, %add3A_79 : i32
      %swap3A_81 = arith.index_cast %add3A_80 : i32 to index
      %swap3A_82 = tpu.vector_load %arg5[%swap3A_81] {strides = array<i32>} : memref<10240xf32, #tpu.memory_space<vmem>>, vector<16xf32>,
      tpu.vector_store %arg5[%swap3A_81], %broadcast_in_dim3A_2 {strides = array<i32>} : memref<10240xf32, #tpu.memory_space<vmem>>, vector<16xf32>,
      %mul3A_83 = arith.constant 256 : i32
      %mul3A_84 = arith.muli %scan3A_71, %mul3A_83 : i32
      %add3A_85 = arith.constant 32 : i32
      %add3A_86 = arith.addi %mul3A_84, %add3A_85 : i32
      %swap3A_87 = arith.index_cast %add3A_86 : i32 to index
      %swap3A_88 = tpu.vector_load %arg5[%swap3A_87] {strides = array<i32>} : memref<10240xf32, #tpu.memory_space<vmem>>, vector<16xf32>,
      tpu.vector_store %arg5[%swap3A_87], %broadcast_in_dim3A_2 {strides = array<i32>} : memref<10240xf32, #tpu.memory_space<vmem>>, vector<16xf32>,
      %mul3A_89 = arith.constant 256 : i32
      %mul3A_90 = arith.muli %scan3A_71, %mul3A_89 : i32
      %add3A_91 = arith.constant 48 : i32
      %add3A_92 = arith.addi %mul3A_90, %add3A_91 : i32
      %swap3A_93 = arith.index_cast %add3A_92 : i32 to index
      %swap3A_94 = tpu.vector_load %arg5[%swap3A_93] {strides = array<i32>} : memref<10240xf32, #tpu.memory_space<vmem>>, vector<16xf32>,
      tpu.vector_store %arg5[%swap3A_93], %broadcast_in_dim3A_2 {strides = array<i32>} : memref<10240xf32, #tpu.memory_space<vmem>>, vector<16xf32>,
      %mul3A_95 = arith.constant 256 : i32
      %mul3A_96 = arith.muli %scan3A_71, %mul3A_95 : i32
      %add3A_97 = arith.constant 64 : i32
      %add3A_98 = arith.addi %mul3A_96, %add3A_97 : i32
      %swap3A_99 = arith.index_cast %add3A_98 : i32 to index
      %swap3A_100 = tpu.vector_load %arg5[%swap3A_99] {strides = array<i32>} : memref<10240xf32, #tpu.memory_space<vmem>>, vector<16xf32>,
      tpu.vector_store %arg5[%swap3A_99], %broadcast_in_dim3A_2 {strides = array<i32>} : memref<10240xf32, #tpu.memory_space<vmem>>, vector<16xf32>,
      %mul3A_101 = arith.constant 256 : i32
      %mul3A_102 = arith.muli %scan3A_71, %mul3A_101 : i32
      %add3A_103 = arith.constant 80 : i32
      %add3A_104 = arith.addi %mul3A_102, %add3A_103 : i32
      %swap3A_105 = arith.index_cast %add3A_104 : i32 to index
      %swap3A_106 = tpu.vector_load %arg5[%swap3A_105] {strides = array<i32>} : memref<10240xf32, #tpu.memory_space<vmem>>, vector<16xf32>,
      tpu.vector_store %arg5[%swap3A_105], %broadcast_in_dim3A_2 {strides = array<i32>} : memref<10240xf32, #tpu.memory_space<vmem>>, vector<16xf32>,
      %mul3A_107 = arith.constant 256 : i32
      %mul3A_108 = arith.muli %scan3A_71, %mul3A_107 : i32
      %add3A_109 = arith.constant 96 : i32
      %add3A_110 = arith.addi %mul3A_108, %add3A_109 : i32
      %swap3A_111 = arith.index_cast %add3A_110 : i32 to index
      %swap3A_112 = tpu.vector_load %arg5[%swap3A_111] {strides = array<i32>} : memref<10240xf32, #tpu.memory_space<vmem>>, vector<16xf32>,
      tpu.vector_store %arg5[%swap3A_111], %broadcast_in_dim3A_2 {strides = array<i32>} : memref<10240xf32, #tpu.memory_space<vmem>>, vector<16xf32>,
      %mul3A_113 = arith.constant 256 : i32
      %mul3A_114 = arith.muli %scan3A_71, %mul3A_113 : i32
      %add3A_115 = arith.constant 112 : i32
      %add3A_116 = arith.addi %mul3A_114, %add3A_115 : i32
      %swap3A_117 = arith.index_cast %add3A_116 : i32 to index
      %swap3A_118 = tpu.vector_load %arg5[%swap3A_117] {strides = array<i32>} : memref<10240xf32, #tpu.memory_space<vmem>>, vector<16xf32>,
      tpu.vector_store %arg5[%swap3A_117], %broadcast_in_dim3A_2 {strides = array<i32>} : memref<10240xf32, #tpu.memory_space<vmem>>, vector<16xf32>,
      %mul3A_119 = arith.constant 256 : i32
      %mul3A_120 = arith.muli %scan3A_71, %mul3A_119 : i32
      %add3A_121 = arith.constant 128 : i32
      %add3A_122 = arith.addi %mul3A_120, %add3A_121 : i32
      %swap3A_123 = arith.index_cast %add3A_122 : i32 to index
      %swap3A_124 = tpu.vector_load %arg5[%swap3A_123] {strides = array<i32>} : memref<10240xf32, #tpu.memory_space<vmem>>, vector<16xf32>,
      tpu.vector_store %arg5[%swap3A_123], %broadcast_in_dim3A_2 {strides = array<i32>} : memref<10240xf32, #tpu.memory_space<vmem>>, vector<16xf32>,
      %mul3A_125 = arith.constant 256 : i32
      %mul3A_126 = arith.muli %scan3A_71, %mul3A_125 : i32
      %add3A_127 = arith.constant 144 : i32
      %add3A_128 = arith.addi %mul3A_126, %add3A_127 : i32
      %swap3A_129 = arith.index_cast %add3A_128 : i32 to index
      %swap3A_130 = tpu.vector_load %arg5[%swap3A_129] {strides = array<i32>} : memref<10240xf32, #tpu.memory_space<vmem>>, vector<16xf32>,
      tpu.vector_store %arg5[%swap3A_129], %broadcast_in_dim3A_2 {strides = array<i32>} : memref<10240xf32, #tpu.memory_space<vmem>>, vector<16xf32>,
      %mul3A_131 = arith.constant 256 : i32
      %mul3A_132 = arith.muli %scan3A_71, %mul3A_131 : i32
      %add3A_133 = arith.constant 160 : i32
      %add3A_134 = arith.addi %mul3A_132, %add3A_133 : i32
      %swap3A_135 = arith.index_cast %add3A_134 : i32 to index
      %swap3A_136 = tpu.vector_load %arg5[%swap3A_135] {strides = array<i32>} : memref<10240xf32, #tpu.memory_space<vmem>>, vector<16xf32>,
      tpu.vector_store %arg5[%swap3A_135], %broadcast_in_dim3A_2 {strides = array<i32>} : memref<10240xf32, #tpu.memory_space<vmem>>, vector<16xf32>,
      %mul3A_137 = arith.constant 256 : i32
      %mul3A_138 = arith.muli %scan3A_71, %mul3A_137 : i32
      %add3A_139 = arith.constant 176 : i32
      %add3A_140 = arith.addi %mul3A_138, %add3A_139 : i32
      %swap3A_141 = arith.index_cast %add3A_140 : i32 to index
      %swap3A_142 = tpu.vector_load %arg5[%swap3A_141] {strides = array<i32>} : memref<10240xf32, #tpu.memory_space<vmem>>, vector<16xf32>,
      tpu.vector_store %arg5[%swap3A_141], %broadcast_in_dim3A_2 {strides = array<i32>} : memref<10240xf32, #tpu.memory_space<vmem>>, vector<16xf32>,
      %mul3A_143 = arith.constant 256 : i32
      %mul3A_144 = arith.muli %scan3A_71, %mul3A_143 : i32
      %add3A_145 = arith.constant 192 : i32
      %add3A_146 = arith.addi %mul3A_144, %add3A_145 : i32
      %swap3A_147 = arith.index_cast %add3A_146 : i32 to index
      %swap3A_148 = tpu.vector_load %arg5[%swap3A_147] {strides = array<i32>} : memref<10240xf32, #tpu.memory_space<vmem>>, vector<16xf32>,
      tpu.vector_store %arg5[%swap3A_147], %broadcast_in_dim3A_2 {strides = array<i32>} : memref<10240xf32, #tpu.memory_space<vmem>>, vector<16xf32>,
      %mul3A_149 = arith.constant 256 : i32
      %mul3A_150 = arith.muli %scan3A_71, %mul3A_149 : i32
      %add3A_151 = arith.constant 208 : i32
      %add3A_152 = arith.addi %mul3A_150, %add3A_151 : i32
      %swap3A_153 = arith.index_cast %add3A_152 : i32 to index
      %swap3A_154 = tpu.vector_load %arg5[%swap3A_153] {strides = array<i32>} : memref<10240xf32, #tpu.memory_space<vmem>>, vector<16xf32>,
      tpu.vector_store %arg5[%swap3A_153], %broadcast_in_dim3A_2 {strides = array<i32>} : memref<10240xf32, #tpu.memory_space<vmem>>, vector<16xf32>,
      %mul3A_155 = arith.constant 256 : i32
      %mul3A_156 = arith.muli %scan3A_71, %mul3A_155 : i32
      %add3A_157 = arith.constant 224 : i32
      %add3A_158 = arith.addi %mul3A_156, %add3A_157 : i32
      %swap3A_159 = arith.index_cast %add3A_158 : i32 to index
      %swap3A_160 = tpu.vector_load %arg5[%swap3A_159] {strides = array<i32>} : memref<10240xf32, #tpu.memory_space<vmem>>, vector<16xf32>,
      tpu.vector_store %arg5[%swap3A_159], %broadcast_in_dim3A_2 {strides = array<i32>} : memref<10240xf32, #tpu.memory_space<vmem>>, vector<16xf32>,
      %mul3A_161 = arith.constant 256 : i32
      %mul3A_162 = arith.muli %scan3A_71, %mul3A_161 : i32
      %add3A_163 = arith.constant 240 : i32
      %add3A_164 = arith.addi %mul3A_162, %add3A_163 : i32
      %swap3A_165 = arith.index_cast %add3A_164 : i32 to index
      %swap3A_166 = tpu.vector_load %arg5[%swap3A_165] {strides = array<i32>} : memref<10240xf32, #tpu.memory_space<vmem>>, vector<16xf32>,
      tpu.vector_store %arg5[%swap3A_165], %broadcast_in_dim3A_2 {strides = array<i32>} : memref<10240xf32, #tpu.memory_space<vmem>>, vector<16xf32>,
    }
    %scan3A_47 = arith.constant 40 : i32
    %scan3A_48 = arith.constant 0 : i32
    %scan3A_49 = arith.constant 0 : i32
    %scan3A_50 = arith.constant 64 : i32
    %scan3A_51 = arith.addi %scan3A_49, %scan3A_50 : i32
    %scan3A_52 = arith.constant 1 : i32
    scf.for %scan3A_71 = %scan3A_49 to %scan3A_51 step %scan3A_52  : i32 {
      %get3A = arith.index_cast %scan3A_71 : i32 to index
      %get3A_72 = arith.constant 0 : index
      %get3A_73 = tpu.vector_load %arg4[%get3A, %get3A_72] {strides = array<i32>} : memref<64x80xi32, #tpu.memory_space<vmem>>, vector<16xi32>,
      tpu.vector_store_idx %arg5[%get3A_73], %broadcast_in_dim3A_0 {add = true} : memref<10240xf32, #tpu.memory_space<vmem>>[vector<16xi32>], vector<16xf32>,
      %get3A_74 = arith.index_cast %scan3A_71 : i32 to index
      %get3A_75 = arith.constant 16 : index
      %get3A_76 = tpu.vector_load %arg4[%get3A_74, %get3A_75] {strides = array<i32>} : memref<64x80xi32, #tpu.memory_space<vmem>>, vector<16xi32>,
      tpu.vector_store_idx %arg5[%get3A_76], %broadcast_in_dim3A_0 {add = true} : memref<10240xf32, #tpu.memory_space<vmem>>[vector<16xi32>], vector<16xf32>,
      %get3A_77 = arith.index_cast %scan3A_71 : i32 to index
      %get3A_78 = arith.constant 32 : index
      %get3A_79 = tpu.vector_load %arg4[%get3A_77, %get3A_78] {strides = array<i32>} : memref<64x80xi32, #tpu.memory_space<vmem>>, vector<16xi32>,
      tpu.vector_store_idx %arg5[%get3A_79], %broadcast_in_dim3A_0 {add = true} : memref<10240xf32, #tpu.memory_space<vmem>>[vector<16xi32>], vector<16xf32>,
      %get3A_80 = arith.index_cast %scan3A_71 : i32 to index
      %get3A_81 = arith.constant 48 : index
      %get3A_82 = tpu.vector_load %arg4[%get3A_80, %get3A_81] {strides = array<i32>} : memref<64x80xi32, #tpu.memory_space<vmem>>, vector<16xi32>,
      tpu.vector_store_idx %arg5[%get3A_82], %broadcast_in_dim3A_0 {add = true} : memref<10240xf32, #tpu.memory_space<vmem>>[vector<16xi32>], vector<16xf32>,
      %get3A_83 = arith.index_cast %scan3A_71 : i32 to index
      %get3A_84 = arith.constant 64 : index
      %get3A_85 = tpu.vector_load %arg4[%get3A_83, %get3A_84] {strides = array<i32>} : memref<64x80xi32, #tpu.memory_space<vmem>>, vector<16xi32>,
      tpu.vector_store_idx %arg5[%get3A_85], %broadcast_in_dim3A_0 {add = true} : memref<10240xf32, #tpu.memory_space<vmem>>[vector<16xi32>], vector<16xf32>,
    }
    %scan3A_53 = arith.constant 64 : i32
    %run_scoped3A_54 = arith.constant 0 : i32
    "tpu.region"() ({
      %run_scoped3A_71 = tpu.sem_alloc : memref<!tpu.dma_semaphore, #tpu.memory_space<semaphore_mem>>
      %dma_start3A = arith.constant 0 : i32
      %dma_start3A_72 = tpu.memref_slice %arg3[%add3A_38, %run_scoped3A_54, %arg1, %dma_start3A] : memref<4x2x16x10240xf32, #tpu.memory_space<hbm>> -> memref<1x1x1x10240xf32, #tpu.memory_space<hbm>>
      %dma_start3A_73 = tpu.memref_squeeze %dma_start3A_72 : memref<1x1x1x10240xf32, #tpu.memory_space<hbm>> -> memref<10240xf32, #tpu.memory_space<hbm>>
      %dma_start3A_74 = arith.constant 0 : i32
      %dma_start3A_75 = tpu.memref_slice %arg3[%add3A_38, %run_scoped3A_54, %arg1, %dma_start3A_74] : memref<4x2x16x10240xf32, #tpu.memory_space<hbm>> -> memref<1x1x1x10240xf32, #tpu.memory_space<hbm>>
      %dma_start3A_76 = tpu.memref_squeeze %dma_start3A_75 : memref<1x1x1x10240xf32, #tpu.memory_space<hbm>> -> memref<10240xf32, #tpu.memory_space<hbm>>
      tpu.enqueue_dma source(%arg5 : memref<10240xf32, #tpu.memory_space<vmem>>) target(%dma_start3A_76 : memref<10240xf32, #tpu.memory_space<hbm>>) target_semaphore(%run_scoped3A_71 : memref<!tpu.dma_semaphore, #tpu.memory_space<semaphore_mem>>)
      %dma_wait3A = arith.constant 0 : i32
      %dma_wait3A_77 = tpu.memref_slice %arg3[%add3A_38, %run_scoped3A_54, %arg1, %dma_wait3A] : memref<4x2x16x10240xf32, #tpu.memory_space<hbm>> -> memref<1x1x1x10240xf32, #tpu.memory_space<hbm>>
      %dma_wait3A_78 = tpu.memref_squeeze %dma_wait3A_77 : memref<1x1x1x10240xf32, #tpu.memory_space<hbm>> -> memref<10240xf32, #tpu.memory_space<hbm>>
      %dma_wait3A_79 = arith.constant 0 : i32
      %dma_wait3A_80 = tpu.memref_slice %arg3[%add3A_38, %run_scoped3A_54, %arg1, %dma_wait3A_79] : memref<4x2x16x10240xf32, #tpu.memory_space<hbm>> -> memref<1x1x1x10240xf32, #tpu.memory_space<hbm>>
      %dma_wait3A_81 = tpu.memref_squeeze %dma_wait3A_80 : memref<1x1x1x10240xf32, #tpu.memory_space<hbm>> -> memref<10240xf32, #tpu.memory_space<hbm>>
      tpu.wait_dma2 semaphore(%run_scoped3A_71 : memref<!tpu.dma_semaphore, #tpu.memory_space<semaphore_mem>>) src(%arg5 : memref<10240xf32, #tpu.memory_space<vmem>>) dst(%dma_wait3A_81 : memref<10240xf32, #tpu.memory_space<hbm>>)
      tpu.yield
    }) : () -> ()
    %mul3A_55 = arith.constant 64 : i32
    %mul3A_56 = arith.muli %arg1, %mul3A_55 : i32
    %run_scoped3A_57 = arith.constant 1 : i32
    "tpu.region"() ({
      %run_scoped3A_71 = tpu.sem_alloc : memref<!tpu.dma_semaphore, #tpu.memory_space<semaphore_mem>>
      %dma_start3A = arith.constant 0 : i32
      %dma_start3A_72 = tpu.memref_slice %arg2[%add3A_38, %run_scoped3A_57, %mul3A_56, %dma_start3A] : memref<4x2x1024x80xi32, #tpu.memory_space<hbm>> -> memref<1x1x64x80xi32, #tpu.memory_space<hbm>>
      %dma_start3A_73 = tpu.memref_squeeze %dma_start3A_72 : memref<1x1x64x80xi32, #tpu.memory_space<hbm>> -> memref<64x80xi32, #tpu.memory_space<hbm>>
      %dma_start3A_74 = arith.constant 0 : i32
      %dma_start3A_75 = tpu.memref_slice %arg2[%add3A_38, %run_scoped3A_57, %mul3A_56, %dma_start3A_74] : memref<4x2x1024x80xi32, #tpu.memory_space<hbm>> -> memref<1x1x64x80xi32, #tpu.memory_space<hbm>>
      %dma_start3A_76 = tpu.memref_squeeze %dma_start3A_75 : memref<1x1x64x80xi32, #tpu.memory_space<hbm>> -> memref<64x80xi32, #tpu.memory_space<hbm>>
      tpu.enqueue_dma source(%dma_start3A_76 : memref<64x80xi32, #tpu.memory_space<hbm>>) target(%arg4 : memref<64x80xi32, #tpu.memory_space<vmem>>) target_semaphore(%run_scoped3A_71 : memref<!tpu.dma_semaphore, #tpu.memory_space<semaphore_mem>>)
      %dma_wait3A = arith.constant 0 : i32
      %dma_wait3A_77 = tpu.memref_slice %arg2[%add3A_38, %run_scoped3A_57, %mul3A_56, %dma_wait3A] : memref<4x2x1024x80xi32, #tpu.memory_space<hbm>> -> memref<1x1x64x80xi32, #tpu.memory_space<hbm>>
      %dma_wait3A_78 = tpu.memref_squeeze %dma_wait3A_77 : memref<1x1x64x80xi32, #tpu.memory_space<hbm>> -> memref<64x80xi32, #tpu.memory_space<hbm>>
      %dma_wait3A_79 = arith.constant 0 : i32
      %dma_wait3A_80 = tpu.memref_slice %arg2[%add3A_38, %run_scoped3A_57, %mul3A_56, %dma_wait3A_79] : memref<4x2x1024x80xi32, #tpu.memory_space<hbm>> -> memref<1x1x64x80xi32, #tpu.memory_space<hbm>>
      %dma_wait3A_81 = tpu.memref_squeeze %dma_wait3A_80 : memref<1x1x64x80xi32, #tpu.memory_space<hbm>> -> memref<64x80xi32, #tpu.memory_space<hbm>>
      tpu.wait_dma2 semaphore(%run_scoped3A_71 : memref<!tpu.dma_semaphore, #tpu.memory_space<semaphore_mem>>) src(%dma_wait3A_81 : memref<64x80xi32, #tpu.memory_space<hbm>>) dst(%arg4 : memref<64x80xi32, #tpu.memory_space<vmem>>)
      tpu.yield
    }) : () -> ()
    %scan3A_58 = arith.constant 0 : i32
    %scan3A_59 = arith.constant 0 : i32
    %scan3A_60 = arith.constant 40 : i32
    %scan3A_61 = arith.addi %scan3A_59, %scan3A_60 : i32
    %scan3A_62 = arith.constant 1 : i32
    scf.for %scan3A_71 = %scan3A_59 to %scan3A_61 step %scan3A_62  : i32 {
      %mul3A_72 = arith.constant 256 : i32
      %mul3A_73 = arith.muli %scan3A_71, %mul3A_72 : i32
      %add3A_74 = arith.constant 0 : i32
      %add3A_75 = arith.addi %mul3A_73, %add3A_74 : i32
      %swap3A = arith.index_cast %add3A_75 : i32 to index
      %swap3A_76 = tpu.vector_load %arg5[%swap3A] {strides = array<i32>} : memref<10240xf32, #tpu.memory_space<vmem>>, vector<16xf32>,
      tpu.vector_store %arg5[%swap3A], %broadcast_in_dim3A_2 {strides = array<i32>} : memref<10240xf32, #tpu.memory_space<vmem>>, vector<16xf32>,
      %mul3A_77 = arith.constant 256 : i32
      %mul3A_78 = arith.muli %scan3A_71, %mul3A_77 : i32
      %add3A_79 = arith.constant 16 : i32
      %add3A_80 = arith.addi %mul3A_78, %add3A_79 : i32
      %swap3A_81 = arith.index_cast %add3A_80 : i32 to index
      %swap3A_82 = tpu.vector_load %arg5[%swap3A_81] {strides = array<i32>} : memref<10240xf32, #tpu.memory_space<vmem>>, vector<16xf32>,
      tpu.vector_store %arg5[%swap3A_81], %broadcast_in_dim3A_2 {strides = array<i32>} : memref<10240xf32, #tpu.memory_space<vmem>>, vector<16xf32>,
      %mul3A_83 = arith.constant 256 : i32
      %mul3A_84 = arith.muli %scan3A_71, %mul3A_83 : i32
      %add3A_85 = arith.constant 32 : i32
      %add3A_86 = arith.addi %mul3A_84, %add3A_85 : i32
      %swap3A_87 = arith.index_cast %add3A_86 : i32 to index
      %swap3A_88 = tpu.vector_load %arg5[%swap3A_87] {strides = array<i32>} : memref<10240xf32, #tpu.memory_space<vmem>>, vector<16xf32>,
      tpu.vector_store %arg5[%swap3A_87], %broadcast_in_dim3A_2 {strides = array<i32>} : memref<10240xf32, #tpu.memory_space<vmem>>, vector<16xf32>,
      %mul3A_89 = arith.constant 256 : i32
      %mul3A_90 = arith.muli %scan3A_71, %mul3A_89 : i32
      %add3A_91 = arith.constant 48 : i32
      %add3A_92 = arith.addi %mul3A_90, %add3A_91 : i32
      %swap3A_93 = arith.index_cast %add3A_92 : i32 to index
      %swap3A_94 = tpu.vector_load %arg5[%swap3A_93] {strides = array<i32>} : memref<10240xf32, #tpu.memory_space<vmem>>, vector<16xf32>,
      tpu.vector_store %arg5[%swap3A_93], %broadcast_in_dim3A_2 {strides = array<i32>} : memref<10240xf32, #tpu.memory_space<vmem>>, vector<16xf32>,
      %mul3A_95 = arith.constant 256 : i32
      %mul3A_96 = arith.muli %scan3A_71, %mul3A_95 : i32
      %add3A_97 = arith.constant 64 : i32
      %add3A_98 = arith.addi %mul3A_96, %add3A_97 : i32
      %swap3A_99 = arith.index_cast %add3A_98 : i32 to index
      %swap3A_100 = tpu.vector_load %arg5[%swap3A_99] {strides = array<i32>} : memref<10240xf32, #tpu.memory_space<vmem>>, vector<16xf32>,
      tpu.vector_store %arg5[%swap3A_99], %broadcast_in_dim3A_2 {strides = array<i32>} : memref<10240xf32, #tpu.memory_space<vmem>>, vector<16xf32>,
      %mul3A_101 = arith.constant 256 : i32
      %mul3A_102 = arith.muli %scan3A_71, %mul3A_101 : i32
      %add3A_103 = arith.constant 80 : i32
      %add3A_104 = arith.addi %mul3A_102, %add3A_103 : i32
      %swap3A_105 = arith.index_cast %add3A_104 : i32 to index
      %swap3A_106 = tpu.vector_load %arg5[%swap3A_105] {strides = array<i32>} : memref<10240xf32, #tpu.memory_space<vmem>>, vector<16xf32>,
      tpu.vector_store %arg5[%swap3A_105], %broadcast_in_dim3A_2 {strides = array<i32>} : memref<10240xf32, #tpu.memory_space<vmem>>, vector<16xf32>,
      %mul3A_107 = arith.constant 256 : i32
      %mul3A_108 = arith.muli %scan3A_71, %mul3A_107 : i32
      %add3A_109 = arith.constant 96 : i32
      %add3A_110 = arith.addi %mul3A_108, %add3A_109 : i32
      %swap3A_111 = arith.index_cast %add3A_110 : i32 to index
      %swap3A_112 = tpu.vector_load %arg5[%swap3A_111] {strides = array<i32>} : memref<10240xf32, #tpu.memory_space<vmem>>, vector<16xf32>,
      tpu.vector_store %arg5[%swap3A_111], %broadcast_in_dim3A_2 {strides = array<i32>} : memref<10240xf32, #tpu.memory_space<vmem>>, vector<16xf32>,
      %mul3A_113 = arith.constant 256 : i32
      %mul3A_114 = arith.muli %scan3A_71, %mul3A_113 : i32
      %add3A_115 = arith.constant 112 : i32
      %add3A_116 = arith.addi %mul3A_114, %add3A_115 : i32
      %swap3A_117 = arith.index_cast %add3A_116 : i32 to index
      %swap3A_118 = tpu.vector_load %arg5[%swap3A_117] {strides = array<i32>} : memref<10240xf32, #tpu.memory_space<vmem>>, vector<16xf32>,
      tpu.vector_store %arg5[%swap3A_117], %broadcast_in_dim3A_2 {strides = array<i32>} : memref<10240xf32, #tpu.memory_space<vmem>>, vector<16xf32>,
      %mul3A_119 = arith.constant 256 : i32
      %mul3A_120 = arith.muli %scan3A_71, %mul3A_119 : i32
      %add3A_121 = arith.constant 128 : i32
      %add3A_122 = arith.addi %mul3A_120, %add3A_121 : i32
      %swap3A_123 = arith.index_cast %add3A_122 : i32 to index
      %swap3A_124 = tpu.vector_load %arg5[%swap3A_123] {strides = array<i32>} : memref<10240xf32, #tpu.memory_space<vmem>>, vector<16xf32>,
      tpu.vector_store %arg5[%swap3A_123], %broadcast_in_dim3A_2 {strides = array<i32>} : memref<10240xf32, #tpu.memory_space<vmem>>, vector<16xf32>,
      %mul3A_125 = arith.constant 256 : i32
      %mul3A_126 = arith.muli %scan3A_71, %mul3A_125 : i32
      %add3A_127 = arith.constant 144 : i32
      %add3A_128 = arith.addi %mul3A_126, %add3A_127 : i32
      %swap3A_129 = arith.index_cast %add3A_128 : i32 to index
      %swap3A_130 = tpu.vector_load %arg5[%swap3A_129] {strides = array<i32>} : memref<10240xf32, #tpu.memory_space<vmem>>, vector<16xf32>,
      tpu.vector_store %arg5[%swap3A_129], %broadcast_in_dim3A_2 {strides = array<i32>} : memref<10240xf32, #tpu.memory_space<vmem>>, vector<16xf32>,
      %mul3A_131 = arith.constant 256 : i32
      %mul3A_132 = arith.muli %scan3A_71, %mul3A_131 : i32
      %add3A_133 = arith.constant 160 : i32
      %add3A_134 = arith.addi %mul3A_132, %add3A_133 : i32
      %swap3A_135 = arith.index_cast %add3A_134 : i32 to index
      %swap3A_136 = tpu.vector_load %arg5[%swap3A_135] {strides = array<i32>} : memref<10240xf32, #tpu.memory_space<vmem>>, vector<16xf32>,
      tpu.vector_store %arg5[%swap3A_135], %broadcast_in_dim3A_2 {strides = array<i32>} : memref<10240xf32, #tpu.memory_space<vmem>>, vector<16xf32>,
      %mul3A_137 = arith.constant 256 : i32
      %mul3A_138 = arith.muli %scan3A_71, %mul3A_137 : i32
      %add3A_139 = arith.constant 176 : i32
      %add3A_140 = arith.addi %mul3A_138, %add3A_139 : i32
      %swap3A_141 = arith.index_cast %add3A_140 : i32 to index
      %swap3A_142 = tpu.vector_load %arg5[%swap3A_141] {strides = array<i32>} : memref<10240xf32, #tpu.memory_space<vmem>>, vector<16xf32>,
      tpu.vector_store %arg5[%swap3A_141], %broadcast_in_dim3A_2 {strides = array<i32>} : memref<10240xf32, #tpu.memory_space<vmem>>, vector<16xf32>,
      %mul3A_143 = arith.constant 256 : i32
      %mul3A_144 = arith.muli %scan3A_71, %mul3A_143 : i32
      %add3A_145 = arith.constant 192 : i32
      %add3A_146 = arith.addi %mul3A_144, %add3A_145 : i32
      %swap3A_147 = arith.index_cast %add3A_146 : i32 to index
      %swap3A_148 = tpu.vector_load %arg5[%swap3A_147] {strides = array<i32>} : memref<10240xf32, #tpu.memory_space<vmem>>, vector<16xf32>,
      tpu.vector_store %arg5[%swap3A_147], %broadcast_in_dim3A_2 {strides = array<i32>} : memref<10240xf32, #tpu.memory_space<vmem>>, vector<16xf32>,
      %mul3A_149 = arith.constant 256 : i32
      %mul3A_150 = arith.muli %scan3A_71, %mul3A_149 : i32
      %add3A_151 = arith.constant 208 : i32
      %add3A_152 = arith.addi %mul3A_150, %add3A_151 : i32
      %swap3A_153 = arith.index_cast %add3A_152 : i32 to index
      %swap3A_154 = tpu.vector_load %arg5[%swap3A_153] {strides = array<i32>} : memref<10240xf32, #tpu.memory_space<vmem>>, vector<16xf32>,
      tpu.vector_store %arg5[%swap3A_153], %broadcast_in_dim3A_2 {strides = array<i32>} : memref<10240xf32, #tpu.memory_space<vmem>>, vector<16xf32>,
      %mul3A_155 = arith.constant 256 : i32
      %mul3A_156 = arith.muli %scan3A_71, %mul3A_155 : i32
      %add3A_157 = arith.constant 224 : i32
      %add3A_158 = arith.addi %mul3A_156, %add3A_157 : i32
      %swap3A_159 = arith.index_cast %add3A_158 : i32 to index
      %swap3A_160 = tpu.vector_load %arg5[%swap3A_159] {strides = array<i32>} : memref<10240xf32, #tpu.memory_space<vmem>>, vector<16xf32>,
      tpu.vector_store %arg5[%swap3A_159], %broadcast_in_dim3A_2 {strides = array<i32>} : memref<10240xf32, #tpu.memory_space<vmem>>, vector<16xf32>,
      %mul3A_161 = arith.constant 256 : i32
      %mul3A_162 = arith.muli %scan3A_71, %mul3A_161 : i32
      %add3A_163 = arith.constant 240 : i32
      %add3A_164 = arith.addi %mul3A_162, %add3A_163 : i32
      %swap3A_165 = arith.index_cast %add3A_164 : i32 to index
      %swap3A_166 = tpu.vector_load %arg5[%swap3A_165] {strides = array<i32>} : memref<10240xf32, #tpu.memory_space<vmem>>, vector<16xf32>,
      tpu.vector_store %arg5[%swap3A_165], %broadcast_in_dim3A_2 {strides = array<i32>} : memref<10240xf32, #tpu.memory_space<vmem>>, vector<16xf32>,
    }
    %scan3A_63 = arith.constant 40 : i32
    %scan3A_64 = arith.constant 0 : i32
    %scan3A_65 = arith.constant 0 : i32
    %scan3A_66 = arith.constant 64 : i32
    %scan3A_67 = arith.addi %scan3A_65, %scan3A_66 : i32
    %scan3A_68 = arith.constant 1 : i32
    scf.for %scan3A_71 = %scan3A_65 to %scan3A_67 step %scan3A_68  : i32 {
      %get3A = arith.index_cast %scan3A_71 : i32 to index
      %get3A_72 = arith.constant 0 : index
      %get3A_73 = tpu.vector_load %arg4[%get3A, %get3A_72] {strides = array<i32>} : memref<64x80xi32, #tpu.memory_space<vmem>>, vector<16xi32>,
      tpu.vector_store_idx %arg5[%get3A_73], %broadcast_in_dim3A_0 {add = true} : memref<10240xf32, #tpu.memory_space<vmem>>[vector<16xi32>], vector<16xf32>,
      %get3A_74 = arith.index_cast %scan3A_71 : i32 to index
      %get3A_75 = arith.constant 16 : index
      %get3A_76 = tpu.vector_load %arg4[%get3A_74, %get3A_75] {strides = array<i32>} : memref<64x80xi32, #tpu.memory_space<vmem>>, vector<16xi32>,
      tpu.vector_store_idx %arg5[%get3A_76], %broadcast_in_dim3A_0 {add = true} : memref<10240xf32, #tpu.memory_space<vmem>>[vector<16xi32>], vector<16xf32>,
      %get3A_77 = arith.index_cast %scan3A_71 : i32 to index
      %get3A_78 = arith.constant 32 : index
      %get3A_79 = tpu.vector_load %arg4[%get3A_77, %get3A_78] {strides = array<i32>} : memref<64x80xi32, #tpu.memory_space<vmem>>, vector<16xi32>,
      tpu.vector_store_idx %arg5[%get3A_79], %broadcast_in_dim3A_0 {add = true} : memref<10240xf32, #tpu.memory_space<vmem>>[vector<16xi32>], vector<16xf32>,
      %get3A_80 = arith.index_cast %scan3A_71 : i32 to index
      %get3A_81 = arith.constant 48 : index
      %get3A_82 = tpu.vector_load %arg4[%get3A_80, %get3A_81] {strides = array<i32>} : memref<64x80xi32, #tpu.memory_space<vmem>>, vector<16xi32>,
      tpu.vector_store_idx %arg5[%get3A_82], %broadcast_in_dim3A_0 {add = true} : memref<10240xf32, #tpu.memory_space<vmem>>[vector<16xi32>], vector<16xf32>,
      %get3A_83 = arith.index_cast %scan3A_71 : i32 to index
      %get3A_84 = arith.constant 64 : index
      %get3A_85 = tpu.vector_load %arg4[%get3A_83, %get3A_84] {strides = array<i32>} : memref<64x80xi32, #tpu.memory_space<vmem>>, vector<16xi32>,
      tpu.vector_store_idx %arg5[%get3A_85], %broadcast_in_dim3A_0 {add = true} : memref<10240xf32, #tpu.memory_space<vmem>>[vector<16xi32>], vector<16xf32>,
    }
    %scan3A_69 = arith.constant 64 : i32
    %run_scoped3A_70 = arith.constant 1 : i32
    "tpu.region"() ({
      %run_scoped3A_71 = tpu.sem_alloc : memref<!tpu.dma_semaphore, #tpu.memory_space<semaphore_mem>>
      %dma_start3A = arith.constant 0 : i32
      %dma_start3A_72 = tpu.memref_slice %arg3[%add3A_38, %run_scoped3A_70, %arg1, %dma_start3A] : memref<4x2x16x10240xf32, #tpu.memory_space<hbm>> -> memref<1x1x1x10240xf32, #tpu.memory_space<hbm>>
      %dma_start3A_73 = tpu.memref_squeeze %dma_start3A_72 : memref<1x1x1x10240xf32, #tpu.memory_space<hbm>> -> memref<10240xf32, #tpu.memory_space<hbm>>
      %dma_start3A_74 = arith.constant 0 : i32
      %dma_start3A_75 = tpu.memref_slice %arg3[%add3A_38, %run_scoped3A_70, %arg1, %dma_start3A_74] : memref<4x2x16x10240xf32, #tpu.memory_space<hbm>> -> memref<1x1x1x10240xf32, #tpu.memory_space<hbm>>
      %dma_start3A_76 = tpu.memref_squeeze %dma_start3A_75 : memref<1x1x1x10240xf32, #tpu.memory_space<hbm>> -> memref<10240xf32, #tpu.memory_space<hbm>>
      tpu.enqueue_dma source(%arg5 : memref<10240xf32, #tpu.memory_space<vmem>>) target(%dma_start3A_76 : memref<10240xf32, #tpu.memory_space<hbm>>) target_semaphore(%run_scoped3A_71 : memref<!tpu.dma_semaphore, #tpu.memory_space<semaphore_mem>>)
      %dma_wait3A = arith.constant 0 : i32
      %dma_wait3A_77 = tpu.memref_slice %arg3[%add3A_38, %run_scoped3A_70, %arg1, %dma_wait3A] : memref<4x2x16x10240xf32, #tpu.memory_space<hbm>> -> memref<1x1x1x10240xf32, #tpu.memory_space<hbm>>
      %dma_wait3A_78 = tpu.memref_squeeze %dma_wait3A_77 : memref<1x1x1x10240xf32, #tpu.memory_space<hbm>> -> memref<10240xf32, #tpu.memory_space<hbm>>
      %dma_wait3A_79 = arith.constant 0 : i32
      %dma_wait3A_80 = tpu.memref_slice %arg3[%add3A_38, %run_scoped3A_70, %arg1, %dma_wait3A_79] : memref<4x2x16x10240xf32, #tpu.memory_space<hbm>> -> memref<1x1x1x10240xf32, #tpu.memory_space<hbm>>
      %dma_wait3A_81 = tpu.memref_squeeze %dma_wait3A_80 : memref<1x1x1x10240xf32, #tpu.memory_space<hbm>> -> memref<10240xf32, #tpu.memory_space<hbm>>
      tpu.wait_dma2 semaphore(%run_scoped3A_71 : memref<!tpu.dma_semaphore, #tpu.memory_space<semaphore_mem>>) src(%arg5 : memref<10240xf32, #tpu.memory_space<vmem>>) dst(%dma_wait3A_81 : memref<10240xf32, #tpu.memory_space<hbm>>)
      tpu.yield
    }) : () -> ()
    return
  }
}

#map = affine_map<(d0, d1) -> (0, 0)>
#map1 = affine_map<(d0, d1) -> (0, 0, 0)>
module attributes {stable_mosaic.version = 14 : i64} {
  func.func @_edge_kernel(%arg0: i32, %arg1: i32, %arg2: memref<40960x128xf32, #tpu.memory_space<hbm>>, %arg3: memref<4x1024x80xi32, #tpu.memory_space<hbm>>, %arg4: memref<4x1024x80xi32, #tpu.memory_space<hbm>>, %arg5: memref<4x10240x128xf32, #tpu.memory_space<hbm>>, %arg6: memref<66x80xi32, #tpu.memory_space<vmem>>, %arg7: memref<64x80xi32, #tpu.memory_space<vmem>>, %arg8: memref<80x128xf32, #tpu.memory_space<vmem>>, %arg9: memref<80x128xf32, #tpu.memory_space<vmem>>, %arg10: memref<80x128xf32, #tpu.memory_space<vmem>>, %arg11: memref<10240x128xf32, #tpu.memory_space<vmem_shared>>, %arg12: memref<!tpu.dma_semaphore, #tpu.memory_space<semaphore_mem>>, %arg13: memref<!tpu.dma_semaphore, #tpu.memory_space<semaphore_mem>>, %arg14: memref<!tpu.dma_semaphore, #tpu.memory_space<semaphore_mem>>, %arg15: memref<!tpu.dma_semaphore, #tpu.memory_space<semaphore_mem>>, %arg16: memref<!tpu.dma_semaphore, #tpu.memory_space<semaphore_mem>>, %arg17: memref<!tpu.dma_semaphore, #tpu.memory_space<semaphore_mem>>) attributes {dimension_semantics = [#tpu.dimension_semantics<core_parallel>, #tpu.dimension_semantics<subcore_parallel>], iteration_bounds = array<i64: 2, 16>, scalar_prefetch = 0 : i64, scratch_operands = 12 : i64, tpu.core_type = #tpu.core_type<sc_vector_subcore>, window_params = [{transform_indices = #map}, {transform_indices = #map1}, {transform_indices = #map1}, {transform_indices = #map1}]} {
    %broadcast_in_dim3A = arith.constant 0.000000e+00 : f32
    %broadcast_in_dim3A_0 = vector.broadcast %broadcast_in_dim3A : f32 to vector<16xf32>
    %mul3A = arith.constant 2 : i32
    %mul3A_1 = arith.muli %arg0, %mul3A : i32
    %add3A = arith.constant 0 : i32
    %add3A_2 = arith.addi %mul3A_1, %add3A : i32
    %mul3A_3 = arith.constant 10240 : i32
    %mul3A_4 = arith.muli %add3A_2, %mul3A_3 : i32
    %scan3A = arith.constant 0 : i32
    %scan3A_5 = arith.constant 0 : i32
    %scan3A_6 = arith.constant 80 : i32
    %scan3A_7 = arith.addi %scan3A_5, %scan3A_6 : i32
    %scan3A_8 = arith.constant 1 : i32
    scf.for %scan3A_557 = %scan3A_5 to %scan3A_7 step %scan3A_8  : i32 {
      %swap3A_558 = arith.index_cast %scan3A_557 : i32 to index
      %swap3A_559 = arith.constant 0 : index
      %swap3A_560 = tpu.vector_load %arg8[%swap3A_558, %swap3A_559] {strides = array<i32>} : memref<80x128xf32, #tpu.memory_space<vmem>>, vector<16xf32>,
      tpu.vector_store %arg8[%swap3A_558, %swap3A_559], %broadcast_in_dim3A_0 {strides = array<i32>} : memref<80x128xf32, #tpu.memory_space<vmem>>, vector<16xf32>,
      %swap3A_561 = arith.index_cast %scan3A_557 : i32 to index
      %swap3A_562 = arith.constant 16 : index
      %swap3A_563 = tpu.vector_load %arg8[%swap3A_561, %swap3A_562] {strides = array<i32>} : memref<80x128xf32, #tpu.memory_space<vmem>>, vector<16xf32>,
      tpu.vector_store %arg8[%swap3A_561, %swap3A_562], %broadcast_in_dim3A_0 {strides = array<i32>} : memref<80x128xf32, #tpu.memory_space<vmem>>, vector<16xf32>,
      %swap3A_564 = arith.index_cast %scan3A_557 : i32 to index
      %swap3A_565 = arith.constant 32 : index
      %swap3A_566 = tpu.vector_load %arg8[%swap3A_564, %swap3A_565] {strides = array<i32>} : memref<80x128xf32, #tpu.memory_space<vmem>>, vector<16xf32>,
      tpu.vector_store %arg8[%swap3A_564, %swap3A_565], %broadcast_in_dim3A_0 {strides = array<i32>} : memref<80x128xf32, #tpu.memory_space<vmem>>, vector<16xf32>,
      %swap3A_567 = arith.index_cast %scan3A_557 : i32 to index
      %swap3A_568 = arith.constant 48 : index
      %swap3A_569 = tpu.vector_load %arg8[%swap3A_567, %swap3A_568] {strides = array<i32>} : memref<80x128xf32, #tpu.memory_space<vmem>>, vector<16xf32>,
      tpu.vector_store %arg8[%swap3A_567, %swap3A_568], %broadcast_in_dim3A_0 {strides = array<i32>} : memref<80x128xf32, #tpu.memory_space<vmem>>, vector<16xf32>,
      %swap3A_570 = arith.index_cast %scan3A_557 : i32 to index
      %swap3A_571 = arith.constant 64 : index
      %swap3A_572 = tpu.vector_load %arg8[%swap3A_570, %swap3A_571] {strides = array<i32>} : memref<80x128xf32, #tpu.memory_space<vmem>>, vector<16xf32>,
      tpu.vector_store %arg8[%swap3A_570, %swap3A_571], %broadcast_in_dim3A_0 {strides = array<i32>} : memref<80x128xf32, #tpu.memory_space<vmem>>, vector<16xf32>,
      %swap3A_573 = arith.index_cast %scan3A_557 : i32 to index
      %swap3A_574 = arith.constant 80 : index
      %swap3A_575 = tpu.vector_load %arg8[%swap3A_573, %swap3A_574] {strides = array<i32>} : memref<80x128xf32, #tpu.memory_space<vmem>>, vector<16xf32>,
      tpu.vector_store %arg8[%swap3A_573, %swap3A_574], %broadcast_in_dim3A_0 {strides = array<i32>} : memref<80x128xf32, #tpu.memory_space<vmem>>, vector<16xf32>,
      %swap3A_576 = arith.index_cast %scan3A_557 : i32 to index
      %swap3A_577 = arith.constant 96 : index
      %swap3A_578 = tpu.vector_load %arg8[%swap3A_576, %swap3A_577] {strides = array<i32>} : memref<80x128xf32, #tpu.memory_space<vmem>>, vector<16xf32>,
      tpu.vector_store %arg8[%swap3A_576, %swap3A_577], %broadcast_in_dim3A_0 {strides = array<i32>} : memref<80x128xf32, #tpu.memory_space<vmem>>, vector<16xf32>,
      %swap3A_579 = arith.index_cast %scan3A_557 : i32 to index
      %swap3A_580 = arith.constant 112 : index
      %swap3A_581 = tpu.vector_load %arg8[%swap3A_579, %swap3A_580] {strides = array<i32>} : memref<80x128xf32, #tpu.memory_space<vmem>>, vector<16xf32>,
      tpu.vector_store %arg8[%swap3A_579, %swap3A_580], %broadcast_in_dim3A_0 {strides = array<i32>} : memref<80x128xf32, #tpu.memory_space<vmem>>, vector<16xf32>,
    }
    %scan3A_9 = arith.constant 80 : i32
    %mul3A_10 = arith.constant 640 : i32
    %mul3A_11 = arith.muli %arg1, %mul3A_10 : i32
    %add3A_12 = arith.constant 0 : i32
    %add3A_13 = arith.addi %mul3A_11, %add3A_12 : i32
    "tpu.region"() ({
      %run_scoped3A = tpu.sem_alloc : memref<!tpu.dma_semaphore, #tpu.memory_space<semaphore_mem>>
      %dma_start3A_557 = arith.constant 0 : i32
      %dma_start3A_558 = tpu.memref_slice %arg11[%add3A_13, %dma_start3A_557] : memref<10240x128xf32, #tpu.memory_space<vmem_shared>> -> memref<80x128xf32, #tpu.memory_space<vmem_shared>>
      %dma_start3A_559 = arith.constant 0 : i32
      %dma_start3A_560 = tpu.memref_slice %arg11[%add3A_13, %dma_start3A_559] : memref<10240x128xf32, #tpu.memory_space<vmem_shared>> -> memref<80x128xf32, #tpu.memory_space<vmem_shared>>
      tpu.enqueue_dma source(%arg8 : memref<80x128xf32, #tpu.memory_space<vmem>>) target(%dma_start3A_560 : memref<80x128xf32, #tpu.memory_space<vmem_shared>>) target_semaphore(%run_scoped3A : memref<!tpu.dma_semaphore, #tpu.memory_space<semaphore_mem>>)
      %dma_wait3A_561 = arith.constant 0 : i32
      %dma_wait3A_562 = tpu.memref_slice %arg11[%add3A_13, %dma_wait3A_561] : memref<10240x128xf32, #tpu.memory_space<vmem_shared>> -> memref<80x128xf32, #tpu.memory_space<vmem_shared>>
      %dma_wait3A_563 = arith.constant 0 : i32
      %dma_wait3A_564 = tpu.memref_slice %arg11[%add3A_13, %dma_wait3A_563] : memref<10240x128xf32, #tpu.memory_space<vmem_shared>> -> memref<80x128xf32, #tpu.memory_space<vmem_shared>>
      tpu.wait_dma2 semaphore(%run_scoped3A : memref<!tpu.dma_semaphore, #tpu.memory_space<semaphore_mem>>) src(%arg8 : memref<80x128xf32, #tpu.memory_space<vmem>>) dst(%dma_wait3A_564 : memref<80x128xf32, #tpu.memory_space<vmem_shared>>)
      tpu.yield
    }) : () -> ()
    %mul3A_14 = arith.constant 640 : i32
    %mul3A_15 = arith.muli %arg1, %mul3A_14 : i32
    %add3A_16 = arith.constant 80 : i32
    %add3A_17 = arith.addi %mul3A_15, %add3A_16 : i32
    "tpu.region"() ({
      %run_scoped3A = tpu.sem_alloc : memref<!tpu.dma_semaphore, #tpu.memory_space<semaphore_mem>>
      %dma_start3A_557 = arith.constant 0 : i32
      %dma_start3A_558 = tpu.memref_slice %arg11[%add3A_17, %dma_start3A_557] : memref<10240x128xf32, #tpu.memory_space<vmem_shared>> -> memref<80x128xf32, #tpu.memory_space<vmem_shared>>
      %dma_start3A_559 = arith.constant 0 : i32
      %dma_start3A_560 = tpu.memref_slice %arg11[%add3A_17, %dma_start3A_559] : memref<10240x128xf32, #tpu.memory_space<vmem_shared>> -> memref<80x128xf32, #tpu.memory_space<vmem_shared>>
      tpu.enqueue_dma source(%arg8 : memref<80x128xf32, #tpu.memory_space<vmem>>) target(%dma_start3A_560 : memref<80x128xf32, #tpu.memory_space<vmem_shared>>) target_semaphore(%run_scoped3A : memref<!tpu.dma_semaphore, #tpu.memory_space<semaphore_mem>>)
      %dma_wait3A_561 = arith.constant 0 : i32
      %dma_wait3A_562 = tpu.memref_slice %arg11[%add3A_17, %dma_wait3A_561] : memref<10240x128xf32, #tpu.memory_space<vmem_shared>> -> memref<80x128xf32, #tpu.memory_space<vmem_shared>>
      %dma_wait3A_563 = arith.constant 0 : i32
      %dma_wait3A_564 = tpu.memref_slice %arg11[%add3A_17, %dma_wait3A_563] : memref<10240x128xf32, #tpu.memory_space<vmem_shared>> -> memref<80x128xf32, #tpu.memory_space<vmem_shared>>
      tpu.wait_dma2 semaphore(%run_scoped3A : memref<!tpu.dma_semaphore, #tpu.memory_space<semaphore_mem>>) src(%arg8 : memref<80x128xf32, #tpu.memory_space<vmem>>) dst(%dma_wait3A_564 : memref<80x128xf32, #tpu.memory_space<vmem_shared>>)
      tpu.yield
    }) : () -> ()
    %mul3A_18 = arith.constant 640 : i32
    %mul3A_19 = arith.muli %arg1, %mul3A_18 : i32
    %add3A_20 = arith.constant 160 : i32
    %add3A_21 = arith.addi %mul3A_19, %add3A_20 : i32
    "tpu.region"() ({
      %run_scoped3A = tpu.sem_alloc : memref<!tpu.dma_semaphore, #tpu.memory_space<semaphore_mem>>
      %dma_start3A_557 = arith.constant 0 : i32
      %dma_start3A_558 = tpu.memref_slice %arg11[%add3A_21, %dma_start3A_557] : memref<10240x128xf32, #tpu.memory_space<vmem_shared>> -> memref<80x128xf32, #tpu.memory_space<vmem_shared>>
      %dma_start3A_559 = arith.constant 0 : i32
      %dma_start3A_560 = tpu.memref_slice %arg11[%add3A_21, %dma_start3A_559] : memref<10240x128xf32, #tpu.memory_space<vmem_shared>> -> memref<80x128xf32, #tpu.memory_space<vmem_shared>>
      tpu.enqueue_dma source(%arg8 : memref<80x128xf32, #tpu.memory_space<vmem>>) target(%dma_start3A_560 : memref<80x128xf32, #tpu.memory_space<vmem_shared>>) target_semaphore(%run_scoped3A : memref<!tpu.dma_semaphore, #tpu.memory_space<semaphore_mem>>)
      %dma_wait3A_561 = arith.constant 0 : i32
      %dma_wait3A_562 = tpu.memref_slice %arg11[%add3A_21, %dma_wait3A_561] : memref<10240x128xf32, #tpu.memory_space<vmem_shared>> -> memref<80x128xf32, #tpu.memory_space<vmem_shared>>
      %dma_wait3A_563 = arith.constant 0 : i32
      %dma_wait3A_564 = tpu.memref_slice %arg11[%add3A_21, %dma_wait3A_563] : memref<10240x128xf32, #tpu.memory_space<vmem_shared>> -> memref<80x128xf32, #tpu.memory_space<vmem_shared>>
      tpu.wait_dma2 semaphore(%run_scoped3A : memref<!tpu.dma_semaphore, #tpu.memory_space<semaphore_mem>>) src(%arg8 : memref<80x128xf32, #tpu.memory_space<vmem>>) dst(%dma_wait3A_564 : memref<80x128xf32, #tpu.memory_space<vmem_shared>>)
      tpu.yield
    }) : () -> ()
    %mul3A_22 = arith.constant 640 : i32
    %mul3A_23 = arith.muli %arg1, %mul3A_22 : i32
    %add3A_24 = arith.constant 240 : i32
    %add3A_25 = arith.addi %mul3A_23, %add3A_24 : i32
    "tpu.region"() ({
      %run_scoped3A = tpu.sem_alloc : memref<!tpu.dma_semaphore, #tpu.memory_space<semaphore_mem>>
      %dma_start3A_557 = arith.constant 0 : i32
      %dma_start3A_558 = tpu.memref_slice %arg11[%add3A_25, %dma_start3A_557] : memref<10240x128xf32, #tpu.memory_space<vmem_shared>> -> memref<80x128xf32, #tpu.memory_space<vmem_shared>>
      %dma_start3A_559 = arith.constant 0 : i32
      %dma_start3A_560 = tpu.memref_slice %arg11[%add3A_25, %dma_start3A_559] : memref<10240x128xf32, #tpu.memory_space<vmem_shared>> -> memref<80x128xf32, #tpu.memory_space<vmem_shared>>
      tpu.enqueue_dma source(%arg8 : memref<80x128xf32, #tpu.memory_space<vmem>>) target(%dma_start3A_560 : memref<80x128xf32, #tpu.memory_space<vmem_shared>>) target_semaphore(%run_scoped3A : memref<!tpu.dma_semaphore, #tpu.memory_space<semaphore_mem>>)
      %dma_wait3A_561 = arith.constant 0 : i32
      %dma_wait3A_562 = tpu.memref_slice %arg11[%add3A_25, %dma_wait3A_561] : memref<10240x128xf32, #tpu.memory_space<vmem_shared>> -> memref<80x128xf32, #tpu.memory_space<vmem_shared>>
      %dma_wait3A_563 = arith.constant 0 : i32
      %dma_wait3A_564 = tpu.memref_slice %arg11[%add3A_25, %dma_wait3A_563] : memref<10240x128xf32, #tpu.memory_space<vmem_shared>> -> memref<80x128xf32, #tpu.memory_space<vmem_shared>>
      tpu.wait_dma2 semaphore(%run_scoped3A : memref<!tpu.dma_semaphore, #tpu.memory_space<semaphore_mem>>) src(%arg8 : memref<80x128xf32, #tpu.memory_space<vmem>>) dst(%dma_wait3A_564 : memref<80x128xf32, #tpu.memory_space<vmem_shared>>)
      tpu.yield
    }) : () -> ()
    %mul3A_26 = arith.constant 640 : i32
    %mul3A_27 = arith.muli %arg1, %mul3A_26 : i32
    %add3A_28 = arith.constant 320 : i32
    %add3A_29 = arith.addi %mul3A_27, %add3A_28 : i32
    "tpu.region"() ({
      %run_scoped3A = tpu.sem_alloc : memref<!tpu.dma_semaphore, #tpu.memory_space<semaphore_mem>>
      %dma_start3A_557 = arith.constant 0 : i32
      %dma_start3A_558 = tpu.memref_slice %arg11[%add3A_29, %dma_start3A_557] : memref<10240x128xf32, #tpu.memory_space<vmem_shared>> -> memref<80x128xf32, #tpu.memory_space<vmem_shared>>
      %dma_start3A_559 = arith.constant 0 : i32
      %dma_start3A_560 = tpu.memref_slice %arg11[%add3A_29, %dma_start3A_559] : memref<10240x128xf32, #tpu.memory_space<vmem_shared>> -> memref<80x128xf32, #tpu.memory_space<vmem_shared>>
      tpu.enqueue_dma source(%arg8 : memref<80x128xf32, #tpu.memory_space<vmem>>) target(%dma_start3A_560 : memref<80x128xf32, #tpu.memory_space<vmem_shared>>) target_semaphore(%run_scoped3A : memref<!tpu.dma_semaphore, #tpu.memory_space<semaphore_mem>>)
      %dma_wait3A_561 = arith.constant 0 : i32
      %dma_wait3A_562 = tpu.memref_slice %arg11[%add3A_29, %dma_wait3A_561] : memref<10240x128xf32, #tpu.memory_space<vmem_shared>> -> memref<80x128xf32, #tpu.memory_space<vmem_shared>>
      %dma_wait3A_563 = arith.constant 0 : i32
      %dma_wait3A_564 = tpu.memref_slice %arg11[%add3A_29, %dma_wait3A_563] : memref<10240x128xf32, #tpu.memory_space<vmem_shared>> -> memref<80x128xf32, #tpu.memory_space<vmem_shared>>
      tpu.wait_dma2 semaphore(%run_scoped3A : memref<!tpu.dma_semaphore, #tpu.memory_space<semaphore_mem>>) src(%arg8 : memref<80x128xf32, #tpu.memory_space<vmem>>) dst(%dma_wait3A_564 : memref<80x128xf32, #tpu.memory_space<vmem_shared>>)
      tpu.yield
    }) : () -> ()
    %mul3A_30 = arith.constant 640 : i32
    %mul3A_31 = arith.muli %arg1, %mul3A_30 : i32
    %add3A_32 = arith.constant 400 : i32
    %add3A_33 = arith.addi %mul3A_31, %add3A_32 : i32
    "tpu.region"() ({
      %run_scoped3A = tpu.sem_alloc : memref<!tpu.dma_semaphore, #tpu.memory_space<semaphore_mem>>
      %dma_start3A_557 = arith.constant 0 : i32
      %dma_start3A_558 = tpu.memref_slice %arg11[%add3A_33, %dma_start3A_557] : memref<10240x128xf32, #tpu.memory_space<vmem_shared>> -> memref<80x128xf32, #tpu.memory_space<vmem_shared>>
      %dma_start3A_559 = arith.constant 0 : i32
      %dma_start3A_560 = tpu.memref_slice %arg11[%add3A_33, %dma_start3A_559] : memref<10240x128xf32, #tpu.memory_space<vmem_shared>> -> memref<80x128xf32, #tpu.memory_space<vmem_shared>>
      tpu.enqueue_dma source(%arg8 : memref<80x128xf32, #tpu.memory_space<vmem>>) target(%dma_start3A_560 : memref<80x128xf32, #tpu.memory_space<vmem_shared>>) target_semaphore(%run_scoped3A : memref<!tpu.dma_semaphore, #tpu.memory_space<semaphore_mem>>)
      %dma_wait3A_561 = arith.constant 0 : i32
      %dma_wait3A_562 = tpu.memref_slice %arg11[%add3A_33, %dma_wait3A_561] : memref<10240x128xf32, #tpu.memory_space<vmem_shared>> -> memref<80x128xf32, #tpu.memory_space<vmem_shared>>
      %dma_wait3A_563 = arith.constant 0 : i32
      %dma_wait3A_564 = tpu.memref_slice %arg11[%add3A_33, %dma_wait3A_563] : memref<10240x128xf32, #tpu.memory_space<vmem_shared>> -> memref<80x128xf32, #tpu.memory_space<vmem_shared>>
      tpu.wait_dma2 semaphore(%run_scoped3A : memref<!tpu.dma_semaphore, #tpu.memory_space<semaphore_mem>>) src(%arg8 : memref<80x128xf32, #tpu.memory_space<vmem>>) dst(%dma_wait3A_564 : memref<80x128xf32, #tpu.memory_space<vmem_shared>>)
      tpu.yield
    }) : () -> ()
    %mul3A_34 = arith.constant 640 : i32
    %mul3A_35 = arith.muli %arg1, %mul3A_34 : i32
    %add3A_36 = arith.constant 480 : i32
    %add3A_37 = arith.addi %mul3A_35, %add3A_36 : i32
    "tpu.region"() ({
      %run_scoped3A = tpu.sem_alloc : memref<!tpu.dma_semaphore, #tpu.memory_space<semaphore_mem>>
      %dma_start3A_557 = arith.constant 0 : i32
      %dma_start3A_558 = tpu.memref_slice %arg11[%add3A_37, %dma_start3A_557] : memref<10240x128xf32, #tpu.memory_space<vmem_shared>> -> memref<80x128xf32, #tpu.memory_space<vmem_shared>>
      %dma_start3A_559 = arith.constant 0 : i32
      %dma_start3A_560 = tpu.memref_slice %arg11[%add3A_37, %dma_start3A_559] : memref<10240x128xf32, #tpu.memory_space<vmem_shared>> -> memref<80x128xf32, #tpu.memory_space<vmem_shared>>
      tpu.enqueue_dma source(%arg8 : memref<80x128xf32, #tpu.memory_space<vmem>>) target(%dma_start3A_560 : memref<80x128xf32, #tpu.memory_space<vmem_shared>>) target_semaphore(%run_scoped3A : memref<!tpu.dma_semaphore, #tpu.memory_space<semaphore_mem>>)
      %dma_wait3A_561 = arith.constant 0 : i32
      %dma_wait3A_562 = tpu.memref_slice %arg11[%add3A_37, %dma_wait3A_561] : memref<10240x128xf32, #tpu.memory_space<vmem_shared>> -> memref<80x128xf32, #tpu.memory_space<vmem_shared>>
      %dma_wait3A_563 = arith.constant 0 : i32
      %dma_wait3A_564 = tpu.memref_slice %arg11[%add3A_37, %dma_wait3A_563] : memref<10240x128xf32, #tpu.memory_space<vmem_shared>> -> memref<80x128xf32, #tpu.memory_space<vmem_shared>>
      tpu.wait_dma2 semaphore(%run_scoped3A : memref<!tpu.dma_semaphore, #tpu.memory_space<semaphore_mem>>) src(%arg8 : memref<80x128xf32, #tpu.memory_space<vmem>>) dst(%dma_wait3A_564 : memref<80x128xf32, #tpu.memory_space<vmem_shared>>)
      tpu.yield
    }) : () -> ()
    %mul3A_38 = arith.constant 640 : i32
    %mul3A_39 = arith.muli %arg1, %mul3A_38 : i32
    %add3A_40 = arith.constant 560 : i32
    %add3A_41 = arith.addi %mul3A_39, %add3A_40 : i32
    "tpu.region"() ({
      %run_scoped3A = tpu.sem_alloc : memref<!tpu.dma_semaphore, #tpu.memory_space<semaphore_mem>>
      %dma_start3A_557 = arith.constant 0 : i32
      %dma_start3A_558 = tpu.memref_slice %arg11[%add3A_41, %dma_start3A_557] : memref<10240x128xf32, #tpu.memory_space<vmem_shared>> -> memref<80x128xf32, #tpu.memory_space<vmem_shared>>
      %dma_start3A_559 = arith.constant 0 : i32
      %dma_start3A_560 = tpu.memref_slice %arg11[%add3A_41, %dma_start3A_559] : memref<10240x128xf32, #tpu.memory_space<vmem_shared>> -> memref<80x128xf32, #tpu.memory_space<vmem_shared>>
      tpu.enqueue_dma source(%arg8 : memref<80x128xf32, #tpu.memory_space<vmem>>) target(%dma_start3A_560 : memref<80x128xf32, #tpu.memory_space<vmem_shared>>) target_semaphore(%run_scoped3A : memref<!tpu.dma_semaphore, #tpu.memory_space<semaphore_mem>>)
      %dma_wait3A_561 = arith.constant 0 : i32
      %dma_wait3A_562 = tpu.memref_slice %arg11[%add3A_41, %dma_wait3A_561] : memref<10240x128xf32, #tpu.memory_space<vmem_shared>> -> memref<80x128xf32, #tpu.memory_space<vmem_shared>>
      %dma_wait3A_563 = arith.constant 0 : i32
      %dma_wait3A_564 = tpu.memref_slice %arg11[%add3A_41, %dma_wait3A_563] : memref<10240x128xf32, #tpu.memory_space<vmem_shared>> -> memref<80x128xf32, #tpu.memory_space<vmem_shared>>
      tpu.wait_dma2 semaphore(%run_scoped3A : memref<!tpu.dma_semaphore, #tpu.memory_space<semaphore_mem>>) src(%arg8 : memref<80x128xf32, #tpu.memory_space<vmem>>) dst(%dma_wait3A_564 : memref<80x128xf32, #tpu.memory_space<vmem_shared>>)
      tpu.yield
    }) : () -> ()
    %barrier3A = arith.constant 0 : index
    tpu.barrier barrier_id(%barrier3A)
    %mul3A_42 = arith.constant 64 : i32
    %mul3A_43 = arith.muli %arg1, %mul3A_42 : i32
    "tpu.region"() ({
      %run_scoped3A = tpu.sem_alloc : memref<!tpu.dma_semaphore, #tpu.memory_space<semaphore_mem>>
      %dma_start3A_557 = arith.constant 0 : i32
      %dma_start3A_558 = arith.constant 0 : i32
      %dma_start3A_559 = tpu.memref_slice %arg6[%dma_start3A_557, %dma_start3A_558] : memref<66x80xi32, #tpu.memory_space<vmem>> -> memref<64x80xi32, #tpu.memory_space<vmem>>
      %dma_start3A_560 = arith.constant 0 : i32
      %dma_start3A_561 = tpu.memref_slice %arg3[%add3A_2, %mul3A_43, %dma_start3A_560] : memref<4x1024x80xi32, #tpu.memory_space<hbm>> -> memref<1x64x80xi32, #tpu.memory_space<hbm>>
      %dma_start3A_562 = tpu.memref_squeeze %dma_start3A_561 : memref<1x64x80xi32, #tpu.memory_space<hbm>> -> memref<64x80xi32, #tpu.memory_space<hbm>>
      %dma_start3A_563 = arith.constant 0 : i32
      %dma_start3A_564 = arith.constant 0 : i32
      %dma_start3A_565 = tpu.memref_slice %arg6[%dma_start3A_563, %dma_start3A_564] : memref<66x80xi32, #tpu.memory_space<vmem>> -> memref<64x80xi32, #tpu.memory_space<vmem>>
      %dma_start3A_566 = arith.constant 0 : i32
      %dma_start3A_567 = tpu.memref_slice %arg3[%add3A_2, %mul3A_43, %dma_start3A_566] : memref<4x1024x80xi32, #tpu.memory_space<hbm>> -> memref<1x64x80xi32, #tpu.memory_space<hbm>>
      %dma_start3A_568 = tpu.memref_squeeze %dma_start3A_567 : memref<1x64x80xi32, #tpu.memory_space<hbm>> -> memref<64x80xi32, #tpu.memory_space<hbm>>
      tpu.enqueue_dma source(%dma_start3A_568 : memref<64x80xi32, #tpu.memory_space<hbm>>) target(%dma_start3A_565 : memref<64x80xi32, #tpu.memory_space<vmem>>) target_semaphore(%run_scoped3A : memref<!tpu.dma_semaphore, #tpu.memory_space<semaphore_mem>>)
      %dma_wait3A_569 = arith.constant 0 : i32
      %dma_wait3A_570 = arith.constant 0 : i32
      %dma_wait3A_571 = tpu.memref_slice %arg6[%dma_wait3A_569, %dma_wait3A_570] : memref<66x80xi32, #tpu.memory_space<vmem>> -> memref<64x80xi32, #tpu.memory_space<vmem>>
      %dma_wait3A_572 = arith.constant 0 : i32
      %dma_wait3A_573 = tpu.memref_slice %arg3[%add3A_2, %mul3A_43, %dma_wait3A_572] : memref<4x1024x80xi32, #tpu.memory_space<hbm>> -> memref<1x64x80xi32, #tpu.memory_space<hbm>>
      %dma_wait3A_574 = tpu.memref_squeeze %dma_wait3A_573 : memref<1x64x80xi32, #tpu.memory_space<hbm>> -> memref<64x80xi32, #tpu.memory_space<hbm>>
      %dma_wait3A_575 = arith.constant 0 : i32
      %dma_wait3A_576 = arith.constant 0 : i32
      %dma_wait3A_577 = tpu.memref_slice %arg6[%dma_wait3A_575, %dma_wait3A_576] : memref<66x80xi32, #tpu.memory_space<vmem>> -> memref<64x80xi32, #tpu.memory_space<vmem>>
      %dma_wait3A_578 = arith.constant 0 : i32
      %dma_wait3A_579 = tpu.memref_slice %arg3[%add3A_2, %mul3A_43, %dma_wait3A_578] : memref<4x1024x80xi32, #tpu.memory_space<hbm>> -> memref<1x64x80xi32, #tpu.memory_space<hbm>>
      %dma_wait3A_580 = tpu.memref_squeeze %dma_wait3A_579 : memref<1x64x80xi32, #tpu.memory_space<hbm>> -> memref<64x80xi32, #tpu.memory_space<hbm>>
      tpu.wait_dma2 semaphore(%run_scoped3A : memref<!tpu.dma_semaphore, #tpu.memory_space<semaphore_mem>>) src(%dma_wait3A_580 : memref<64x80xi32, #tpu.memory_space<hbm>>) dst(%dma_wait3A_577 : memref<64x80xi32, #tpu.memory_space<vmem>>)
      tpu.yield
    }) : () -> ()
    %mul3A_44 = arith.constant 64 : i32
    %mul3A_45 = arith.muli %arg1, %mul3A_44 : i32
    "tpu.region"() ({
      %run_scoped3A = tpu.sem_alloc : memref<!tpu.dma_semaphore, #tpu.memory_space<semaphore_mem>>
      %dma_start3A_557 = arith.constant 0 : i32
      %dma_start3A_558 = tpu.memref_slice %arg4[%add3A_2, %mul3A_45, %dma_start3A_557] : memref<4x1024x80xi32, #tpu.memory_space<hbm>> -> memref<1x64x80xi32, #tpu.memory_space<hbm>>
      %dma_start3A_559 = tpu.memref_squeeze %dma_start3A_558 : memref<1x64x80xi32, #tpu.memory_space<hbm>> -> memref<64x80xi32, #tpu.memory_space<hbm>>
      %dma_start3A_560 = arith.constant 0 : i32
      %dma_start3A_561 = tpu.memref_slice %arg4[%add3A_2, %mul3A_45, %dma_start3A_560] : memref<4x1024x80xi32, #tpu.memory_space<hbm>> -> memref<1x64x80xi32, #tpu.memory_space<hbm>>
      %dma_start3A_562 = tpu.memref_squeeze %dma_start3A_561 : memref<1x64x80xi32, #tpu.memory_space<hbm>> -> memref<64x80xi32, #tpu.memory_space<hbm>>
      tpu.enqueue_dma source(%dma_start3A_562 : memref<64x80xi32, #tpu.memory_space<hbm>>) target(%arg7 : memref<64x80xi32, #tpu.memory_space<vmem>>) target_semaphore(%run_scoped3A : memref<!tpu.dma_semaphore, #tpu.memory_space<semaphore_mem>>)
      %dma_wait3A_563 = arith.constant 0 : i32
      %dma_wait3A_564 = tpu.memref_slice %arg4[%add3A_2, %mul3A_45, %dma_wait3A_563] : memref<4x1024x80xi32, #tpu.memory_space<hbm>> -> memref<1x64x80xi32, #tpu.memory_space<hbm>>
      %dma_wait3A_565 = tpu.memref_squeeze %dma_wait3A_564 : memref<1x64x80xi32, #tpu.memory_space<hbm>> -> memref<64x80xi32, #tpu.memory_space<hbm>>
      %dma_wait3A_566 = arith.constant 0 : i32
      %dma_wait3A_567 = tpu.memref_slice %arg4[%add3A_2, %mul3A_45, %dma_wait3A_566] : memref<4x1024x80xi32, #tpu.memory_space<hbm>> -> memref<1x64x80xi32, #tpu.memory_space<hbm>>
      %dma_wait3A_568 = tpu.memref_squeeze %dma_wait3A_567 : memref<1x64x80xi32, #tpu.memory_space<hbm>> -> memref<64x80xi32, #tpu.memory_space<hbm>>
      tpu.wait_dma2 semaphore(%run_scoped3A : memref<!tpu.dma_semaphore, #tpu.memory_space<semaphore_mem>>) src(%dma_wait3A_568 : memref<64x80xi32, #tpu.memory_space<hbm>>) dst(%arg7 : memref<64x80xi32, #tpu.memory_space<vmem>>)
      tpu.yield
    }) : () -> ()
    %scan3A_46 = arith.constant 0 : i32
    %scan3A_47 = arith.constant 0 : i32
    %scan3A_48 = arith.constant 64 : i32
    %scan3A_49 = arith.addi %scan3A_47, %scan3A_48 : i32
    %scan3A_50 = arith.constant 1 : i32
    scf.for %scan3A_557 = %scan3A_47 to %scan3A_49 step %scan3A_50  : i32 {
      %get3A = arith.index_cast %scan3A_557 : i32 to index
      %get3A_558 = arith.constant 0 : index
      %get3A_559 = tpu.vector_load %arg6[%get3A, %get3A_558] {strides = array<i32>} : memref<66x80xi32, #tpu.memory_space<vmem>>, vector<16xi32>,
      %add3A_560 = vector.broadcast %mul3A_4 : i32 to vector<16xi32>
      %add3A_561 = arith.addi %get3A_559, %add3A_560 : vector<16xi32>
      %swap3A_562 = arith.index_cast %scan3A_557 : i32 to index
      %swap3A_563 = arith.constant 0 : index
      %swap3A_564 = tpu.vector_load %arg6[%swap3A_562, %swap3A_563] {strides = array<i32>} : memref<66x80xi32, #tpu.memory_space<vmem>>, vector<16xi32>,
      tpu.vector_store %arg6[%swap3A_562, %swap3A_563], %add3A_561 {strides = array<i32>} : memref<66x80xi32, #tpu.memory_space<vmem>>, vector<16xi32>,
      %get3A_565 = arith.index_cast %scan3A_557 : i32 to index
      %get3A_566 = arith.constant 16 : index
      %get3A_567 = tpu.vector_load %arg6[%get3A_565, %get3A_566] {strides = array<i32>} : memref<66x80xi32, #tpu.memory_space<vmem>>, vector<16xi32>,
      %add3A_568 = vector.broadcast %mul3A_4 : i32 to vector<16xi32>
      %add3A_569 = arith.addi %get3A_567, %add3A_568 : vector<16xi32>
      %swap3A_570 = arith.index_cast %scan3A_557 : i32 to index
      %swap3A_571 = arith.constant 16 : index
      %swap3A_572 = tpu.vector_load %arg6[%swap3A_570, %swap3A_571] {strides = array<i32>} : memref<66x80xi32, #tpu.memory_space<vmem>>, vector<16xi32>,
      tpu.vector_store %arg6[%swap3A_570, %swap3A_571], %add3A_569 {strides = array<i32>} : memref<66x80xi32, #tpu.memory_space<vmem>>, vector<16xi32>,
      %get3A_573 = arith.index_cast %scan3A_557 : i32 to index
      %get3A_574 = arith.constant 32 : index
      %get3A_575 = tpu.vector_load %arg6[%get3A_573, %get3A_574] {strides = array<i32>} : memref<66x80xi32, #tpu.memory_space<vmem>>, vector<16xi32>,
      %add3A_576 = vector.broadcast %mul3A_4 : i32 to vector<16xi32>
      %add3A_577 = arith.addi %get3A_575, %add3A_576 : vector<16xi32>
      %swap3A_578 = arith.index_cast %scan3A_557 : i32 to index
      %swap3A_579 = arith.constant 32 : index
      %swap3A_580 = tpu.vector_load %arg6[%swap3A_578, %swap3A_579] {strides = array<i32>} : memref<66x80xi32, #tpu.memory_space<vmem>>, vector<16xi32>,
      tpu.vector_store %arg6[%swap3A_578, %swap3A_579], %add3A_577 {strides = array<i32>} : memref<66x80xi32, #tpu.memory_space<vmem>>, vector<16xi32>,
      %get3A_581 = arith.index_cast %scan3A_557 : i32 to index
      %get3A_582 = arith.constant 48 : index
      %get3A_583 = tpu.vector_load %arg6[%get3A_581, %get3A_582] {strides = array<i32>} : memref<66x80xi32, #tpu.memory_space<vmem>>, vector<16xi32>,
      %add3A_584 = vector.broadcast %mul3A_4 : i32 to vector<16xi32>
      %add3A_585 = arith.addi %get3A_583, %add3A_584 : vector<16xi32>
      %swap3A_586 = arith.index_cast %scan3A_557 : i32 to index
      %swap3A_587 = arith.constant 48 : index
      %swap3A_588 = tpu.vector_load %arg6[%swap3A_586, %swap3A_587] {strides = array<i32>} : memref<66x80xi32, #tpu.memory_space<vmem>>, vector<16xi32>,
      tpu.vector_store %arg6[%swap3A_586, %swap3A_587], %add3A_585 {strides = array<i32>} : memref<66x80xi32, #tpu.memory_space<vmem>>, vector<16xi32>,
      %get3A_589 = arith.index_cast %scan3A_557 : i32 to index
      %get3A_590 = arith.constant 64 : index
      %get3A_591 = tpu.vector_load %arg6[%get3A_589, %get3A_590] {strides = array<i32>} : memref<66x80xi32, #tpu.memory_space<vmem>>, vector<16xi32>,
      %add3A_592 = vector.broadcast %mul3A_4 : i32 to vector<16xi32>
      %add3A_593 = arith.addi %get3A_591, %add3A_592 : vector<16xi32>
      %swap3A_594 = arith.index_cast %scan3A_557 : i32 to index
      %swap3A_595 = arith.constant 64 : index
      %swap3A_596 = tpu.vector_load %arg6[%swap3A_594, %swap3A_595] {strides = array<i32>} : memref<66x80xi32, #tpu.memory_space<vmem>>, vector<16xi32>,
      tpu.vector_store %arg6[%swap3A_594, %swap3A_595], %add3A_593 {strides = array<i32>} : memref<66x80xi32, #tpu.memory_space<vmem>>, vector<16xi32>,
    }
    %scan3A_51 = arith.constant 64 : i32
    %add3A_52 = arith.constant 10000 : i32
    %add3A_53 = arith.addi %mul3A_4, %add3A_52 : i32
    %iota3A = tpu.iota {dimensions = array<i32: 0>} : vector<16xi32>
    %add3A_54 = vector.broadcast %add3A_53 : i32 to vector<16xi32>
    %add3A_55 = arith.addi %add3A_54, %iota3A : vector<16xi32>
    %add3A_56 = arith.constant 0 : i32
    %add3A_57 = vector.broadcast %add3A_56 : i32 to vector<16xi32>
    %add3A_58 = arith.addi %add3A_55, %add3A_57 : vector<16xi32>
    %swap3A = arith.constant 64 : i32
    %swap3A_59 = arith.index_cast %swap3A : i32 to index
    %swap3A_60 = arith.constant 0 : index
    %swap3A_61 = tpu.vector_load %arg6[%swap3A_59, %swap3A_60] {strides = array<i32>} : memref<66x80xi32, #tpu.memory_space<vmem>>, vector<16xi32>,
    tpu.vector_store %arg6[%swap3A_59, %swap3A_60], %add3A_58 {strides = array<i32>} : memref<66x80xi32, #tpu.memory_space<vmem>>, vector<16xi32>,
    %add3A_62 = arith.constant 16 : i32
    %add3A_63 = vector.broadcast %add3A_62 : i32 to vector<16xi32>
    %add3A_64 = arith.addi %add3A_55, %add3A_63 : vector<16xi32>
    %swap3A_65 = arith.constant 64 : i32
    %swap3A_66 = arith.index_cast %swap3A_65 : i32 to index
    %swap3A_67 = arith.constant 16 : index
    %swap3A_68 = tpu.vector_load %arg6[%swap3A_66, %swap3A_67] {strides = array<i32>} : memref<66x80xi32, #tpu.memory_space<vmem>>, vector<16xi32>,
    tpu.vector_store %arg6[%swap3A_66, %swap3A_67], %add3A_64 {strides = array<i32>} : memref<66x80xi32, #tpu.memory_space<vmem>>, vector<16xi32>,
    %add3A_69 = arith.constant 32 : i32
    %add3A_70 = vector.broadcast %add3A_69 : i32 to vector<16xi32>
    %add3A_71 = arith.addi %add3A_55, %add3A_70 : vector<16xi32>
    %swap3A_72 = arith.constant 64 : i32
    %swap3A_73 = arith.index_cast %swap3A_72 : i32 to index
    %swap3A_74 = arith.constant 32 : index
    %swap3A_75 = tpu.vector_load %arg6[%swap3A_73, %swap3A_74] {strides = array<i32>} : memref<66x80xi32, #tpu.memory_space<vmem>>, vector<16xi32>,
    tpu.vector_store %arg6[%swap3A_73, %swap3A_74], %add3A_71 {strides = array<i32>} : memref<66x80xi32, #tpu.memory_space<vmem>>, vector<16xi32>,
    %add3A_76 = arith.constant 48 : i32
    %add3A_77 = vector.broadcast %add3A_76 : i32 to vector<16xi32>
    %add3A_78 = arith.addi %add3A_55, %add3A_77 : vector<16xi32>
    %swap3A_79 = arith.constant 64 : i32
    %swap3A_80 = arith.index_cast %swap3A_79 : i32 to index
    %swap3A_81 = arith.constant 48 : index
    %swap3A_82 = tpu.vector_load %arg6[%swap3A_80, %swap3A_81] {strides = array<i32>} : memref<66x80xi32, #tpu.memory_space<vmem>>, vector<16xi32>,
    tpu.vector_store %arg6[%swap3A_80, %swap3A_81], %add3A_78 {strides = array<i32>} : memref<66x80xi32, #tpu.memory_space<vmem>>, vector<16xi32>,
    %add3A_83 = arith.constant 64 : i32
    %add3A_84 = vector.broadcast %add3A_83 : i32 to vector<16xi32>
    %add3A_85 = arith.addi %add3A_55, %add3A_84 : vector<16xi32>
    %swap3A_86 = arith.constant 64 : i32
    %swap3A_87 = arith.index_cast %swap3A_86 : i32 to index
    %swap3A_88 = arith.constant 64 : index
    %swap3A_89 = tpu.vector_load %arg6[%swap3A_87, %swap3A_88] {strides = array<i32>} : memref<66x80xi32, #tpu.memory_space<vmem>>, vector<16xi32>,
    tpu.vector_store %arg6[%swap3A_87, %swap3A_88], %add3A_85 {strides = array<i32>} : memref<66x80xi32, #tpu.memory_space<vmem>>, vector<16xi32>,
    %add3A_90 = arith.constant 0 : i32
    %add3A_91 = vector.broadcast %add3A_90 : i32 to vector<16xi32>
    %add3A_92 = arith.addi %add3A_55, %add3A_91 : vector<16xi32>
    %swap3A_93 = arith.constant 65 : i32
    %swap3A_94 = arith.index_cast %swap3A_93 : i32 to index
    %swap3A_95 = arith.constant 0 : index
    %swap3A_96 = tpu.vector_load %arg6[%swap3A_94, %swap3A_95] {strides = array<i32>} : memref<66x80xi32, #tpu.memory_space<vmem>>, vector<16xi32>,
    tpu.vector_store %arg6[%swap3A_94, %swap3A_95], %add3A_92 {strides = array<i32>} : memref<66x80xi32, #tpu.memory_space<vmem>>, vector<16xi32>,
    %add3A_97 = arith.constant 16 : i32
    %add3A_98 = vector.broadcast %add3A_97 : i32 to vector<16xi32>
    %add3A_99 = arith.addi %add3A_55, %add3A_98 : vector<16xi32>
    %swap3A_100 = arith.constant 65 : i32
    %swap3A_101 = arith.index_cast %swap3A_100 : i32 to index
    %swap3A_102 = arith.constant 16 : index
    %swap3A_103 = tpu.vector_load %arg6[%swap3A_101, %swap3A_102] {strides = array<i32>} : memref<66x80xi32, #tpu.memory_space<vmem>>, vector<16xi32>,
    tpu.vector_store %arg6[%swap3A_101, %swap3A_102], %add3A_99 {strides = array<i32>} : memref<66x80xi32, #tpu.memory_space<vmem>>, vector<16xi32>,
    %add3A_104 = arith.constant 32 : i32
    %add3A_105 = vector.broadcast %add3A_104 : i32 to vector<16xi32>
    %add3A_106 = arith.addi %add3A_55, %add3A_105 : vector<16xi32>
    %swap3A_107 = arith.constant 65 : i32
    %swap3A_108 = arith.index_cast %swap3A_107 : i32 to index
    %swap3A_109 = arith.constant 32 : index
    %swap3A_110 = tpu.vector_load %arg6[%swap3A_108, %swap3A_109] {strides = array<i32>} : memref<66x80xi32, #tpu.memory_space<vmem>>, vector<16xi32>,
    tpu.vector_store %arg6[%swap3A_108, %swap3A_109], %add3A_106 {strides = array<i32>} : memref<66x80xi32, #tpu.memory_space<vmem>>, vector<16xi32>,
    %add3A_111 = arith.constant 48 : i32
    %add3A_112 = vector.broadcast %add3A_111 : i32 to vector<16xi32>
    %add3A_113 = arith.addi %add3A_55, %add3A_112 : vector<16xi32>
    %swap3A_114 = arith.constant 65 : i32
    %swap3A_115 = arith.index_cast %swap3A_114 : i32 to index
    %swap3A_116 = arith.constant 48 : index
    %swap3A_117 = tpu.vector_load %arg6[%swap3A_115, %swap3A_116] {strides = array<i32>} : memref<66x80xi32, #tpu.memory_space<vmem>>, vector<16xi32>,
    tpu.vector_store %arg6[%swap3A_115, %swap3A_116], %add3A_113 {strides = array<i32>} : memref<66x80xi32, #tpu.memory_space<vmem>>, vector<16xi32>,
    %add3A_118 = arith.constant 64 : i32
    %add3A_119 = vector.broadcast %add3A_118 : i32 to vector<16xi32>
    %add3A_120 = arith.addi %add3A_55, %add3A_119 : vector<16xi32>
    %swap3A_121 = arith.constant 65 : i32
    %swap3A_122 = arith.index_cast %swap3A_121 : i32 to index
    %swap3A_123 = arith.constant 64 : index
    %swap3A_124 = tpu.vector_load %arg6[%swap3A_122, %swap3A_123] {strides = array<i32>} : memref<66x80xi32, #tpu.memory_space<vmem>>, vector<16xi32>,
    tpu.vector_store %arg6[%swap3A_122, %swap3A_123], %add3A_120 {strides = array<i32>} : memref<66x80xi32, #tpu.memory_space<vmem>>, vector<16xi32>,
    %dma_start3A = arith.constant 0 : i32
    %dma_start3A_125 = arith.constant 0 : i32
    %dma_start3A_126 = tpu.memref_slice %arg6[%dma_start3A, %dma_start3A_125] : memref<66x80xi32, #tpu.memory_space<vmem>> -> memref<1x80xi32, #tpu.memory_space<vmem>>
    %dma_start3A_127 = tpu.memref_squeeze %dma_start3A_126 : memref<1x80xi32, #tpu.memory_space<vmem>> -> memref<80xi32, #tpu.memory_space<vmem>>
    %dma_start3A_128 = arith.constant 0 : i32
    %dma_start3A_129 = arith.constant 0 : i32
    %dma_start3A_130 = tpu.memref_slice %arg2[%dma_start3A_128, %dma_start3A_129] : memref<40960x128xf32, #tpu.memory_space<hbm>> -> memref<40960x128xf32, #tpu.memory_space<hbm>>
    tpu.enqueue_indirect_dma source(%dma_start3A_130 : memref<40960x128xf32, #tpu.memory_space<hbm>>) target(%arg8 : memref<80x128xf32, #tpu.memory_space<vmem>>) offsets(%dma_start3A_127 : memref<80xi32, #tpu.memory_space<vmem>>) semaphore(%arg12 : memref<!tpu.dma_semaphore, #tpu.memory_space<semaphore_mem>>)
    %dma_start3A_131 = arith.constant 1 : i32
    %dma_start3A_132 = arith.constant 0 : i32
    %dma_start3A_133 = tpu.memref_slice %arg6[%dma_start3A_131, %dma_start3A_132] : memref<66x80xi32, #tpu.memory_space<vmem>> -> memref<1x80xi32, #tpu.memory_space<vmem>>
    %dma_start3A_134 = tpu.memref_squeeze %dma_start3A_133 : memref<1x80xi32, #tpu.memory_space<vmem>> -> memref<80xi32, #tpu.memory_space<vmem>>
    %dma_start3A_135 = arith.constant 0 : i32
    %dma_start3A_136 = arith.constant 0 : i32
    %dma_start3A_137 = tpu.memref_slice %arg2[%dma_start3A_135, %dma_start3A_136] : memref<40960x128xf32, #tpu.memory_space<hbm>> -> memref<40960x128xf32, #tpu.memory_space<hbm>>
    tpu.enqueue_indirect_dma source(%dma_start3A_137 : memref<40960x128xf32, #tpu.memory_space<hbm>>) target(%arg9 : memref<80x128xf32, #tpu.memory_space<vmem>>) offsets(%dma_start3A_134 : memref<80xi32, #tpu.memory_space<vmem>>) semaphore(%arg13 : memref<!tpu.dma_semaphore, #tpu.memory_space<semaphore_mem>>)
    %dma_wait3A = arith.constant 0 : i32
    %dma_wait3A_138 = arith.constant 0 : i32
    %dma_wait3A_139 = tpu.memref_slice %arg6[%dma_wait3A, %dma_wait3A_138] : memref<66x80xi32, #tpu.memory_space<vmem>> -> memref<1x80xi32, #tpu.memory_space<vmem>>
    %dma_wait3A_140 = tpu.memref_squeeze %dma_wait3A_139 : memref<1x80xi32, #tpu.memory_space<vmem>> -> memref<80xi32, #tpu.memory_space<vmem>>
    %dma_wait3A_141 = arith.constant 0 : i32
    %dma_wait3A_142 = arith.constant 0 : i32
    %dma_wait3A_143 = tpu.memref_slice %arg2[%dma_wait3A_141, %dma_wait3A_142] : memref<40960x128xf32, #tpu.memory_space<hbm>> -> memref<40960x128xf32, #tpu.memory_space<hbm>>
    tpu.wait_indirect_dma semaphore(%arg12 : memref<!tpu.dma_semaphore, #tpu.memory_space<semaphore_mem>>) src(%dma_wait3A_143 : memref<40960x128xf32, #tpu.memory_space<hbm>>) dst(%arg8 : memref<80x128xf32, #tpu.memory_space<vmem>>)
    %dma_start3A_144 = arith.constant 0 : i32
    %dma_start3A_145 = arith.constant 0 : i32
    %dma_start3A_146 = tpu.memref_slice %arg7[%dma_start3A_144, %dma_start3A_145] : memref<64x80xi32, #tpu.memory_space<vmem>> -> memref<1x80xi32, #tpu.memory_space<vmem>>
    %dma_start3A_147 = tpu.memref_squeeze %dma_start3A_146 : memref<1x80xi32, #tpu.memory_space<vmem>> -> memref<80xi32, #tpu.memory_space<vmem>>
    %dma_start3A_148 = arith.constant 0 : i32
    %dma_start3A_149 = arith.constant 0 : i32
    %dma_start3A_150 = tpu.memref_slice %arg11[%dma_start3A_148, %dma_start3A_149] : memref<10240x128xf32, #tpu.memory_space<vmem_shared>> -> memref<10240x128xf32, #tpu.memory_space<vmem_shared>>
    tpu.enqueue_indirect_dma source(%arg8 : memref<80x128xf32, #tpu.memory_space<vmem>>) target(%dma_start3A_150 : memref<10240x128xf32, #tpu.memory_space<vmem_shared>>) offsets(%dma_start3A_147 : memref<80xi32, #tpu.memory_space<vmem>>) semaphore(%arg15 : memref<!tpu.dma_semaphore, #tpu.memory_space<semaphore_mem>>) {add = true}
    %dma_start3A_151 = arith.constant 2 : i32
    %dma_start3A_152 = arith.constant 0 : i32
    %dma_start3A_153 = tpu.memref_slice %arg6[%dma_start3A_151, %dma_start3A_152] : memref<66x80xi32, #tpu.memory_space<vmem>> -> memref<1x80xi32, #tpu.memory_space<vmem>>
    %dma_start3A_154 = tpu.memref_squeeze %dma_start3A_153 : memref<1x80xi32, #tpu.memory_space<vmem>> -> memref<80xi32, #tpu.memory_space<vmem>>
    %dma_start3A_155 = arith.constant 0 : i32
    %dma_start3A_156 = arith.constant 0 : i32
    %dma_start3A_157 = tpu.memref_slice %arg2[%dma_start3A_155, %dma_start3A_156] : memref<40960x128xf32, #tpu.memory_space<hbm>> -> memref<40960x128xf32, #tpu.memory_space<hbm>>
    tpu.enqueue_indirect_dma source(%dma_start3A_157 : memref<40960x128xf32, #tpu.memory_space<hbm>>) target(%arg10 : memref<80x128xf32, #tpu.memory_space<vmem>>) offsets(%dma_start3A_154 : memref<80xi32, #tpu.memory_space<vmem>>) semaphore(%arg14 : memref<!tpu.dma_semaphore, #tpu.memory_space<semaphore_mem>>)
    %dma_wait3A_158 = arith.constant 0 : i32
    %dma_wait3A_159 = arith.constant 0 : i32
    %dma_wait3A_160 = tpu.memref_slice %arg6[%dma_wait3A_158, %dma_wait3A_159] : memref<66x80xi32, #tpu.memory_space<vmem>> -> memref<1x80xi32, #tpu.memory_space<vmem>>
    %dma_wait3A_161 = tpu.memref_squeeze %dma_wait3A_160 : memref<1x80xi32, #tpu.memory_space<vmem>> -> memref<80xi32, #tpu.memory_space<vmem>>
    %dma_wait3A_162 = arith.constant 0 : i32
    %dma_wait3A_163 = arith.constant 0 : i32
    %dma_wait3A_164 = tpu.memref_slice %arg2[%dma_wait3A_162, %dma_wait3A_163] : memref<40960x128xf32, #tpu.memory_space<hbm>> -> memref<40960x128xf32, #tpu.memory_space<hbm>>
    tpu.wait_indirect_dma semaphore(%arg13 : memref<!tpu.dma_semaphore, #tpu.memory_space<semaphore_mem>>) src(%dma_wait3A_164 : memref<40960x128xf32, #tpu.memory_space<hbm>>) dst(%arg9 : memref<80x128xf32, #tpu.memory_space<vmem>>)
    %dma_start3A_165 = arith.constant 1 : i32
    %dma_start3A_166 = arith.constant 0 : i32
    %dma_start3A_167 = tpu.memref_slice %arg7[%dma_start3A_165, %dma_start3A_166] : memref<64x80xi32, #tpu.memory_space<vmem>> -> memref<1x80xi32, #tpu.memory_space<vmem>>
    %dma_start3A_168 = tpu.memref_squeeze %dma_start3A_167 : memref<1x80xi32, #tpu.memory_space<vmem>> -> memref<80xi32, #tpu.memory_space<vmem>>
    %dma_start3A_169 = arith.constant 0 : i32
    %dma_start3A_170 = arith.constant 0 : i32
    %dma_start3A_171 = tpu.memref_slice %arg11[%dma_start3A_169, %dma_start3A_170] : memref<10240x128xf32, #tpu.memory_space<vmem_shared>> -> memref<10240x128xf32, #tpu.memory_space<vmem_shared>>
    tpu.enqueue_indirect_dma source(%arg9 : memref<80x128xf32, #tpu.memory_space<vmem>>) target(%dma_start3A_171 : memref<10240x128xf32, #tpu.memory_space<vmem_shared>>) offsets(%dma_start3A_168 : memref<80xi32, #tpu.memory_space<vmem>>) semaphore(%arg16 : memref<!tpu.dma_semaphore, #tpu.memory_space<semaphore_mem>>) {add = true}
    %dma_wait3A_172 = arith.constant 0 : i32
    %dma_wait3A_173 = arith.constant 0 : i32
    %dma_wait3A_174 = tpu.memref_slice %arg7[%dma_wait3A_172, %dma_wait3A_173] : memref<64x80xi32, #tpu.memory_space<vmem>> -> memref<1x80xi32, #tpu.memory_space<vmem>>
    %dma_wait3A_175 = tpu.memref_squeeze %dma_wait3A_174 : memref<1x80xi32, #tpu.memory_space<vmem>> -> memref<80xi32, #tpu.memory_space<vmem>>
    %dma_wait3A_176 = arith.constant 0 : i32
    %dma_wait3A_177 = arith.constant 0 : i32
    %dma_wait3A_178 = tpu.memref_slice %arg11[%dma_wait3A_176, %dma_wait3A_177] : memref<10240x128xf32, #tpu.memory_space<vmem_shared>> -> memref<10240x128xf32, #tpu.memory_space<vmem_shared>>
    tpu.wait_indirect_dma semaphore(%arg15 : memref<!tpu.dma_semaphore, #tpu.memory_space<semaphore_mem>>) src(%arg8 : memref<80x128xf32, #tpu.memory_space<vmem>>) dst(%dma_wait3A_178 : memref<10240x128xf32, #tpu.memory_space<vmem_shared>>)
    %dma_start3A_179 = arith.constant 3 : i32
    %dma_start3A_180 = arith.constant 0 : i32
    %dma_start3A_181 = tpu.memref_slice %arg6[%dma_start3A_179, %dma_start3A_180] : memref<66x80xi32, #tpu.memory_space<vmem>> -> memref<1x80xi32, #tpu.memory_space<vmem>>
    %dma_start3A_182 = tpu.memref_squeeze %dma_start3A_181 : memref<1x80xi32, #tpu.memory_space<vmem>> -> memref<80xi32, #tpu.memory_space<vmem>>
    %dma_start3A_183 = arith.constant 0 : i32
    %dma_start3A_184 = arith.constant 0 : i32
    %dma_start3A_185 = tpu.memref_slice %arg2[%dma_start3A_183, %dma_start3A_184] : memref<40960x128xf32, #tpu.memory_space<hbm>> -> memref<40960x128xf32, #tpu.memory_space<hbm>>
    tpu.enqueue_indirect_dma source(%dma_start3A_185 : memref<40960x128xf32, #tpu.memory_space<hbm>>) target(%arg8 : memref<80x128xf32, #tpu.memory_space<vmem>>) offsets(%dma_start3A_182 : memref<80xi32, #tpu.memory_space<vmem>>) semaphore(%arg12 : memref<!tpu.dma_semaphore, #tpu.memory_space<semaphore_mem>>)
    %dma_wait3A_186 = arith.constant 0 : i32
    %dma_wait3A_187 = arith.constant 0 : i32
    %dma_wait3A_188 = tpu.memref_slice %arg6[%dma_wait3A_186, %dma_wait3A_187] : memref<66x80xi32, #tpu.memory_space<vmem>> -> memref<1x80xi32, #tpu.memory_space<vmem>>
    %dma_wait3A_189 = tpu.memref_squeeze %dma_wait3A_188 : memref<1x80xi32, #tpu.memory_space<vmem>> -> memref<80xi32, #tpu.memory_space<vmem>>
    %dma_wait3A_190 = arith.constant 0 : i32
    %dma_wait3A_191 = arith.constant 0 : i32
    %dma_wait3A_192 = tpu.memref_slice %arg2[%dma_wait3A_190, %dma_wait3A_191] : memref<40960x128xf32, #tpu.memory_space<hbm>> -> memref<40960x128xf32, #tpu.memory_space<hbm>>
    tpu.wait_indirect_dma semaphore(%arg14 : memref<!tpu.dma_semaphore, #tpu.memory_space<semaphore_mem>>) src(%dma_wait3A_192 : memref<40960x128xf32, #tpu.memory_space<hbm>>) dst(%arg10 : memref<80x128xf32, #tpu.memory_space<vmem>>)
    %dma_start3A_193 = arith.constant 2 : i32
    %dma_start3A_194 = arith.constant 0 : i32
    %dma_start3A_195 = tpu.memref_slice %arg7[%dma_start3A_193, %dma_start3A_194] : memref<64x80xi32, #tpu.memory_space<vmem>> -> memref<1x80xi32, #tpu.memory_space<vmem>>
    %dma_start3A_196 = tpu.memref_squeeze %dma_start3A_195 : memref<1x80xi32, #tpu.memory_space<vmem>> -> memref<80xi32, #tpu.memory_space<vmem>>
    %dma_start3A_197 = arith.constant 0 : i32
    %dma_start3A_198 = arith.constant 0 : i32
    %dma_start3A_199 = tpu.memref_slice %arg11[%dma_start3A_197, %dma_start3A_198] : memref<10240x128xf32, #tpu.memory_space<vmem_shared>> -> memref<10240x128xf32, #tpu.memory_space<vmem_shared>>
    tpu.enqueue_indirect_dma source(%arg10 : memref<80x128xf32, #tpu.memory_space<vmem>>) target(%dma_start3A_199 : memref<10240x128xf32, #tpu.memory_space<vmem_shared>>) offsets(%dma_start3A_196 : memref<80xi32, #tpu.memory_space<vmem>>) semaphore(%arg17 : memref<!tpu.dma_semaphore, #tpu.memory_space<semaphore_mem>>) {add = true}
    %dma_wait3A_200 = arith.constant 0 : i32
    %dma_wait3A_201 = arith.constant 0 : i32
    %dma_wait3A_202 = tpu.memref_slice %arg7[%dma_wait3A_200, %dma_wait3A_201] : memref<64x80xi32, #tpu.memory_space<vmem>> -> memref<1x80xi32, #tpu.memory_space<vmem>>
    %dma_wait3A_203 = tpu.memref_squeeze %dma_wait3A_202 : memref<1x80xi32, #tpu.memory_space<vmem>> -> memref<80xi32, #tpu.memory_space<vmem>>
    %dma_wait3A_204 = arith.constant 0 : i32
    %dma_wait3A_205 = arith.constant 0 : i32
    %dma_wait3A_206 = tpu.memref_slice %arg11[%dma_wait3A_204, %dma_wait3A_205] : memref<10240x128xf32, #tpu.memory_space<vmem_shared>> -> memref<10240x128xf32, #tpu.memory_space<vmem_shared>>
    tpu.wait_indirect_dma semaphore(%arg16 : memref<!tpu.dma_semaphore, #tpu.memory_space<semaphore_mem>>) src(%arg9 : memref<80x128xf32, #tpu.memory_space<vmem>>) dst(%dma_wait3A_206 : memref<10240x128xf32, #tpu.memory_space<vmem_shared>>)
    %dma_start3A_207 = arith.constant 4 : i32
    %dma_start3A_208 = arith.constant 0 : i32
    %dma_start3A_209 = tpu.memref_slice %arg6[%dma_start3A_207, %dma_start3A_208] : memref<66x80xi32, #tpu.memory_space<vmem>> -> memref<1x80xi32, #tpu.memory_space<vmem>>
    %dma_start3A_210 = tpu.memref_squeeze %dma_start3A_209 : memref<1x80xi32, #tpu.memory_space<vmem>> -> memref<80xi32, #tpu.memory_space<vmem>>
    %dma_start3A_211 = arith.constant 0 : i32
    %dma_start3A_212 = arith.constant 0 : i32
    %dma_start3A_213 = tpu.memref_slice %arg2[%dma_start3A_211, %dma_start3A_212] : memref<40960x128xf32, #tpu.memory_space<hbm>> -> memref<40960x128xf32, #tpu.memory_space<hbm>>
    tpu.enqueue_indirect_dma source(%dma_start3A_213 : memref<40960x128xf32, #tpu.memory_space<hbm>>) target(%arg9 : memref<80x128xf32, #tpu.memory_space<vmem>>) offsets(%dma_start3A_210 : memref<80xi32, #tpu.memory_space<vmem>>) semaphore(%arg13 : memref<!tpu.dma_semaphore, #tpu.memory_space<semaphore_mem>>)
    %scan3A_214 = arith.constant 0 : i32
    %scan3A_215 = arith.constant 1 : i32
    %scan3A_216 = arith.constant 20 : i32
    %scan3A_217 = arith.addi %scan3A_215, %scan3A_216 : i32
    %scan3A_218 = arith.constant 1 : i32
    scf.for %scan3A_557 = %scan3A_215 to %scan3A_217 step %scan3A_218  : i32 {
      %mul3A_558 = arith.constant 3 : i32
      %mul3A_559 = arith.muli %scan3A_557, %mul3A_558 : i32
      %dma_wait3A_560 = arith.constant 0 : i32
      %dma_wait3A_561 = arith.constant 0 : i32
      %dma_wait3A_562 = tpu.memref_slice %arg6[%dma_wait3A_560, %dma_wait3A_561] : memref<66x80xi32, #tpu.memory_space<vmem>> -> memref<1x80xi32, #tpu.memory_space<vmem>>
      %dma_wait3A_563 = tpu.memref_squeeze %dma_wait3A_562 : memref<1x80xi32, #tpu.memory_space<vmem>> -> memref<80xi32, #tpu.memory_space<vmem>>
      %dma_wait3A_564 = arith.constant 0 : i32
      %dma_wait3A_565 = arith.constant 0 : i32
      %dma_wait3A_566 = tpu.memref_slice %arg2[%dma_wait3A_564, %dma_wait3A_565] : memref<40960x128xf32, #tpu.memory_space<hbm>> -> memref<40960x128xf32, #tpu.memory_space<hbm>>
      tpu.wait_indirect_dma semaphore(%arg12 : memref<!tpu.dma_semaphore, #tpu.memory_space<semaphore_mem>>) src(%dma_wait3A_566 : memref<40960x128xf32, #tpu.memory_space<hbm>>) dst(%arg8 : memref<80x128xf32, #tpu.memory_space<vmem>>)
      %dma_start3A_567 = arith.constant 0 : i32
      %dma_start3A_568 = tpu.memref_slice %arg7[%mul3A_559, %dma_start3A_567] : memref<64x80xi32, #tpu.memory_space<vmem>> -> memref<1x80xi32, #tpu.memory_space<vmem>>
      %dma_start3A_569 = tpu.memref_squeeze %dma_start3A_568 : memref<1x80xi32, #tpu.memory_space<vmem>> -> memref<80xi32, #tpu.memory_space<vmem>>
      %dma_start3A_570 = arith.constant 0 : i32
      %dma_start3A_571 = arith.constant 0 : i32
      %dma_start3A_572 = tpu.memref_slice %arg11[%dma_start3A_570, %dma_start3A_571] : memref<10240x128xf32, #tpu.memory_space<vmem_shared>> -> memref<10240x128xf32, #tpu.memory_space<vmem_shared>>
      tpu.enqueue_indirect_dma source(%arg8 : memref<80x128xf32, #tpu.memory_space<vmem>>) target(%dma_start3A_572 : memref<10240x128xf32, #tpu.memory_space<vmem_shared>>) offsets(%dma_start3A_569 : memref<80xi32, #tpu.memory_space<vmem>>) semaphore(%arg15 : memref<!tpu.dma_semaphore, #tpu.memory_space<semaphore_mem>>) {add = true}
      %dma_wait3A_573 = arith.constant 0 : i32
      %dma_wait3A_574 = arith.constant 0 : i32
      %dma_wait3A_575 = tpu.memref_slice %arg7[%dma_wait3A_573, %dma_wait3A_574] : memref<64x80xi32, #tpu.memory_space<vmem>> -> memref<1x80xi32, #tpu.memory_space<vmem>>
      %dma_wait3A_576 = tpu.memref_squeeze %dma_wait3A_575 : memref<1x80xi32, #tpu.memory_space<vmem>> -> memref<80xi32, #tpu.memory_space<vmem>>
      %dma_wait3A_577 = arith.constant 0 : i32
      %dma_wait3A_578 = arith.constant 0 : i32
      %dma_wait3A_579 = tpu.memref_slice %arg11[%dma_wait3A_577, %dma_wait3A_578] : memref<10240x128xf32, #tpu.memory_space<vmem_shared>> -> memref<10240x128xf32, #tpu.memory_space<vmem_shared>>
      tpu.wait_indirect_dma semaphore(%arg17 : memref<!tpu.dma_semaphore, #tpu.memory_space<semaphore_mem>>) src(%arg10 : memref<80x128xf32, #tpu.memory_space<vmem>>) dst(%dma_wait3A_579 : memref<10240x128xf32, #tpu.memory_space<vmem_shared>>)
      %add3A_580 = arith.constant 2 : i32
      %add3A_581 = arith.addi %mul3A_559, %add3A_580 : i32
      %dma_start3A_582 = arith.constant 0 : i32
      %dma_start3A_583 = tpu.memref_slice %arg6[%add3A_581, %dma_start3A_582] : memref<66x80xi32, #tpu.memory_space<vmem>> -> memref<1x80xi32, #tpu.memory_space<vmem>>
      %dma_start3A_584 = tpu.memref_squeeze %dma_start3A_583 : memref<1x80xi32, #tpu.memory_space<vmem>> -> memref<80xi32, #tpu.memory_space<vmem>>
      %dma_start3A_585 = arith.constant 0 : i32
      %dma_start3A_586 = arith.constant 0 : i32
      %dma_start3A_587 = tpu.memref_slice %arg2[%dma_start3A_585, %dma_start3A_586] : memref<40960x128xf32, #tpu.memory_space<hbm>> -> memref<40960x128xf32, #tpu.memory_space<hbm>>
      tpu.enqueue_indirect_dma source(%dma_start3A_587 : memref<40960x128xf32, #tpu.memory_space<hbm>>) target(%arg10 : memref<80x128xf32, #tpu.memory_space<vmem>>) offsets(%dma_start3A_584 : memref<80xi32, #tpu.memory_space<vmem>>) semaphore(%arg14 : memref<!tpu.dma_semaphore, #tpu.memory_space<semaphore_mem>>)
      %add3A_588 = arith.constant 1 : i32
      %add3A_589 = arith.addi %mul3A_559, %add3A_588 : i32
      %dma_wait3A_590 = arith.constant 0 : i32
      %dma_wait3A_591 = arith.constant 0 : i32
      %dma_wait3A_592 = tpu.memref_slice %arg6[%dma_wait3A_590, %dma_wait3A_591] : memref<66x80xi32, #tpu.memory_space<vmem>> -> memref<1x80xi32, #tpu.memory_space<vmem>>
      %dma_wait3A_593 = tpu.memref_squeeze %dma_wait3A_592 : memref<1x80xi32, #tpu.memory_space<vmem>> -> memref<80xi32, #tpu.memory_space<vmem>>
      %dma_wait3A_594 = arith.constant 0 : i32
      %dma_wait3A_595 = arith.constant 0 : i32
      %dma_wait3A_596 = tpu.memref_slice %arg2[%dma_wait3A_594, %dma_wait3A_595] : memref<40960x128xf32, #tpu.memory_space<hbm>> -> memref<40960x128xf32, #tpu.memory_space<hbm>>
      tpu.wait_indirect_dma semaphore(%arg13 : memref<!tpu.dma_semaphore, #tpu.memory_space<semaphore_mem>>) src(%dma_wait3A_596 : memref<40960x128xf32, #tpu.memory_space<hbm>>) dst(%arg9 : memref<80x128xf32, #tpu.memory_space<vmem>>)
      %dma_start3A_597 = arith.constant 0 : i32
      %dma_start3A_598 = tpu.memref_slice %arg7[%add3A_589, %dma_start3A_597] : memref<64x80xi32, #tpu.memory_space<vmem>> -> memref<1x80xi32, #tpu.memory_space<vmem>>
      %dma_start3A_599 = tpu.memref_squeeze %dma_start3A_598 : memref<1x80xi32, #tpu.memory_space<vmem>> -> memref<80xi32, #tpu.memory_space<vmem>>
      %dma_start3A_600 = arith.constant 0 : i32
      %dma_start3A_601 = arith.constant 0 : i32
      %dma_start3A_602 = tpu.memref_slice %arg11[%dma_start3A_600, %dma_start3A_601] : memref<10240x128xf32, #tpu.memory_space<vmem_shared>> -> memref<10240x128xf32, #tpu.memory_space<vmem_shared>>
      tpu.enqueue_indirect_dma source(%arg9 : memref<80x128xf32, #tpu.memory_space<vmem>>) target(%dma_start3A_602 : memref<10240x128xf32, #tpu.memory_space<vmem_shared>>) offsets(%dma_start3A_599 : memref<80xi32, #tpu.memory_space<vmem>>) semaphore(%arg16 : memref<!tpu.dma_semaphore, #tpu.memory_space<semaphore_mem>>) {add = true}
      %dma_wait3A_603 = arith.constant 0 : i32
      %dma_wait3A_604 = arith.constant 0 : i32
      %dma_wait3A_605 = tpu.memref_slice %arg7[%dma_wait3A_603, %dma_wait3A_604] : memref<64x80xi32, #tpu.memory_space<vmem>> -> memref<1x80xi32, #tpu.memory_space<vmem>>
      %dma_wait3A_606 = tpu.memref_squeeze %dma_wait3A_605 : memref<1x80xi32, #tpu.memory_space<vmem>> -> memref<80xi32, #tpu.memory_space<vmem>>
      %dma_wait3A_607 = arith.constant 0 : i32
      %dma_wait3A_608 = arith.constant 0 : i32
      %dma_wait3A_609 = tpu.memref_slice %arg11[%dma_wait3A_607, %dma_wait3A_608] : memref<10240x128xf32, #tpu.memory_space<vmem_shared>> -> memref<10240x128xf32, #tpu.memory_space<vmem_shared>>
      tpu.wait_indirect_dma semaphore(%arg15 : memref<!tpu.dma_semaphore, #tpu.memory_space<semaphore_mem>>) src(%arg8 : memref<80x128xf32, #tpu.memory_space<vmem>>) dst(%dma_wait3A_609 : memref<10240x128xf32, #tpu.memory_space<vmem_shared>>)
      %add3A_610 = arith.constant 2 : i32
      %add3A_611 = arith.addi %add3A_589, %add3A_610 : i32
      %dma_start3A_612 = arith.constant 0 : i32
      %dma_start3A_613 = tpu.memref_slice %arg6[%add3A_611, %dma_start3A_612] : memref<66x80xi32, #tpu.memory_space<vmem>> -> memref<1x80xi32, #tpu.memory_space<vmem>>
      %dma_start3A_614 = tpu.memref_squeeze %dma_start3A_613 : memref<1x80xi32, #tpu.memory_space<vmem>> -> memref<80xi32, #tpu.memory_space<vmem>>
      %dma_start3A_615 = arith.constant 0 : i32
      %dma_start3A_616 = arith.constant 0 : i32
      %dma_start3A_617 = tpu.memref_slice %arg2[%dma_start3A_615, %dma_start3A_616] : memref<40960x128xf32, #tpu.memory_space<hbm>> -> memref<40960x128xf32, #tpu.memory_space<hbm>>
      tpu.enqueue_indirect_dma source(%dma_start3A_617 : memref<40960x128xf32, #tpu.memory_space<hbm>>) target(%arg8 : memref<80x128xf32, #tpu.memory_space<vmem>>) offsets(%dma_start3A_614 : memref<80xi32, #tpu.memory_space<vmem>>) semaphore(%arg12 : memref<!tpu.dma_semaphore, #tpu.memory_space<semaphore_mem>>)
      %add3A_618 = arith.constant 2 : i32
      %add3A_619 = arith.addi %mul3A_559, %add3A_618 : i32
      %dma_wait3A_620 = arith.constant 0 : i32
      %dma_wait3A_621 = arith.constant 0 : i32
      %dma_wait3A_622 = tpu.memref_slice %arg6[%dma_wait3A_620, %dma_wait3A_621] : memref<66x80xi32, #tpu.memory_space<vmem>> -> memref<1x80xi32, #tpu.memory_space<vmem>>
      %dma_wait3A_623 = tpu.memref_squeeze %dma_wait3A_622 : memref<1x80xi32, #tpu.memory_space<vmem>> -> memref<80xi32, #tpu.memory_space<vmem>>
      %dma_wait3A_624 = arith.constant 0 : i32
      %dma_wait3A_625 = arith.constant 0 : i32
      %dma_wait3A_626 = tpu.memref_slice %arg2[%dma_wait3A_624, %dma_wait3A_625] : memref<40960x128xf32, #tpu.memory_space<hbm>> -> memref<40960x128xf32, #tpu.memory_space<hbm>>
      tpu.wait_indirect_dma semaphore(%arg14 : memref<!tpu.dma_semaphore, #tpu.memory_space<semaphore_mem>>) src(%dma_wait3A_626 : memref<40960x128xf32, #tpu.memory_space<hbm>>) dst(%arg10 : memref<80x128xf32, #tpu.memory_space<vmem>>)
      %dma_start3A_627 = arith.constant 0 : i32
      %dma_start3A_628 = tpu.memref_slice %arg7[%add3A_619, %dma_start3A_627] : memref<64x80xi32, #tpu.memory_space<vmem>> -> memref<1x80xi32, #tpu.memory_space<vmem>>
      %dma_start3A_629 = tpu.memref_squeeze %dma_start3A_628 : memref<1x80xi32, #tpu.memory_space<vmem>> -> memref<80xi32, #tpu.memory_space<vmem>>
      %dma_start3A_630 = arith.constant 0 : i32
      %dma_start3A_631 = arith.constant 0 : i32
      %dma_start3A_632 = tpu.memref_slice %arg11[%dma_start3A_630, %dma_start3A_631] : memref<10240x128xf32, #tpu.memory_space<vmem_shared>> -> memref<10240x128xf32, #tpu.memory_space<vmem_shared>>
      tpu.enqueue_indirect_dma source(%arg10 : memref<80x128xf32, #tpu.memory_space<vmem>>) target(%dma_start3A_632 : memref<10240x128xf32, #tpu.memory_space<vmem_shared>>) offsets(%dma_start3A_629 : memref<80xi32, #tpu.memory_space<vmem>>) semaphore(%arg17 : memref<!tpu.dma_semaphore, #tpu.memory_space<semaphore_mem>>) {add = true}
      %dma_wait3A_633 = arith.constant 0 : i32
      %dma_wait3A_634 = arith.constant 0 : i32
      %dma_wait3A_635 = tpu.memref_slice %arg7[%dma_wait3A_633, %dma_wait3A_634] : memref<64x80xi32, #tpu.memory_space<vmem>> -> memref<1x80xi32, #tpu.memory_space<vmem>>
      %dma_wait3A_636 = tpu.memref_squeeze %dma_wait3A_635 : memref<1x80xi32, #tpu.memory_space<vmem>> -> memref<80xi32, #tpu.memory_space<vmem>>
      %dma_wait3A_637 = arith.constant 0 : i32
      %dma_wait3A_638 = arith.constant 0 : i32
      %dma_wait3A_639 = tpu.memref_slice %arg11[%dma_wait3A_637, %dma_wait3A_638] : memref<10240x128xf32, #tpu.memory_space<vmem_shared>> -> memref<10240x128xf32, #tpu.memory_space<vmem_shared>>
      tpu.wait_indirect_dma semaphore(%arg16 : memref<!tpu.dma_semaphore, #tpu.memory_space<semaphore_mem>>) src(%arg9 : memref<80x128xf32, #tpu.memory_space<vmem>>) dst(%dma_wait3A_639 : memref<10240x128xf32, #tpu.memory_space<vmem_shared>>)
      %add3A_640 = arith.constant 2 : i32
      %add3A_641 = arith.addi %add3A_619, %add3A_640 : i32
      %dma_start3A_642 = arith.constant 0 : i32
      %dma_start3A_643 = tpu.memref_slice %arg6[%add3A_641, %dma_start3A_642] : memref<66x80xi32, #tpu.memory_space<vmem>> -> memref<1x80xi32, #tpu.memory_space<vmem>>
      %dma_start3A_644 = tpu.memref_squeeze %dma_start3A_643 : memref<1x80xi32, #tpu.memory_space<vmem>> -> memref<80xi32, #tpu.memory_space<vmem>>
      %dma_start3A_645 = arith.constant 0 : i32
      %dma_start3A_646 = arith.constant 0 : i32
      %dma_start3A_647 = tpu.memref_slice %arg2[%dma_start3A_645, %dma_start3A_646] : memref<40960x128xf32, #tpu.memory_space<hbm>> -> memref<40960x128xf32, #tpu.memory_space<hbm>>
      tpu.enqueue_indirect_dma source(%dma_start3A_647 : memref<40960x128xf32, #tpu.memory_space<hbm>>) target(%arg9 : memref<80x128xf32, #tpu.memory_space<vmem>>) offsets(%dma_start3A_644 : memref<80xi32, #tpu.memory_space<vmem>>) semaphore(%arg13 : memref<!tpu.dma_semaphore, #tpu.memory_space<semaphore_mem>>)
    }
    %scan3A_219 = arith.constant 20 : i32
    %dma_wait3A_220 = arith.constant 0 : i32
    %dma_wait3A_221 = arith.constant 0 : i32
    %dma_wait3A_222 = tpu.memref_slice %arg6[%dma_wait3A_220, %dma_wait3A_221] : memref<66x80xi32, #tpu.memory_space<vmem>> -> memref<1x80xi32, #tpu.memory_space<vmem>>
    %dma_wait3A_223 = tpu.memref_squeeze %dma_wait3A_222 : memref<1x80xi32, #tpu.memory_space<vmem>> -> memref<80xi32, #tpu.memory_space<vmem>>
    %dma_wait3A_224 = arith.constant 0 : i32
    %dma_wait3A_225 = arith.constant 0 : i32
    %dma_wait3A_226 = tpu.memref_slice %arg2[%dma_wait3A_224, %dma_wait3A_225] : memref<40960x128xf32, #tpu.memory_space<hbm>> -> memref<40960x128xf32, #tpu.memory_space<hbm>>
    tpu.wait_indirect_dma semaphore(%arg12 : memref<!tpu.dma_semaphore, #tpu.memory_space<semaphore_mem>>) src(%dma_wait3A_226 : memref<40960x128xf32, #tpu.memory_space<hbm>>) dst(%arg8 : memref<80x128xf32, #tpu.memory_space<vmem>>)
    %dma_start3A_227 = arith.constant 63 : i32
    %dma_start3A_228 = arith.constant 0 : i32
    %dma_start3A_229 = tpu.memref_slice %arg7[%dma_start3A_227, %dma_start3A_228] : memref<64x80xi32, #tpu.memory_space<vmem>> -> memref<1x80xi32, #tpu.memory_space<vmem>>
    %dma_start3A_230 = tpu.memref_squeeze %dma_start3A_229 : memref<1x80xi32, #tpu.memory_space<vmem>> -> memref<80xi32, #tpu.memory_space<vmem>>
    %dma_start3A_231 = arith.constant 0 : i32
    %dma_start3A_232 = arith.constant 0 : i32
    %dma_start3A_233 = tpu.memref_slice %arg11[%dma_start3A_231, %dma_start3A_232] : memref<10240x128xf32, #tpu.memory_space<vmem_shared>> -> memref<10240x128xf32, #tpu.memory_space<vmem_shared>>
    tpu.enqueue_indirect_dma source(%arg8 : memref<80x128xf32, #tpu.memory_space<vmem>>) target(%dma_start3A_233 : memref<10240x128xf32, #tpu.memory_space<vmem_shared>>) offsets(%dma_start3A_230 : memref<80xi32, #tpu.memory_space<vmem>>) semaphore(%arg15 : memref<!tpu.dma_semaphore, #tpu.memory_space<semaphore_mem>>) {add = true}
    %dma_wait3A_234 = arith.constant 0 : i32
    %dma_wait3A_235 = arith.constant 0 : i32
    %dma_wait3A_236 = tpu.memref_slice %arg7[%dma_wait3A_234, %dma_wait3A_235] : memref<64x80xi32, #tpu.memory_space<vmem>> -> memref<1x80xi32, #tpu.memory_space<vmem>>
    %dma_wait3A_237 = tpu.memref_squeeze %dma_wait3A_236 : memref<1x80xi32, #tpu.memory_space<vmem>> -> memref<80xi32, #tpu.memory_space<vmem>>
    %dma_wait3A_238 = arith.constant 0 : i32
    %dma_wait3A_239 = arith.constant 0 : i32
    %dma_wait3A_240 = tpu.memref_slice %arg11[%dma_wait3A_238, %dma_wait3A_239] : memref<10240x128xf32, #tpu.memory_space<vmem_shared>> -> memref<10240x128xf32, #tpu.memory_space<vmem_shared>>
    tpu.wait_indirect_dma semaphore(%arg17 : memref<!tpu.dma_semaphore, #tpu.memory_space<semaphore_mem>>) src(%arg10 : memref<80x128xf32, #tpu.memory_space<vmem>>) dst(%dma_wait3A_240 : memref<10240x128xf32, #tpu.memory_space<vmem_shared>>)
    %dma_start3A_241 = arith.constant 65 : i32
    %dma_start3A_242 = arith.constant 0 : i32
    %dma_start3A_243 = tpu.memref_slice %arg6[%dma_start3A_241, %dma_start3A_242] : memref<66x80xi32, #tpu.memory_space<vmem>> -> memref<1x80xi32, #tpu.memory_space<vmem>>
    %dma_start3A_244 = tpu.memref_squeeze %dma_start3A_243 : memref<1x80xi32, #tpu.memory_space<vmem>> -> memref<80xi32, #tpu.memory_space<vmem>>
    %dma_start3A_245 = arith.constant 0 : i32
    %dma_start3A_246 = arith.constant 0 : i32
    %dma_start3A_247 = tpu.memref_slice %arg2[%dma_start3A_245, %dma_start3A_246] : memref<40960x128xf32, #tpu.memory_space<hbm>> -> memref<40960x128xf32, #tpu.memory_space<hbm>>
    tpu.enqueue_indirect_dma source(%dma_start3A_247 : memref<40960x128xf32, #tpu.memory_space<hbm>>) target(%arg10 : memref<80x128xf32, #tpu.memory_space<vmem>>) offsets(%dma_start3A_244 : memref<80xi32, #tpu.memory_space<vmem>>) semaphore(%arg14 : memref<!tpu.dma_semaphore, #tpu.memory_space<semaphore_mem>>)
    %dma_wait3A_248 = arith.constant 0 : i32
    %dma_wait3A_249 = arith.constant 0 : i32
    %dma_wait3A_250 = tpu.memref_slice %arg7[%dma_wait3A_248, %dma_wait3A_249] : memref<64x80xi32, #tpu.memory_space<vmem>> -> memref<1x80xi32, #tpu.memory_space<vmem>>
    %dma_wait3A_251 = tpu.memref_squeeze %dma_wait3A_250 : memref<1x80xi32, #tpu.memory_space<vmem>> -> memref<80xi32, #tpu.memory_space<vmem>>
    %dma_wait3A_252 = arith.constant 0 : i32
    %dma_wait3A_253 = arith.constant 0 : i32
    %dma_wait3A_254 = tpu.memref_slice %arg11[%dma_wait3A_252, %dma_wait3A_253] : memref<10240x128xf32, #tpu.memory_space<vmem_shared>> -> memref<10240x128xf32, #tpu.memory_space<vmem_shared>>
    tpu.wait_indirect_dma semaphore(%arg15 : memref<!tpu.dma_semaphore, #tpu.memory_space<semaphore_mem>>) src(%arg8 : memref<80x128xf32, #tpu.memory_space<vmem>>) dst(%dma_wait3A_254 : memref<10240x128xf32, #tpu.memory_space<vmem_shared>>)
    %dma_wait3A_255 = arith.constant 0 : i32
    %dma_wait3A_256 = arith.constant 0 : i32
    %dma_wait3A_257 = tpu.memref_slice %arg6[%dma_wait3A_255, %dma_wait3A_256] : memref<66x80xi32, #tpu.memory_space<vmem>> -> memref<1x80xi32, #tpu.memory_space<vmem>>
    %dma_wait3A_258 = tpu.memref_squeeze %dma_wait3A_257 : memref<1x80xi32, #tpu.memory_space<vmem>> -> memref<80xi32, #tpu.memory_space<vmem>>
    %dma_wait3A_259 = arith.constant 0 : i32
    %dma_wait3A_260 = arith.constant 0 : i32
    %dma_wait3A_261 = tpu.memref_slice %arg2[%dma_wait3A_259, %dma_wait3A_260] : memref<40960x128xf32, #tpu.memory_space<hbm>> -> memref<40960x128xf32, #tpu.memory_space<hbm>>
    tpu.wait_indirect_dma semaphore(%arg13 : memref<!tpu.dma_semaphore, #tpu.memory_space<semaphore_mem>>) src(%dma_wait3A_261 : memref<40960x128xf32, #tpu.memory_space<hbm>>) dst(%arg9 : memref<80x128xf32, #tpu.memory_space<vmem>>)
    %dma_wait3A_262 = arith.constant 0 : i32
    %dma_wait3A_263 = arith.constant 0 : i32
    %dma_wait3A_264 = tpu.memref_slice %arg6[%dma_wait3A_262, %dma_wait3A_263] : memref<66x80xi32, #tpu.memory_space<vmem>> -> memref<1x80xi32, #tpu.memory_space<vmem>>
    %dma_wait3A_265 = tpu.memref_squeeze %dma_wait3A_264 : memref<1x80xi32, #tpu.memory_space<vmem>> -> memref<80xi32, #tpu.memory_space<vmem>>
    %dma_wait3A_266 = arith.constant 0 : i32
    %dma_wait3A_267 = arith.constant 0 : i32
    %dma_wait3A_268 = tpu.memref_slice %arg2[%dma_wait3A_266, %dma_wait3A_267] : memref<40960x128xf32, #tpu.memory_space<hbm>> -> memref<40960x128xf32, #tpu.memory_space<hbm>>
    tpu.wait_indirect_dma semaphore(%arg14 : memref<!tpu.dma_semaphore, #tpu.memory_space<semaphore_mem>>) src(%dma_wait3A_268 : memref<40960x128xf32, #tpu.memory_space<hbm>>) dst(%arg10 : memref<80x128xf32, #tpu.memory_space<vmem>>)
    %barrier3A_269 = arith.constant 0 : index
    tpu.barrier barrier_id(%barrier3A_269)
    %mul3A_270 = arith.constant 640 : i32
    %mul3A_271 = arith.muli %arg1, %mul3A_270 : i32
    %mul3A_272 = arith.constant 640 : i32
    %mul3A_273 = arith.muli %arg1, %mul3A_272 : i32
    "tpu.region"() ({
      %run_scoped3A = tpu.sem_alloc : memref<!tpu.dma_semaphore, #tpu.memory_space<semaphore_mem>>
      %dma_start3A_557 = arith.constant 0 : i32
      %dma_start3A_558 = tpu.memref_slice %arg5[%add3A_2, %mul3A_273, %dma_start3A_557] : memref<4x10240x128xf32, #tpu.memory_space<hbm>> -> memref<1x640x128xf32, #tpu.memory_space<hbm>>
      %dma_start3A_559 = tpu.memref_squeeze %dma_start3A_558 : memref<1x640x128xf32, #tpu.memory_space<hbm>> -> memref<640x128xf32, #tpu.memory_space<hbm>>
      %dma_start3A_560 = arith.constant 0 : i32
      %dma_start3A_561 = tpu.memref_slice %arg11[%mul3A_271, %dma_start3A_560] : memref<10240x128xf32, #tpu.memory_space<vmem_shared>> -> memref<640x128xf32, #tpu.memory_space<vmem_shared>>
      tpu.enqueue_dma source(%dma_start3A_561 : memref<640x128xf32, #tpu.memory_space<vmem_shared>>) target(%dma_start3A_559 : memref<640x128xf32, #tpu.memory_space<hbm>>) target_semaphore(%run_scoped3A : memref<!tpu.dma_semaphore, #tpu.memory_space<semaphore_mem>>)
      %dma_wait3A_562 = arith.constant 0 : i32
      %dma_wait3A_563 = tpu.memref_slice %arg5[%add3A_2, %mul3A_273, %dma_wait3A_562] : memref<4x10240x128xf32, #tpu.memory_space<hbm>> -> memref<1x640x128xf32, #tpu.memory_space<hbm>>
      %dma_wait3A_564 = tpu.memref_squeeze %dma_wait3A_563 : memref<1x640x128xf32, #tpu.memory_space<hbm>> -> memref<640x128xf32, #tpu.memory_space<hbm>>
      %dma_wait3A_565 = arith.constant 0 : i32
      %dma_wait3A_566 = tpu.memref_slice %arg11[%mul3A_271, %dma_wait3A_565] : memref<10240x128xf32, #tpu.memory_space<vmem_shared>> -> memref<640x128xf32, #tpu.memory_space<vmem_shared>>
      tpu.wait_dma2 semaphore(%run_scoped3A : memref<!tpu.dma_semaphore, #tpu.memory_space<semaphore_mem>>) src(%dma_wait3A_566 : memref<640x128xf32, #tpu.memory_space<vmem_shared>>) dst(%dma_wait3A_564 : memref<640x128xf32, #tpu.memory_space<hbm>>)
      tpu.yield
    }) : () -> ()
    %barrier3A_274 = arith.constant 0 : index
    tpu.barrier barrier_id(%barrier3A_274)
    %mul3A_275 = arith.constant 2 : i32
    %mul3A_276 = arith.muli %arg0, %mul3A_275 : i32
    %add3A_277 = arith.constant 1 : i32
    %add3A_278 = arith.addi %mul3A_276, %add3A_277 : i32
    %mul3A_279 = arith.constant 10240 : i32
    %mul3A_280 = arith.muli %add3A_278, %mul3A_279 : i32
    %scan3A_281 = arith.constant 0 : i32
    %scan3A_282 = arith.constant 0 : i32
    %scan3A_283 = arith.constant 80 : i32
    %scan3A_284 = arith.addi %scan3A_282, %scan3A_283 : i32
    %scan3A_285 = arith.constant 1 : i32
    scf.for %scan3A_557 = %scan3A_282 to %scan3A_284 step %scan3A_285  : i32 {
      %swap3A_558 = arith.index_cast %scan3A_557 : i32 to index
      %swap3A_559 = arith.constant 0 : index
      %swap3A_560 = tpu.vector_load %arg8[%swap3A_558, %swap3A_559] {strides = array<i32>} : memref<80x128xf32, #tpu.memory_space<vmem>>, vector<16xf32>,
      tpu.vector_store %arg8[%swap3A_558, %swap3A_559], %broadcast_in_dim3A_0 {strides = array<i32>} : memref<80x128xf32, #tpu.memory_space<vmem>>, vector<16xf32>,
      %swap3A_561 = arith.index_cast %scan3A_557 : i32 to index
      %swap3A_562 = arith.constant 16 : index
      %swap3A_563 = tpu.vector_load %arg8[%swap3A_561, %swap3A_562] {strides = array<i32>} : memref<80x128xf32, #tpu.memory_space<vmem>>, vector<16xf32>,
      tpu.vector_store %arg8[%swap3A_561, %swap3A_562], %broadcast_in_dim3A_0 {strides = array<i32>} : memref<80x128xf32, #tpu.memory_space<vmem>>, vector<16xf32>,
      %swap3A_564 = arith.index_cast %scan3A_557 : i32 to index
      %swap3A_565 = arith.constant 32 : index
      %swap3A_566 = tpu.vector_load %arg8[%swap3A_564, %swap3A_565] {strides = array<i32>} : memref<80x128xf32, #tpu.memory_space<vmem>>, vector<16xf32>,
      tpu.vector_store %arg8[%swap3A_564, %swap3A_565], %broadcast_in_dim3A_0 {strides = array<i32>} : memref<80x128xf32, #tpu.memory_space<vmem>>, vector<16xf32>,
      %swap3A_567 = arith.index_cast %scan3A_557 : i32 to index
      %swap3A_568 = arith.constant 48 : index
      %swap3A_569 = tpu.vector_load %arg8[%swap3A_567, %swap3A_568] {strides = array<i32>} : memref<80x128xf32, #tpu.memory_space<vmem>>, vector<16xf32>,
      tpu.vector_store %arg8[%swap3A_567, %swap3A_568], %broadcast_in_dim3A_0 {strides = array<i32>} : memref<80x128xf32, #tpu.memory_space<vmem>>, vector<16xf32>,
      %swap3A_570 = arith.index_cast %scan3A_557 : i32 to index
      %swap3A_571 = arith.constant 64 : index
      %swap3A_572 = tpu.vector_load %arg8[%swap3A_570, %swap3A_571] {strides = array<i32>} : memref<80x128xf32, #tpu.memory_space<vmem>>, vector<16xf32>,
      tpu.vector_store %arg8[%swap3A_570, %swap3A_571], %broadcast_in_dim3A_0 {strides = array<i32>} : memref<80x128xf32, #tpu.memory_space<vmem>>, vector<16xf32>,
      %swap3A_573 = arith.index_cast %scan3A_557 : i32 to index
      %swap3A_574 = arith.constant 80 : index
      %swap3A_575 = tpu.vector_load %arg8[%swap3A_573, %swap3A_574] {strides = array<i32>} : memref<80x128xf32, #tpu.memory_space<vmem>>, vector<16xf32>,
      tpu.vector_store %arg8[%swap3A_573, %swap3A_574], %broadcast_in_dim3A_0 {strides = array<i32>} : memref<80x128xf32, #tpu.memory_space<vmem>>, vector<16xf32>,
      %swap3A_576 = arith.index_cast %scan3A_557 : i32 to index
      %swap3A_577 = arith.constant 96 : index
      %swap3A_578 = tpu.vector_load %arg8[%swap3A_576, %swap3A_577] {strides = array<i32>} : memref<80x128xf32, #tpu.memory_space<vmem>>, vector<16xf32>,
      tpu.vector_store %arg8[%swap3A_576, %swap3A_577], %broadcast_in_dim3A_0 {strides = array<i32>} : memref<80x128xf32, #tpu.memory_space<vmem>>, vector<16xf32>,
      %swap3A_579 = arith.index_cast %scan3A_557 : i32 to index
      %swap3A_580 = arith.constant 112 : index
      %swap3A_581 = tpu.vector_load %arg8[%swap3A_579, %swap3A_580] {strides = array<i32>} : memref<80x128xf32, #tpu.memory_space<vmem>>, vector<16xf32>,
      tpu.vector_store %arg8[%swap3A_579, %swap3A_580], %broadcast_in_dim3A_0 {strides = array<i32>} : memref<80x128xf32, #tpu.memory_space<vmem>>, vector<16xf32>,
    }
    %scan3A_286 = arith.constant 80 : i32
    %mul3A_287 = arith.constant 640 : i32
    %mul3A_288 = arith.muli %arg1, %mul3A_287 : i32
    %add3A_289 = arith.constant 0 : i32
    %add3A_290 = arith.addi %mul3A_288, %add3A_289 : i32
    "tpu.region"() ({
      %run_scoped3A = tpu.sem_alloc : memref<!tpu.dma_semaphore, #tpu.memory_space<semaphore_mem>>
      %dma_start3A_557 = arith.constant 0 : i32
      %dma_start3A_558 = tpu.memref_slice %arg11[%add3A_290, %dma_start3A_557] : memref<10240x128xf32, #tpu.memory_space<vmem_shared>> -> memref<80x128xf32, #tpu.memory_space<vmem_shared>>
      %dma_start3A_559 = arith.constant 0 : i32
      %dma_start3A_560 = tpu.memref_slice %arg11[%add3A_290, %dma_start3A_559] : memref<10240x128xf32, #tpu.memory_space<vmem_shared>> -> memref<80x128xf32, #tpu.memory_space<vmem_shared>>
      tpu.enqueue_dma source(%arg8 : memref<80x128xf32, #tpu.memory_space<vmem>>) target(%dma_start3A_560 : memref<80x128xf32, #tpu.memory_space<vmem_shared>>) target_semaphore(%run_scoped3A : memref<!tpu.dma_semaphore, #tpu.memory_space<semaphore_mem>>)
      %dma_wait3A_561 = arith.constant 0 : i32
      %dma_wait3A_562 = tpu.memref_slice %arg11[%add3A_290, %dma_wait3A_561] : memref<10240x128xf32, #tpu.memory_space<vmem_shared>> -> memref<80x128xf32, #tpu.memory_space<vmem_shared>>
      %dma_wait3A_563 = arith.constant 0 : i32
      %dma_wait3A_564 = tpu.memref_slice %arg11[%add3A_290, %dma_wait3A_563] : memref<10240x128xf32, #tpu.memory_space<vmem_shared>> -> memref<80x128xf32, #tpu.memory_space<vmem_shared>>
      tpu.wait_dma2 semaphore(%run_scoped3A : memref<!tpu.dma_semaphore, #tpu.memory_space<semaphore_mem>>) src(%arg8 : memref<80x128xf32, #tpu.memory_space<vmem>>) dst(%dma_wait3A_564 : memref<80x128xf32, #tpu.memory_space<vmem_shared>>)
      tpu.yield
    }) : () -> ()
    %mul3A_291 = arith.constant 640 : i32
    %mul3A_292 = arith.muli %arg1, %mul3A_291 : i32
    %add3A_293 = arith.constant 80 : i32
    %add3A_294 = arith.addi %mul3A_292, %add3A_293 : i32
    "tpu.region"() ({
      %run_scoped3A = tpu.sem_alloc : memref<!tpu.dma_semaphore, #tpu.memory_space<semaphore_mem>>
      %dma_start3A_557 = arith.constant 0 : i32
      %dma_start3A_558 = tpu.memref_slice %arg11[%add3A_294, %dma_start3A_557] : memref<10240x128xf32, #tpu.memory_space<vmem_shared>> -> memref<80x128xf32, #tpu.memory_space<vmem_shared>>
      %dma_start3A_559 = arith.constant 0 : i32
      %dma_start3A_560 = tpu.memref_slice %arg11[%add3A_294, %dma_start3A_559] : memref<10240x128xf32, #tpu.memory_space<vmem_shared>> -> memref<80x128xf32, #tpu.memory_space<vmem_shared>>
      tpu.enqueue_dma source(%arg8 : memref<80x128xf32, #tpu.memory_space<vmem>>) target(%dma_start3A_560 : memref<80x128xf32, #tpu.memory_space<vmem_shared>>) target_semaphore(%run_scoped3A : memref<!tpu.dma_semaphore, #tpu.memory_space<semaphore_mem>>)
      %dma_wait3A_561 = arith.constant 0 : i32
      %dma_wait3A_562 = tpu.memref_slice %arg11[%add3A_294, %dma_wait3A_561] : memref<10240x128xf32, #tpu.memory_space<vmem_shared>> -> memref<80x128xf32, #tpu.memory_space<vmem_shared>>
      %dma_wait3A_563 = arith.constant 0 : i32
      %dma_wait3A_564 = tpu.memref_slice %arg11[%add3A_294, %dma_wait3A_563] : memref<10240x128xf32, #tpu.memory_space<vmem_shared>> -> memref<80x128xf32, #tpu.memory_space<vmem_shared>>
      tpu.wait_dma2 semaphore(%run_scoped3A : memref<!tpu.dma_semaphore, #tpu.memory_space<semaphore_mem>>) src(%arg8 : memref<80x128xf32, #tpu.memory_space<vmem>>) dst(%dma_wait3A_564 : memref<80x128xf32, #tpu.memory_space<vmem_shared>>)
      tpu.yield
    }) : () -> ()
    %mul3A_295 = arith.constant 640 : i32
    %mul3A_296 = arith.muli %arg1, %mul3A_295 : i32
    %add3A_297 = arith.constant 160 : i32
    %add3A_298 = arith.addi %mul3A_296, %add3A_297 : i32
    "tpu.region"() ({
      %run_scoped3A = tpu.sem_alloc : memref<!tpu.dma_semaphore, #tpu.memory_space<semaphore_mem>>
      %dma_start3A_557 = arith.constant 0 : i32
      %dma_start3A_558 = tpu.memref_slice %arg11[%add3A_298, %dma_start3A_557] : memref<10240x128xf32, #tpu.memory_space<vmem_shared>> -> memref<80x128xf32, #tpu.memory_space<vmem_shared>>
      %dma_start3A_559 = arith.constant 0 : i32
      %dma_start3A_560 = tpu.memref_slice %arg11[%add3A_298, %dma_start3A_559] : memref<10240x128xf32, #tpu.memory_space<vmem_shared>> -> memref<80x128xf32, #tpu.memory_space<vmem_shared>>
      tpu.enqueue_dma source(%arg8 : memref<80x128xf32, #tpu.memory_space<vmem>>) target(%dma_start3A_560 : memref<80x128xf32, #tpu.memory_space<vmem_shared>>) target_semaphore(%run_scoped3A : memref<!tpu.dma_semaphore, #tpu.memory_space<semaphore_mem>>)
      %dma_wait3A_561 = arith.constant 0 : i32
      %dma_wait3A_562 = tpu.memref_slice %arg11[%add3A_298, %dma_wait3A_561] : memref<10240x128xf32, #tpu.memory_space<vmem_shared>> -> memref<80x128xf32, #tpu.memory_space<vmem_shared>>
      %dma_wait3A_563 = arith.constant 0 : i32
      %dma_wait3A_564 = tpu.memref_slice %arg11[%add3A_298, %dma_wait3A_563] : memref<10240x128xf32, #tpu.memory_space<vmem_shared>> -> memref<80x128xf32, #tpu.memory_space<vmem_shared>>
      tpu.wait_dma2 semaphore(%run_scoped3A : memref<!tpu.dma_semaphore, #tpu.memory_space<semaphore_mem>>) src(%arg8 : memref<80x128xf32, #tpu.memory_space<vmem>>) dst(%dma_wait3A_564 : memref<80x128xf32, #tpu.memory_space<vmem_shared>>)
      tpu.yield
    }) : () -> ()
    %mul3A_299 = arith.constant 640 : i32
    %mul3A_300 = arith.muli %arg1, %mul3A_299 : i32
    %add3A_301 = arith.constant 240 : i32
    %add3A_302 = arith.addi %mul3A_300, %add3A_301 : i32
    "tpu.region"() ({
      %run_scoped3A = tpu.sem_alloc : memref<!tpu.dma_semaphore, #tpu.memory_space<semaphore_mem>>
      %dma_start3A_557 = arith.constant 0 : i32
      %dma_start3A_558 = tpu.memref_slice %arg11[%add3A_302, %dma_start3A_557] : memref<10240x128xf32, #tpu.memory_space<vmem_shared>> -> memref<80x128xf32, #tpu.memory_space<vmem_shared>>
      %dma_start3A_559 = arith.constant 0 : i32
      %dma_start3A_560 = tpu.memref_slice %arg11[%add3A_302, %dma_start3A_559] : memref<10240x128xf32, #tpu.memory_space<vmem_shared>> -> memref<80x128xf32, #tpu.memory_space<vmem_shared>>
      tpu.enqueue_dma source(%arg8 : memref<80x128xf32, #tpu.memory_space<vmem>>) target(%dma_start3A_560 : memref<80x128xf32, #tpu.memory_space<vmem_shared>>) target_semaphore(%run_scoped3A : memref<!tpu.dma_semaphore, #tpu.memory_space<semaphore_mem>>)
      %dma_wait3A_561 = arith.constant 0 : i32
      %dma_wait3A_562 = tpu.memref_slice %arg11[%add3A_302, %dma_wait3A_561] : memref<10240x128xf32, #tpu.memory_space<vmem_shared>> -> memref<80x128xf32, #tpu.memory_space<vmem_shared>>
      %dma_wait3A_563 = arith.constant 0 : i32
      %dma_wait3A_564 = tpu.memref_slice %arg11[%add3A_302, %dma_wait3A_563] : memref<10240x128xf32, #tpu.memory_space<vmem_shared>> -> memref<80x128xf32, #tpu.memory_space<vmem_shared>>
      tpu.wait_dma2 semaphore(%run_scoped3A : memref<!tpu.dma_semaphore, #tpu.memory_space<semaphore_mem>>) src(%arg8 : memref<80x128xf32, #tpu.memory_space<vmem>>) dst(%dma_wait3A_564 : memref<80x128xf32, #tpu.memory_space<vmem_shared>>)
      tpu.yield
    }) : () -> ()
    %mul3A_303 = arith.constant 640 : i32
    %mul3A_304 = arith.muli %arg1, %mul3A_303 : i32
    %add3A_305 = arith.constant 320 : i32
    %add3A_306 = arith.addi %mul3A_304, %add3A_305 : i32
    "tpu.region"() ({
      %run_scoped3A = tpu.sem_alloc : memref<!tpu.dma_semaphore, #tpu.memory_space<semaphore_mem>>
      %dma_start3A_557 = arith.constant 0 : i32
      %dma_start3A_558 = tpu.memref_slice %arg11[%add3A_306, %dma_start3A_557] : memref<10240x128xf32, #tpu.memory_space<vmem_shared>> -> memref<80x128xf32, #tpu.memory_space<vmem_shared>>
      %dma_start3A_559 = arith.constant 0 : i32
      %dma_start3A_560 = tpu.memref_slice %arg11[%add3A_306, %dma_start3A_559] : memref<10240x128xf32, #tpu.memory_space<vmem_shared>> -> memref<80x128xf32, #tpu.memory_space<vmem_shared>>
      tpu.enqueue_dma source(%arg8 : memref<80x128xf32, #tpu.memory_space<vmem>>) target(%dma_start3A_560 : memref<80x128xf32, #tpu.memory_space<vmem_shared>>) target_semaphore(%run_scoped3A : memref<!tpu.dma_semaphore, #tpu.memory_space<semaphore_mem>>)
      %dma_wait3A_561 = arith.constant 0 : i32
      %dma_wait3A_562 = tpu.memref_slice %arg11[%add3A_306, %dma_wait3A_561] : memref<10240x128xf32, #tpu.memory_space<vmem_shared>> -> memref<80x128xf32, #tpu.memory_space<vmem_shared>>
      %dma_wait3A_563 = arith.constant 0 : i32
      %dma_wait3A_564 = tpu.memref_slice %arg11[%add3A_306, %dma_wait3A_563] : memref<10240x128xf32, #tpu.memory_space<vmem_shared>> -> memref<80x128xf32, #tpu.memory_space<vmem_shared>>
      tpu.wait_dma2 semaphore(%run_scoped3A : memref<!tpu.dma_semaphore, #tpu.memory_space<semaphore_mem>>) src(%arg8 : memref<80x128xf32, #tpu.memory_space<vmem>>) dst(%dma_wait3A_564 : memref<80x128xf32, #tpu.memory_space<vmem_shared>>)
      tpu.yield
    }) : () -> ()
    %mul3A_307 = arith.constant 640 : i32
    %mul3A_308 = arith.muli %arg1, %mul3A_307 : i32
    %add3A_309 = arith.constant 400 : i32
    %add3A_310 = arith.addi %mul3A_308, %add3A_309 : i32
    "tpu.region"() ({
      %run_scoped3A = tpu.sem_alloc : memref<!tpu.dma_semaphore, #tpu.memory_space<semaphore_mem>>
      %dma_start3A_557 = arith.constant 0 : i32
      %dma_start3A_558 = tpu.memref_slice %arg11[%add3A_310, %dma_start3A_557] : memref<10240x128xf32, #tpu.memory_space<vmem_shared>> -> memref<80x128xf32, #tpu.memory_space<vmem_shared>>
      %dma_start3A_559 = arith.constant 0 : i32
      %dma_start3A_560 = tpu.memref_slice %arg11[%add3A_310, %dma_start3A_559] : memref<10240x128xf32, #tpu.memory_space<vmem_shared>> -> memref<80x128xf32, #tpu.memory_space<vmem_shared>>
      tpu.enqueue_dma source(%arg8 : memref<80x128xf32, #tpu.memory_space<vmem>>) target(%dma_start3A_560 : memref<80x128xf32, #tpu.memory_space<vmem_shared>>) target_semaphore(%run_scoped3A : memref<!tpu.dma_semaphore, #tpu.memory_space<semaphore_mem>>)
      %dma_wait3A_561 = arith.constant 0 : i32
      %dma_wait3A_562 = tpu.memref_slice %arg11[%add3A_310, %dma_wait3A_561] : memref<10240x128xf32, #tpu.memory_space<vmem_shared>> -> memref<80x128xf32, #tpu.memory_space<vmem_shared>>
      %dma_wait3A_563 = arith.constant 0 : i32
      %dma_wait3A_564 = tpu.memref_slice %arg11[%add3A_310, %dma_wait3A_563] : memref<10240x128xf32, #tpu.memory_space<vmem_shared>> -> memref<80x128xf32, #tpu.memory_space<vmem_shared>>
      tpu.wait_dma2 semaphore(%run_scoped3A : memref<!tpu.dma_semaphore, #tpu.memory_space<semaphore_mem>>) src(%arg8 : memref<80x128xf32, #tpu.memory_space<vmem>>) dst(%dma_wait3A_564 : memref<80x128xf32, #tpu.memory_space<vmem_shared>>)
      tpu.yield
    }) : () -> ()
    %mul3A_311 = arith.constant 640 : i32
    %mul3A_312 = arith.muli %arg1, %mul3A_311 : i32
    %add3A_313 = arith.constant 480 : i32
    %add3A_314 = arith.addi %mul3A_312, %add3A_313 : i32
    "tpu.region"() ({
      %run_scoped3A = tpu.sem_alloc : memref<!tpu.dma_semaphore, #tpu.memory_space<semaphore_mem>>
      %dma_start3A_557 = arith.constant 0 : i32
      %dma_start3A_558 = tpu.memref_slice %arg11[%add3A_314, %dma_start3A_557] : memref<10240x128xf32, #tpu.memory_space<vmem_shared>> -> memref<80x128xf32, #tpu.memory_space<vmem_shared>>
      %dma_start3A_559 = arith.constant 0 : i32
      %dma_start3A_560 = tpu.memref_slice %arg11[%add3A_314, %dma_start3A_559] : memref<10240x128xf32, #tpu.memory_space<vmem_shared>> -> memref<80x128xf32, #tpu.memory_space<vmem_shared>>
      tpu.enqueue_dma source(%arg8 : memref<80x128xf32, #tpu.memory_space<vmem>>) target(%dma_start3A_560 : memref<80x128xf32, #tpu.memory_space<vmem_shared>>) target_semaphore(%run_scoped3A : memref<!tpu.dma_semaphore, #tpu.memory_space<semaphore_mem>>)
      %dma_wait3A_561 = arith.constant 0 : i32
      %dma_wait3A_562 = tpu.memref_slice %arg11[%add3A_314, %dma_wait3A_561] : memref<10240x128xf32, #tpu.memory_space<vmem_shared>> -> memref<80x128xf32, #tpu.memory_space<vmem_shared>>
      %dma_wait3A_563 = arith.constant 0 : i32
      %dma_wait3A_564 = tpu.memref_slice %arg11[%add3A_314, %dma_wait3A_563] : memref<10240x128xf32, #tpu.memory_space<vmem_shared>> -> memref<80x128xf32, #tpu.memory_space<vmem_shared>>
      tpu.wait_dma2 semaphore(%run_scoped3A : memref<!tpu.dma_semaphore, #tpu.memory_space<semaphore_mem>>) src(%arg8 : memref<80x128xf32, #tpu.memory_space<vmem>>) dst(%dma_wait3A_564 : memref<80x128xf32, #tpu.memory_space<vmem_shared>>)
      tpu.yield
    }) : () -> ()
    %mul3A_315 = arith.constant 640 : i32
    %mul3A_316 = arith.muli %arg1, %mul3A_315 : i32
    %add3A_317 = arith.constant 560 : i32
    %add3A_318 = arith.addi %mul3A_316, %add3A_317 : i32
    "tpu.region"() ({
      %run_scoped3A = tpu.sem_alloc : memref<!tpu.dma_semaphore, #tpu.memory_space<semaphore_mem>>
      %dma_start3A_557 = arith.constant 0 : i32
      %dma_start3A_558 = tpu.memref_slice %arg11[%add3A_318, %dma_start3A_557] : memref<10240x128xf32, #tpu.memory_space<vmem_shared>> -> memref<80x128xf32, #tpu.memory_space<vmem_shared>>
      %dma_start3A_559 = arith.constant 0 : i32
      %dma_start3A_560 = tpu.memref_slice %arg11[%add3A_318, %dma_start3A_559] : memref<10240x128xf32, #tpu.memory_space<vmem_shared>> -> memref<80x128xf32, #tpu.memory_space<vmem_shared>>
      tpu.enqueue_dma source(%arg8 : memref<80x128xf32, #tpu.memory_space<vmem>>) target(%dma_start3A_560 : memref<80x128xf32, #tpu.memory_space<vmem_shared>>) target_semaphore(%run_scoped3A : memref<!tpu.dma_semaphore, #tpu.memory_space<semaphore_mem>>)
      %dma_wait3A_561 = arith.constant 0 : i32
      %dma_wait3A_562 = tpu.memref_slice %arg11[%add3A_318, %dma_wait3A_561] : memref<10240x128xf32, #tpu.memory_space<vmem_shared>> -> memref<80x128xf32, #tpu.memory_space<vmem_shared>>
      %dma_wait3A_563 = arith.constant 0 : i32
      %dma_wait3A_564 = tpu.memref_slice %arg11[%add3A_318, %dma_wait3A_563] : memref<10240x128xf32, #tpu.memory_space<vmem_shared>> -> memref<80x128xf32, #tpu.memory_space<vmem_shared>>
      tpu.wait_dma2 semaphore(%run_scoped3A : memref<!tpu.dma_semaphore, #tpu.memory_space<semaphore_mem>>) src(%arg8 : memref<80x128xf32, #tpu.memory_space<vmem>>) dst(%dma_wait3A_564 : memref<80x128xf32, #tpu.memory_space<vmem_shared>>)
      tpu.yield
    }) : () -> ()
    %barrier3A_319 = arith.constant 0 : index
    tpu.barrier barrier_id(%barrier3A_319)
    %mul3A_320 = arith.constant 64 : i32
    %mul3A_321 = arith.muli %arg1, %mul3A_320 : i32
    "tpu.region"() ({
      %run_scoped3A = tpu.sem_alloc : memref<!tpu.dma_semaphore, #tpu.memory_space<semaphore_mem>>
      %dma_start3A_557 = arith.constant 0 : i32
      %dma_start3A_558 = arith.constant 0 : i32
      %dma_start3A_559 = tpu.memref_slice %arg6[%dma_start3A_557, %dma_start3A_558] : memref<66x80xi32, #tpu.memory_space<vmem>> -> memref<64x80xi32, #tpu.memory_space<vmem>>
      %dma_start3A_560 = arith.constant 0 : i32
      %dma_start3A_561 = tpu.memref_slice %arg3[%add3A_278, %mul3A_321, %dma_start3A_560] : memref<4x1024x80xi32, #tpu.memory_space<hbm>> -> memref<1x64x80xi32, #tpu.memory_space<hbm>>
      %dma_start3A_562 = tpu.memref_squeeze %dma_start3A_561 : memref<1x64x80xi32, #tpu.memory_space<hbm>> -> memref<64x80xi32, #tpu.memory_space<hbm>>
      %dma_start3A_563 = arith.constant 0 : i32
      %dma_start3A_564 = arith.constant 0 : i32
      %dma_start3A_565 = tpu.memref_slice %arg6[%dma_start3A_563, %dma_start3A_564] : memref<66x80xi32, #tpu.memory_space<vmem>> -> memref<64x80xi32, #tpu.memory_space<vmem>>
      %dma_start3A_566 = arith.constant 0 : i32
      %dma_start3A_567 = tpu.memref_slice %arg3[%add3A_278, %mul3A_321, %dma_start3A_566] : memref<4x1024x80xi32, #tpu.memory_space<hbm>> -> memref<1x64x80xi32, #tpu.memory_space<hbm>>
      %dma_start3A_568 = tpu.memref_squeeze %dma_start3A_567 : memref<1x64x80xi32, #tpu.memory_space<hbm>> -> memref<64x80xi32, #tpu.memory_space<hbm>>
      tpu.enqueue_dma source(%dma_start3A_568 : memref<64x80xi32, #tpu.memory_space<hbm>>) target(%dma_start3A_565 : memref<64x80xi32, #tpu.memory_space<vmem>>) target_semaphore(%run_scoped3A : memref<!tpu.dma_semaphore, #tpu.memory_space<semaphore_mem>>)
      %dma_wait3A_569 = arith.constant 0 : i32
      %dma_wait3A_570 = arith.constant 0 : i32
      %dma_wait3A_571 = tpu.memref_slice %arg6[%dma_wait3A_569, %dma_wait3A_570] : memref<66x80xi32, #tpu.memory_space<vmem>> -> memref<64x80xi32, #tpu.memory_space<vmem>>
      %dma_wait3A_572 = arith.constant 0 : i32
      %dma_wait3A_573 = tpu.memref_slice %arg3[%add3A_278, %mul3A_321, %dma_wait3A_572] : memref<4x1024x80xi32, #tpu.memory_space<hbm>> -> memref<1x64x80xi32, #tpu.memory_space<hbm>>
      %dma_wait3A_574 = tpu.memref_squeeze %dma_wait3A_573 : memref<1x64x80xi32, #tpu.memory_space<hbm>> -> memref<64x80xi32, #tpu.memory_space<hbm>>
      %dma_wait3A_575 = arith.constant 0 : i32
      %dma_wait3A_576 = arith.constant 0 : i32
      %dma_wait3A_577 = tpu.memref_slice %arg6[%dma_wait3A_575, %dma_wait3A_576] : memref<66x80xi32, #tpu.memory_space<vmem>> -> memref<64x80xi32, #tpu.memory_space<vmem>>
      %dma_wait3A_578 = arith.constant 0 : i32
      %dma_wait3A_579 = tpu.memref_slice %arg3[%add3A_278, %mul3A_321, %dma_wait3A_578] : memref<4x1024x80xi32, #tpu.memory_space<hbm>> -> memref<1x64x80xi32, #tpu.memory_space<hbm>>
      %dma_wait3A_580 = tpu.memref_squeeze %dma_wait3A_579 : memref<1x64x80xi32, #tpu.memory_space<hbm>> -> memref<64x80xi32, #tpu.memory_space<hbm>>
      tpu.wait_dma2 semaphore(%run_scoped3A : memref<!tpu.dma_semaphore, #tpu.memory_space<semaphore_mem>>) src(%dma_wait3A_580 : memref<64x80xi32, #tpu.memory_space<hbm>>) dst(%dma_wait3A_577 : memref<64x80xi32, #tpu.memory_space<vmem>>)
      tpu.yield
    }) : () -> ()
    %mul3A_322 = arith.constant 64 : i32
    %mul3A_323 = arith.muli %arg1, %mul3A_322 : i32
    "tpu.region"() ({
      %run_scoped3A = tpu.sem_alloc : memref<!tpu.dma_semaphore, #tpu.memory_space<semaphore_mem>>
      %dma_start3A_557 = arith.constant 0 : i32
      %dma_start3A_558 = tpu.memref_slice %arg4[%add3A_278, %mul3A_323, %dma_start3A_557] : memref<4x1024x80xi32, #tpu.memory_space<hbm>> -> memref<1x64x80xi32, #tpu.memory_space<hbm>>
      %dma_start3A_559 = tpu.memref_squeeze %dma_start3A_558 : memref<1x64x80xi32, #tpu.memory_space<hbm>> -> memref<64x80xi32, #tpu.memory_space<hbm>>
      %dma_start3A_560 = arith.constant 0 : i32
      %dma_start3A_561 = tpu.memref_slice %arg4[%add3A_278, %mul3A_323, %dma_start3A_560] : memref<4x1024x80xi32, #tpu.memory_space<hbm>> -> memref<1x64x80xi32, #tpu.memory_space<hbm>>
      %dma_start3A_562 = tpu.memref_squeeze %dma_start3A_561 : memref<1x64x80xi32, #tpu.memory_space<hbm>> -> memref<64x80xi32, #tpu.memory_space<hbm>>
      tpu.enqueue_dma source(%dma_start3A_562 : memref<64x80xi32, #tpu.memory_space<hbm>>) target(%arg7 : memref<64x80xi32, #tpu.memory_space<vmem>>) target_semaphore(%run_scoped3A : memref<!tpu.dma_semaphore, #tpu.memory_space<semaphore_mem>>)
      %dma_wait3A_563 = arith.constant 0 : i32
      %dma_wait3A_564 = tpu.memref_slice %arg4[%add3A_278, %mul3A_323, %dma_wait3A_563] : memref<4x1024x80xi32, #tpu.memory_space<hbm>> -> memref<1x64x80xi32, #tpu.memory_space<hbm>>
      %dma_wait3A_565 = tpu.memref_squeeze %dma_wait3A_564 : memref<1x64x80xi32, #tpu.memory_space<hbm>> -> memref<64x80xi32, #tpu.memory_space<hbm>>
      %dma_wait3A_566 = arith.constant 0 : i32
      %dma_wait3A_567 = tpu.memref_slice %arg4[%add3A_278, %mul3A_323, %dma_wait3A_566] : memref<4x1024x80xi32, #tpu.memory_space<hbm>> -> memref<1x64x80xi32, #tpu.memory_space<hbm>>
      %dma_wait3A_568 = tpu.memref_squeeze %dma_wait3A_567 : memref<1x64x80xi32, #tpu.memory_space<hbm>> -> memref<64x80xi32, #tpu.memory_space<hbm>>
      tpu.wait_dma2 semaphore(%run_scoped3A : memref<!tpu.dma_semaphore, #tpu.memory_space<semaphore_mem>>) src(%dma_wait3A_568 : memref<64x80xi32, #tpu.memory_space<hbm>>) dst(%arg7 : memref<64x80xi32, #tpu.memory_space<vmem>>)
      tpu.yield
    }) : () -> ()
    %scan3A_324 = arith.constant 0 : i32
    %scan3A_325 = arith.constant 0 : i32
    %scan3A_326 = arith.constant 64 : i32
    %scan3A_327 = arith.addi %scan3A_325, %scan3A_326 : i32
    %scan3A_328 = arith.constant 1 : i32
    scf.for %scan3A_557 = %scan3A_325 to %scan3A_327 step %scan3A_328  : i32 {
      %get3A = arith.index_cast %scan3A_557 : i32 to index
      %get3A_558 = arith.constant 0 : index
      %get3A_559 = tpu.vector_load %arg6[%get3A, %get3A_558] {strides = array<i32>} : memref<66x80xi32, #tpu.memory_space<vmem>>, vector<16xi32>,
      %add3A_560 = vector.broadcast %mul3A_280 : i32 to vector<16xi32>
      %add3A_561 = arith.addi %get3A_559, %add3A_560 : vector<16xi32>
      %swap3A_562 = arith.index_cast %scan3A_557 : i32 to index
      %swap3A_563 = arith.constant 0 : index
      %swap3A_564 = tpu.vector_load %arg6[%swap3A_562, %swap3A_563] {strides = array<i32>} : memref<66x80xi32, #tpu.memory_space<vmem>>, vector<16xi32>,
      tpu.vector_store %arg6[%swap3A_562, %swap3A_563], %add3A_561 {strides = array<i32>} : memref<66x80xi32, #tpu.memory_space<vmem>>, vector<16xi32>,
      %get3A_565 = arith.index_cast %scan3A_557 : i32 to index
      %get3A_566 = arith.constant 16 : index
      %get3A_567 = tpu.vector_load %arg6[%get3A_565, %get3A_566] {strides = array<i32>} : memref<66x80xi32, #tpu.memory_space<vmem>>, vector<16xi32>,
      %add3A_568 = vector.broadcast %mul3A_280 : i32 to vector<16xi32>
      %add3A_569 = arith.addi %get3A_567, %add3A_568 : vector<16xi32>
      %swap3A_570 = arith.index_cast %scan3A_557 : i32 to index
      %swap3A_571 = arith.constant 16 : index
      %swap3A_572 = tpu.vector_load %arg6[%swap3A_570, %swap3A_571] {strides = array<i32>} : memref<66x80xi32, #tpu.memory_space<vmem>>, vector<16xi32>,
      tpu.vector_store %arg6[%swap3A_570, %swap3A_571], %add3A_569 {strides = array<i32>} : memref<66x80xi32, #tpu.memory_space<vmem>>, vector<16xi32>,
      %get3A_573 = arith.index_cast %scan3A_557 : i32 to index
      %get3A_574 = arith.constant 32 : index
      %get3A_575 = tpu.vector_load %arg6[%get3A_573, %get3A_574] {strides = array<i32>} : memref<66x80xi32, #tpu.memory_space<vmem>>, vector<16xi32>,
      %add3A_576 = vector.broadcast %mul3A_280 : i32 to vector<16xi32>
      %add3A_577 = arith.addi %get3A_575, %add3A_576 : vector<16xi32>
      %swap3A_578 = arith.index_cast %scan3A_557 : i32 to index
      %swap3A_579 = arith.constant 32 : index
      %swap3A_580 = tpu.vector_load %arg6[%swap3A_578, %swap3A_579] {strides = array<i32>} : memref<66x80xi32, #tpu.memory_space<vmem>>, vector<16xi32>,
      tpu.vector_store %arg6[%swap3A_578, %swap3A_579], %add3A_577 {strides = array<i32>} : memref<66x80xi32, #tpu.memory_space<vmem>>, vector<16xi32>,
      %get3A_581 = arith.index_cast %scan3A_557 : i32 to index
      %get3A_582 = arith.constant 48 : index
      %get3A_583 = tpu.vector_load %arg6[%get3A_581, %get3A_582] {strides = array<i32>} : memref<66x80xi32, #tpu.memory_space<vmem>>, vector<16xi32>,
      %add3A_584 = vector.broadcast %mul3A_280 : i32 to vector<16xi32>
      %add3A_585 = arith.addi %get3A_583, %add3A_584 : vector<16xi32>
      %swap3A_586 = arith.index_cast %scan3A_557 : i32 to index
      %swap3A_587 = arith.constant 48 : index
      %swap3A_588 = tpu.vector_load %arg6[%swap3A_586, %swap3A_587] {strides = array<i32>} : memref<66x80xi32, #tpu.memory_space<vmem>>, vector<16xi32>,
      tpu.vector_store %arg6[%swap3A_586, %swap3A_587], %add3A_585 {strides = array<i32>} : memref<66x80xi32, #tpu.memory_space<vmem>>, vector<16xi32>,
      %get3A_589 = arith.index_cast %scan3A_557 : i32 to index
      %get3A_590 = arith.constant 64 : index
      %get3A_591 = tpu.vector_load %arg6[%get3A_589, %get3A_590] {strides = array<i32>} : memref<66x80xi32, #tpu.memory_space<vmem>>, vector<16xi32>,
      %add3A_592 = vector.broadcast %mul3A_280 : i32 to vector<16xi32>
      %add3A_593 = arith.addi %get3A_591, %add3A_592 : vector<16xi32>
      %swap3A_594 = arith.index_cast %scan3A_557 : i32 to index
      %swap3A_595 = arith.constant 64 : index
      %swap3A_596 = tpu.vector_load %arg6[%swap3A_594, %swap3A_595] {strides = array<i32>} : memref<66x80xi32, #tpu.memory_space<vmem>>, vector<16xi32>,
      tpu.vector_store %arg6[%swap3A_594, %swap3A_595], %add3A_593 {strides = array<i32>} : memref<66x80xi32, #tpu.memory_space<vmem>>, vector<16xi32>,
    }
    %scan3A_329 = arith.constant 64 : i32
    %add3A_330 = arith.constant 10000 : i32
    %add3A_331 = arith.addi %mul3A_280, %add3A_330 : i32
    %iota3A_332 = tpu.iota {dimensions = array<i32: 0>} : vector<16xi32>
    %add3A_333 = vector.broadcast %add3A_331 : i32 to vector<16xi32>
    %add3A_334 = arith.addi %add3A_333, %iota3A_332 : vector<16xi32>
    %add3A_335 = arith.constant 0 : i32
    %add3A_336 = vector.broadcast %add3A_335 : i32 to vector<16xi32>
    %add3A_337 = arith.addi %add3A_334, %add3A_336 : vector<16xi32>
    %swap3A_338 = arith.constant 64 : i32
    %swap3A_339 = arith.index_cast %swap3A_338 : i32 to index
    %swap3A_340 = arith.constant 0 : index
    %swap3A_341 = tpu.vector_load %arg6[%swap3A_339, %swap3A_340] {strides = array<i32>} : memref<66x80xi32, #tpu.memory_space<vmem>>, vector<16xi32>,
    tpu.vector_store %arg6[%swap3A_339, %swap3A_340], %add3A_337 {strides = array<i32>} : memref<66x80xi32, #tpu.memory_space<vmem>>, vector<16xi32>,
    %add3A_342 = arith.constant 16 : i32
    %add3A_343 = vector.broadcast %add3A_342 : i32 to vector<16xi32>
    %add3A_344 = arith.addi %add3A_334, %add3A_343 : vector<16xi32>
    %swap3A_345 = arith.constant 64 : i32
    %swap3A_346 = arith.index_cast %swap3A_345 : i32 to index
    %swap3A_347 = arith.constant 16 : index
    %swap3A_348 = tpu.vector_load %arg6[%swap3A_346, %swap3A_347] {strides = array<i32>} : memref<66x80xi32, #tpu.memory_space<vmem>>, vector<16xi32>,
    tpu.vector_store %arg6[%swap3A_346, %swap3A_347], %add3A_344 {strides = array<i32>} : memref<66x80xi32, #tpu.memory_space<vmem>>, vector<16xi32>,
    %add3A_349 = arith.constant 32 : i32
    %add3A_350 = vector.broadcast %add3A_349 : i32 to vector<16xi32>
    %add3A_351 = arith.addi %add3A_334, %add3A_350 : vector<16xi32>
    %swap3A_352 = arith.constant 64 : i32
    %swap3A_353 = arith.index_cast %swap3A_352 : i32 to index
    %swap3A_354 = arith.constant 32 : index
    %swap3A_355 = tpu.vector_load %arg6[%swap3A_353, %swap3A_354] {strides = array<i32>} : memref<66x80xi32, #tpu.memory_space<vmem>>, vector<16xi32>,
    tpu.vector_store %arg6[%swap3A_353, %swap3A_354], %add3A_351 {strides = array<i32>} : memref<66x80xi32, #tpu.memory_space<vmem>>, vector<16xi32>,
    %add3A_356 = arith.constant 48 : i32
    %add3A_357 = vector.broadcast %add3A_356 : i32 to vector<16xi32>
    %add3A_358 = arith.addi %add3A_334, %add3A_357 : vector<16xi32>
    %swap3A_359 = arith.constant 64 : i32
    %swap3A_360 = arith.index_cast %swap3A_359 : i32 to index
    %swap3A_361 = arith.constant 48 : index
    %swap3A_362 = tpu.vector_load %arg6[%swap3A_360, %swap3A_361] {strides = array<i32>} : memref<66x80xi32, #tpu.memory_space<vmem>>, vector<16xi32>,
    tpu.vector_store %arg6[%swap3A_360, %swap3A_361], %add3A_358 {strides = array<i32>} : memref<66x80xi32, #tpu.memory_space<vmem>>, vector<16xi32>,
    %add3A_363 = arith.constant 64 : i32
    %add3A_364 = vector.broadcast %add3A_363 : i32 to vector<16xi32>
    %add3A_365 = arith.addi %add3A_334, %add3A_364 : vector<16xi32>
    %swap3A_366 = arith.constant 64 : i32
    %swap3A_367 = arith.index_cast %swap3A_366 : i32 to index
    %swap3A_368 = arith.constant 64 : index
    %swap3A_369 = tpu.vector_load %arg6[%swap3A_367, %swap3A_368] {strides = array<i32>} : memref<66x80xi32, #tpu.memory_space<vmem>>, vector<16xi32>,
    tpu.vector_store %arg6[%swap3A_367, %swap3A_368], %add3A_365 {strides = array<i32>} : memref<66x80xi32, #tpu.memory_space<vmem>>, vector<16xi32>,
    %add3A_370 = arith.constant 0 : i32
    %add3A_371 = vector.broadcast %add3A_370 : i32 to vector<16xi32>
    %add3A_372 = arith.addi %add3A_334, %add3A_371 : vector<16xi32>
    %swap3A_373 = arith.constant 65 : i32
    %swap3A_374 = arith.index_cast %swap3A_373 : i32 to index
    %swap3A_375 = arith.constant 0 : index
    %swap3A_376 = tpu.vector_load %arg6[%swap3A_374, %swap3A_375] {strides = array<i32>} : memref<66x80xi32, #tpu.memory_space<vmem>>, vector<16xi32>,
    tpu.vector_store %arg6[%swap3A_374, %swap3A_375], %add3A_372 {strides = array<i32>} : memref<66x80xi32, #tpu.memory_space<vmem>>, vector<16xi32>,
    %add3A_377 = arith.constant 16 : i32
    %add3A_378 = vector.broadcast %add3A_377 : i32 to vector<16xi32>
    %add3A_379 = arith.addi %add3A_334, %add3A_378 : vector<16xi32>
    %swap3A_380 = arith.constant 65 : i32
    %swap3A_381 = arith.index_cast %swap3A_380 : i32 to index
    %swap3A_382 = arith.constant 16 : index
    %swap3A_383 = tpu.vector_load %arg6[%swap3A_381, %swap3A_382] {strides = array<i32>} : memref<66x80xi32, #tpu.memory_space<vmem>>, vector<16xi32>,
    tpu.vector_store %arg6[%swap3A_381, %swap3A_382], %add3A_379 {strides = array<i32>} : memref<66x80xi32, #tpu.memory_space<vmem>>, vector<16xi32>,
    %add3A_384 = arith.constant 32 : i32
    %add3A_385 = vector.broadcast %add3A_384 : i32 to vector<16xi32>
    %add3A_386 = arith.addi %add3A_334, %add3A_385 : vector<16xi32>
    %swap3A_387 = arith.constant 65 : i32
    %swap3A_388 = arith.index_cast %swap3A_387 : i32 to index
    %swap3A_389 = arith.constant 32 : index
    %swap3A_390 = tpu.vector_load %arg6[%swap3A_388, %swap3A_389] {strides = array<i32>} : memref<66x80xi32, #tpu.memory_space<vmem>>, vector<16xi32>,
    tpu.vector_store %arg6[%swap3A_388, %swap3A_389], %add3A_386 {strides = array<i32>} : memref<66x80xi32, #tpu.memory_space<vmem>>, vector<16xi32>,
    %add3A_391 = arith.constant 48 : i32
    %add3A_392 = vector.broadcast %add3A_391 : i32 to vector<16xi32>
    %add3A_393 = arith.addi %add3A_334, %add3A_392 : vector<16xi32>
    %swap3A_394 = arith.constant 65 : i32
    %swap3A_395 = arith.index_cast %swap3A_394 : i32 to index
    %swap3A_396 = arith.constant 48 : index
    %swap3A_397 = tpu.vector_load %arg6[%swap3A_395, %swap3A_396] {strides = array<i32>} : memref<66x80xi32, #tpu.memory_space<vmem>>, vector<16xi32>,
    tpu.vector_store %arg6[%swap3A_395, %swap3A_396], %add3A_393 {strides = array<i32>} : memref<66x80xi32, #tpu.memory_space<vmem>>, vector<16xi32>,
    %add3A_398 = arith.constant 64 : i32
    %add3A_399 = vector.broadcast %add3A_398 : i32 to vector<16xi32>
    %add3A_400 = arith.addi %add3A_334, %add3A_399 : vector<16xi32>
    %swap3A_401 = arith.constant 65 : i32
    %swap3A_402 = arith.index_cast %swap3A_401 : i32 to index
    %swap3A_403 = arith.constant 64 : index
    %swap3A_404 = tpu.vector_load %arg6[%swap3A_402, %swap3A_403] {strides = array<i32>} : memref<66x80xi32, #tpu.memory_space<vmem>>, vector<16xi32>,
    tpu.vector_store %arg6[%swap3A_402, %swap3A_403], %add3A_400 {strides = array<i32>} : memref<66x80xi32, #tpu.memory_space<vmem>>, vector<16xi32>,
    %dma_start3A_405 = arith.constant 0 : i32
    %dma_start3A_406 = arith.constant 0 : i32
    %dma_start3A_407 = tpu.memref_slice %arg6[%dma_start3A_405, %dma_start3A_406] : memref<66x80xi32, #tpu.memory_space<vmem>> -> memref<1x80xi32, #tpu.memory_space<vmem>>
    %dma_start3A_408 = tpu.memref_squeeze %dma_start3A_407 : memref<1x80xi32, #tpu.memory_space<vmem>> -> memref<80xi32, #tpu.memory_space<vmem>>
    %dma_start3A_409 = arith.constant 0 : i32
    %dma_start3A_410 = arith.constant 0 : i32
    %dma_start3A_411 = tpu.memref_slice %arg2[%dma_start3A_409, %dma_start3A_410] : memref<40960x128xf32, #tpu.memory_space<hbm>> -> memref<40960x128xf32, #tpu.memory_space<hbm>>
    tpu.enqueue_indirect_dma source(%dma_start3A_411 : memref<40960x128xf32, #tpu.memory_space<hbm>>) target(%arg8 : memref<80x128xf32, #tpu.memory_space<vmem>>) offsets(%dma_start3A_408 : memref<80xi32, #tpu.memory_space<vmem>>) semaphore(%arg12 : memref<!tpu.dma_semaphore, #tpu.memory_space<semaphore_mem>>)
    %dma_start3A_412 = arith.constant 1 : i32
    %dma_start3A_413 = arith.constant 0 : i32
    %dma_start3A_414 = tpu.memref_slice %arg6[%dma_start3A_412, %dma_start3A_413] : memref<66x80xi32, #tpu.memory_space<vmem>> -> memref<1x80xi32, #tpu.memory_space<vmem>>
    %dma_start3A_415 = tpu.memref_squeeze %dma_start3A_414 : memref<1x80xi32, #tpu.memory_space<vmem>> -> memref<80xi32, #tpu.memory_space<vmem>>
    %dma_start3A_416 = arith.constant 0 : i32
    %dma_start3A_417 = arith.constant 0 : i32
    %dma_start3A_418 = tpu.memref_slice %arg2[%dma_start3A_416, %dma_start3A_417] : memref<40960x128xf32, #tpu.memory_space<hbm>> -> memref<40960x128xf32, #tpu.memory_space<hbm>>
    tpu.enqueue_indirect_dma source(%dma_start3A_418 : memref<40960x128xf32, #tpu.memory_space<hbm>>) target(%arg9 : memref<80x128xf32, #tpu.memory_space<vmem>>) offsets(%dma_start3A_415 : memref<80xi32, #tpu.memory_space<vmem>>) semaphore(%arg13 : memref<!tpu.dma_semaphore, #tpu.memory_space<semaphore_mem>>)
    %dma_wait3A_419 = arith.constant 0 : i32
    %dma_wait3A_420 = arith.constant 0 : i32
    %dma_wait3A_421 = tpu.memref_slice %arg6[%dma_wait3A_419, %dma_wait3A_420] : memref<66x80xi32, #tpu.memory_space<vmem>> -> memref<1x80xi32, #tpu.memory_space<vmem>>
    %dma_wait3A_422 = tpu.memref_squeeze %dma_wait3A_421 : memref<1x80xi32, #tpu.memory_space<vmem>> -> memref<80xi32, #tpu.memory_space<vmem>>
    %dma_wait3A_423 = arith.constant 0 : i32
    %dma_wait3A_424 = arith.constant 0 : i32
    %dma_wait3A_425 = tpu.memref_slice %arg2[%dma_wait3A_423, %dma_wait3A_424] : memref<40960x128xf32, #tpu.memory_space<hbm>> -> memref<40960x128xf32, #tpu.memory_space<hbm>>
    tpu.wait_indirect_dma semaphore(%arg12 : memref<!tpu.dma_semaphore, #tpu.memory_space<semaphore_mem>>) src(%dma_wait3A_425 : memref<40960x128xf32, #tpu.memory_space<hbm>>) dst(%arg8 : memref<80x128xf32, #tpu.memory_space<vmem>>)
    %dma_start3A_426 = arith.constant 0 : i32
    %dma_start3A_427 = arith.constant 0 : i32
    %dma_start3A_428 = tpu.memref_slice %arg7[%dma_start3A_426, %dma_start3A_427] : memref<64x80xi32, #tpu.memory_space<vmem>> -> memref<1x80xi32, #tpu.memory_space<vmem>>
    %dma_start3A_429 = tpu.memref_squeeze %dma_start3A_428 : memref<1x80xi32, #tpu.memory_space<vmem>> -> memref<80xi32, #tpu.memory_space<vmem>>
    %dma_start3A_430 = arith.constant 0 : i32
    %dma_start3A_431 = arith.constant 0 : i32
    %dma_start3A_432 = tpu.memref_slice %arg11[%dma_start3A_430, %dma_start3A_431] : memref<10240x128xf32, #tpu.memory_space<vmem_shared>> -> memref<10240x128xf32, #tpu.memory_space<vmem_shared>>
    tpu.enqueue_indirect_dma source(%arg8 : memref<80x128xf32, #tpu.memory_space<vmem>>) target(%dma_start3A_432 : memref<10240x128xf32, #tpu.memory_space<vmem_shared>>) offsets(%dma_start3A_429 : memref<80xi32, #tpu.memory_space<vmem>>) semaphore(%arg15 : memref<!tpu.dma_semaphore, #tpu.memory_space<semaphore_mem>>) {add = true}
    %dma_start3A_433 = arith.constant 2 : i32
    %dma_start3A_434 = arith.constant 0 : i32
    %dma_start3A_435 = tpu.memref_slice %arg6[%dma_start3A_433, %dma_start3A_434] : memref<66x80xi32, #tpu.memory_space<vmem>> -> memref<1x80xi32, #tpu.memory_space<vmem>>
    %dma_start3A_436 = tpu.memref_squeeze %dma_start3A_435 : memref<1x80xi32, #tpu.memory_space<vmem>> -> memref<80xi32, #tpu.memory_space<vmem>>
    %dma_start3A_437 = arith.constant 0 : i32
    %dma_start3A_438 = arith.constant 0 : i32
    %dma_start3A_439 = tpu.memref_slice %arg2[%dma_start3A_437, %dma_start3A_438] : memref<40960x128xf32, #tpu.memory_space<hbm>> -> memref<40960x128xf32, #tpu.memory_space<hbm>>
    tpu.enqueue_indirect_dma source(%dma_start3A_439 : memref<40960x128xf32, #tpu.memory_space<hbm>>) target(%arg10 : memref<80x128xf32, #tpu.memory_space<vmem>>) offsets(%dma_start3A_436 : memref<80xi32, #tpu.memory_space<vmem>>) semaphore(%arg14 : memref<!tpu.dma_semaphore, #tpu.memory_space<semaphore_mem>>)
    %dma_wait3A_440 = arith.constant 0 : i32
    %dma_wait3A_441 = arith.constant 0 : i32
    %dma_wait3A_442 = tpu.memref_slice %arg6[%dma_wait3A_440, %dma_wait3A_441] : memref<66x80xi32, #tpu.memory_space<vmem>> -> memref<1x80xi32, #tpu.memory_space<vmem>>
    %dma_wait3A_443 = tpu.memref_squeeze %dma_wait3A_442 : memref<1x80xi32, #tpu.memory_space<vmem>> -> memref<80xi32, #tpu.memory_space<vmem>>
    %dma_wait3A_444 = arith.constant 0 : i32
    %dma_wait3A_445 = arith.constant 0 : i32
    %dma_wait3A_446 = tpu.memref_slice %arg2[%dma_wait3A_444, %dma_wait3A_445] : memref<40960x128xf32, #tpu.memory_space<hbm>> -> memref<40960x128xf32, #tpu.memory_space<hbm>>
    tpu.wait_indirect_dma semaphore(%arg13 : memref<!tpu.dma_semaphore, #tpu.memory_space<semaphore_mem>>) src(%dma_wait3A_446 : memref<40960x128xf32, #tpu.memory_space<hbm>>) dst(%arg9 : memref<80x128xf32, #tpu.memory_space<vmem>>)
    %dma_start3A_447 = arith.constant 1 : i32
    %dma_start3A_448 = arith.constant 0 : i32
    %dma_start3A_449 = tpu.memref_slice %arg7[%dma_start3A_447, %dma_start3A_448] : memref<64x80xi32, #tpu.memory_space<vmem>> -> memref<1x80xi32, #tpu.memory_space<vmem>>
    %dma_start3A_450 = tpu.memref_squeeze %dma_start3A_449 : memref<1x80xi32, #tpu.memory_space<vmem>> -> memref<80xi32, #tpu.memory_space<vmem>>
    %dma_start3A_451 = arith.constant 0 : i32
    %dma_start3A_452 = arith.constant 0 : i32
    %dma_start3A_453 = tpu.memref_slice %arg11[%dma_start3A_451, %dma_start3A_452] : memref<10240x128xf32, #tpu.memory_space<vmem_shared>> -> memref<10240x128xf32, #tpu.memory_space<vmem_shared>>
    tpu.enqueue_indirect_dma source(%arg9 : memref<80x128xf32, #tpu.memory_space<vmem>>) target(%dma_start3A_453 : memref<10240x128xf32, #tpu.memory_space<vmem_shared>>) offsets(%dma_start3A_450 : memref<80xi32, #tpu.memory_space<vmem>>) semaphore(%arg16 : memref<!tpu.dma_semaphore, #tpu.memory_space<semaphore_mem>>) {add = true}
    %dma_wait3A_454 = arith.constant 0 : i32
    %dma_wait3A_455 = arith.constant 0 : i32
    %dma_wait3A_456 = tpu.memref_slice %arg7[%dma_wait3A_454, %dma_wait3A_455] : memref<64x80xi32, #tpu.memory_space<vmem>> -> memref<1x80xi32, #tpu.memory_space<vmem>>
    %dma_wait3A_457 = tpu.memref_squeeze %dma_wait3A_456 : memref<1x80xi32, #tpu.memory_space<vmem>> -> memref<80xi32, #tpu.memory_space<vmem>>
    %dma_wait3A_458 = arith.constant 0 : i32
    %dma_wait3A_459 = arith.constant 0 : i32
    %dma_wait3A_460 = tpu.memref_slice %arg11[%dma_wait3A_458, %dma_wait3A_459] : memref<10240x128xf32, #tpu.memory_space<vmem_shared>> -> memref<10240x128xf32, #tpu.memory_space<vmem_shared>>
    tpu.wait_indirect_dma semaphore(%arg15 : memref<!tpu.dma_semaphore, #tpu.memory_space<semaphore_mem>>) src(%arg8 : memref<80x128xf32, #tpu.memory_space<vmem>>) dst(%dma_wait3A_460 : memref<10240x128xf32, #tpu.memory_space<vmem_shared>>)
    %dma_start3A_461 = arith.constant 3 : i32
    %dma_start3A_462 = arith.constant 0 : i32
    %dma_start3A_463 = tpu.memref_slice %arg6[%dma_start3A_461, %dma_start3A_462] : memref<66x80xi32, #tpu.memory_space<vmem>> -> memref<1x80xi32, #tpu.memory_space<vmem>>
    %dma_start3A_464 = tpu.memref_squeeze %dma_start3A_463 : memref<1x80xi32, #tpu.memory_space<vmem>> -> memref<80xi32, #tpu.memory_space<vmem>>
    %dma_start3A_465 = arith.constant 0 : i32
    %dma_start3A_466 = arith.constant 0 : i32
    %dma_start3A_467 = tpu.memref_slice %arg2[%dma_start3A_465, %dma_start3A_466] : memref<40960x128xf32, #tpu.memory_space<hbm>> -> memref<40960x128xf32, #tpu.memory_space<hbm>>
    tpu.enqueue_indirect_dma source(%dma_start3A_467 : memref<40960x128xf32, #tpu.memory_space<hbm>>) target(%arg8 : memref<80x128xf32, #tpu.memory_space<vmem>>) offsets(%dma_start3A_464 : memref<80xi32, #tpu.memory_space<vmem>>) semaphore(%arg12 : memref<!tpu.dma_semaphore, #tpu.memory_space<semaphore_mem>>)
    %dma_wait3A_468 = arith.constant 0 : i32
    %dma_wait3A_469 = arith.constant 0 : i32
    %dma_wait3A_470 = tpu.memref_slice %arg6[%dma_wait3A_468, %dma_wait3A_469] : memref<66x80xi32, #tpu.memory_space<vmem>> -> memref<1x80xi32, #tpu.memory_space<vmem>>
    %dma_wait3A_471 = tpu.memref_squeeze %dma_wait3A_470 : memref<1x80xi32, #tpu.memory_space<vmem>> -> memref<80xi32, #tpu.memory_space<vmem>>
    %dma_wait3A_472 = arith.constant 0 : i32
    %dma_wait3A_473 = arith.constant 0 : i32
    %dma_wait3A_474 = tpu.memref_slice %arg2[%dma_wait3A_472, %dma_wait3A_473] : memref<40960x128xf32, #tpu.memory_space<hbm>> -> memref<40960x128xf32, #tpu.memory_space<hbm>>
    tpu.wait_indirect_dma semaphore(%arg14 : memref<!tpu.dma_semaphore, #tpu.memory_space<semaphore_mem>>) src(%dma_wait3A_474 : memref<40960x128xf32, #tpu.memory_space<hbm>>) dst(%arg10 : memref<80x128xf32, #tpu.memory_space<vmem>>)
    %dma_start3A_475 = arith.constant 2 : i32
    %dma_start3A_476 = arith.constant 0 : i32
    %dma_start3A_477 = tpu.memref_slice %arg7[%dma_start3A_475, %dma_start3A_476] : memref<64x80xi32, #tpu.memory_space<vmem>> -> memref<1x80xi32, #tpu.memory_space<vmem>>
    %dma_start3A_478 = tpu.memref_squeeze %dma_start3A_477 : memref<1x80xi32, #tpu.memory_space<vmem>> -> memref<80xi32, #tpu.memory_space<vmem>>
    %dma_start3A_479 = arith.constant 0 : i32
    %dma_start3A_480 = arith.constant 0 : i32
    %dma_start3A_481 = tpu.memref_slice %arg11[%dma_start3A_479, %dma_start3A_480] : memref<10240x128xf32, #tpu.memory_space<vmem_shared>> -> memref<10240x128xf32, #tpu.memory_space<vmem_shared>>
    tpu.enqueue_indirect_dma source(%arg10 : memref<80x128xf32, #tpu.memory_space<vmem>>) target(%dma_start3A_481 : memref<10240x128xf32, #tpu.memory_space<vmem_shared>>) offsets(%dma_start3A_478 : memref<80xi32, #tpu.memory_space<vmem>>) semaphore(%arg17 : memref<!tpu.dma_semaphore, #tpu.memory_space<semaphore_mem>>) {add = true}
    %dma_wait3A_482 = arith.constant 0 : i32
    %dma_wait3A_483 = arith.constant 0 : i32
    %dma_wait3A_484 = tpu.memref_slice %arg7[%dma_wait3A_482, %dma_wait3A_483] : memref<64x80xi32, #tpu.memory_space<vmem>> -> memref<1x80xi32, #tpu.memory_space<vmem>>
    %dma_wait3A_485 = tpu.memref_squeeze %dma_wait3A_484 : memref<1x80xi32, #tpu.memory_space<vmem>> -> memref<80xi32, #tpu.memory_space<vmem>>
    %dma_wait3A_486 = arith.constant 0 : i32
    %dma_wait3A_487 = arith.constant 0 : i32
    %dma_wait3A_488 = tpu.memref_slice %arg11[%dma_wait3A_486, %dma_wait3A_487] : memref<10240x128xf32, #tpu.memory_space<vmem_shared>> -> memref<10240x128xf32, #tpu.memory_space<vmem_shared>>
    tpu.wait_indirect_dma semaphore(%arg16 : memref<!tpu.dma_semaphore, #tpu.memory_space<semaphore_mem>>) src(%arg9 : memref<80x128xf32, #tpu.memory_space<vmem>>) dst(%dma_wait3A_488 : memref<10240x128xf32, #tpu.memory_space<vmem_shared>>)
    %dma_start3A_489 = arith.constant 4 : i32
    %dma_start3A_490 = arith.constant 0 : i32
    %dma_start3A_491 = tpu.memref_slice %arg6[%dma_start3A_489, %dma_start3A_490] : memref<66x80xi32, #tpu.memory_space<vmem>> -> memref<1x80xi32, #tpu.memory_space<vmem>>
    %dma_start3A_492 = tpu.memref_squeeze %dma_start3A_491 : memref<1x80xi32, #tpu.memory_space<vmem>> -> memref<80xi32, #tpu.memory_space<vmem>>
    %dma_start3A_493 = arith.constant 0 : i32
    %dma_start3A_494 = arith.constant 0 : i32
    %dma_start3A_495 = tpu.memref_slice %arg2[%dma_start3A_493, %dma_start3A_494] : memref<40960x128xf32, #tpu.memory_space<hbm>> -> memref<40960x128xf32, #tpu.memory_space<hbm>>
    tpu.enqueue_indirect_dma source(%dma_start3A_495 : memref<40960x128xf32, #tpu.memory_space<hbm>>) target(%arg9 : memref<80x128xf32, #tpu.memory_space<vmem>>) offsets(%dma_start3A_492 : memref<80xi32, #tpu.memory_space<vmem>>) semaphore(%arg13 : memref<!tpu.dma_semaphore, #tpu.memory_space<semaphore_mem>>)
    %scan3A_496 = arith.constant 0 : i32
    %scan3A_497 = arith.constant 1 : i32
    %scan3A_498 = arith.constant 20 : i32
    %scan3A_499 = arith.addi %scan3A_497, %scan3A_498 : i32
    %scan3A_500 = arith.constant 1 : i32
    scf.for %scan3A_557 = %scan3A_497 to %scan3A_499 step %scan3A_500  : i32 {
      %mul3A_558 = arith.constant 3 : i32
      %mul3A_559 = arith.muli %scan3A_557, %mul3A_558 : i32
      %dma_wait3A_560 = arith.constant 0 : i32
      %dma_wait3A_561 = arith.constant 0 : i32
      %dma_wait3A_562 = tpu.memref_slice %arg6[%dma_wait3A_560, %dma_wait3A_561] : memref<66x80xi32, #tpu.memory_space<vmem>> -> memref<1x80xi32, #tpu.memory_space<vmem>>
      %dma_wait3A_563 = tpu.memref_squeeze %dma_wait3A_562 : memref<1x80xi32, #tpu.memory_space<vmem>> -> memref<80xi32, #tpu.memory_space<vmem>>
      %dma_wait3A_564 = arith.constant 0 : i32
      %dma_wait3A_565 = arith.constant 0 : i32
      %dma_wait3A_566 = tpu.memref_slice %arg2[%dma_wait3A_564, %dma_wait3A_565] : memref<40960x128xf32, #tpu.memory_space<hbm>> -> memref<40960x128xf32, #tpu.memory_space<hbm>>
      tpu.wait_indirect_dma semaphore(%arg12 : memref<!tpu.dma_semaphore, #tpu.memory_space<semaphore_mem>>) src(%dma_wait3A_566 : memref<40960x128xf32, #tpu.memory_space<hbm>>) dst(%arg8 : memref<80x128xf32, #tpu.memory_space<vmem>>)
      %dma_start3A_567 = arith.constant 0 : i32
      %dma_start3A_568 = tpu.memref_slice %arg7[%mul3A_559, %dma_start3A_567] : memref<64x80xi32, #tpu.memory_space<vmem>> -> memref<1x80xi32, #tpu.memory_space<vmem>>
      %dma_start3A_569 = tpu.memref_squeeze %dma_start3A_568 : memref<1x80xi32, #tpu.memory_space<vmem>> -> memref<80xi32, #tpu.memory_space<vmem>>
      %dma_start3A_570 = arith.constant 0 : i32
      %dma_start3A_571 = arith.constant 0 : i32
      %dma_start3A_572 = tpu.memref_slice %arg11[%dma_start3A_570, %dma_start3A_571] : memref<10240x128xf32, #tpu.memory_space<vmem_shared>> -> memref<10240x128xf32, #tpu.memory_space<vmem_shared>>
      tpu.enqueue_indirect_dma source(%arg8 : memref<80x128xf32, #tpu.memory_space<vmem>>) target(%dma_start3A_572 : memref<10240x128xf32, #tpu.memory_space<vmem_shared>>) offsets(%dma_start3A_569 : memref<80xi32, #tpu.memory_space<vmem>>) semaphore(%arg15 : memref<!tpu.dma_semaphore, #tpu.memory_space<semaphore_mem>>) {add = true}
      %dma_wait3A_573 = arith.constant 0 : i32
      %dma_wait3A_574 = arith.constant 0 : i32
      %dma_wait3A_575 = tpu.memref_slice %arg7[%dma_wait3A_573, %dma_wait3A_574] : memref<64x80xi32, #tpu.memory_space<vmem>> -> memref<1x80xi32, #tpu.memory_space<vmem>>
      %dma_wait3A_576 = tpu.memref_squeeze %dma_wait3A_575 : memref<1x80xi32, #tpu.memory_space<vmem>> -> memref<80xi32, #tpu.memory_space<vmem>>
      %dma_wait3A_577 = arith.constant 0 : i32
      %dma_wait3A_578 = arith.constant 0 : i32
      %dma_wait3A_579 = tpu.memref_slice %arg11[%dma_wait3A_577, %dma_wait3A_578] : memref<10240x128xf32, #tpu.memory_space<vmem_shared>> -> memref<10240x128xf32, #tpu.memory_space<vmem_shared>>
      tpu.wait_indirect_dma semaphore(%arg17 : memref<!tpu.dma_semaphore, #tpu.memory_space<semaphore_mem>>) src(%arg10 : memref<80x128xf32, #tpu.memory_space<vmem>>) dst(%dma_wait3A_579 : memref<10240x128xf32, #tpu.memory_space<vmem_shared>>)
      %add3A_580 = arith.constant 2 : i32
      %add3A_581 = arith.addi %mul3A_559, %add3A_580 : i32
      %dma_start3A_582 = arith.constant 0 : i32
      %dma_start3A_583 = tpu.memref_slice %arg6[%add3A_581, %dma_start3A_582] : memref<66x80xi32, #tpu.memory_space<vmem>> -> memref<1x80xi32, #tpu.memory_space<vmem>>
      %dma_start3A_584 = tpu.memref_squeeze %dma_start3A_583 : memref<1x80xi32, #tpu.memory_space<vmem>> -> memref<80xi32, #tpu.memory_space<vmem>>
      %dma_start3A_585 = arith.constant 0 : i32
      %dma_start3A_586 = arith.constant 0 : i32
      %dma_start3A_587 = tpu.memref_slice %arg2[%dma_start3A_585, %dma_start3A_586] : memref<40960x128xf32, #tpu.memory_space<hbm>> -> memref<40960x128xf32, #tpu.memory_space<hbm>>
      tpu.enqueue_indirect_dma source(%dma_start3A_587 : memref<40960x128xf32, #tpu.memory_space<hbm>>) target(%arg10 : memref<80x128xf32, #tpu.memory_space<vmem>>) offsets(%dma_start3A_584 : memref<80xi32, #tpu.memory_space<vmem>>) semaphore(%arg14 : memref<!tpu.dma_semaphore, #tpu.memory_space<semaphore_mem>>)
      %add3A_588 = arith.constant 1 : i32
      %add3A_589 = arith.addi %mul3A_559, %add3A_588 : i32
      %dma_wait3A_590 = arith.constant 0 : i32
      %dma_wait3A_591 = arith.constant 0 : i32
      %dma_wait3A_592 = tpu.memref_slice %arg6[%dma_wait3A_590, %dma_wait3A_591] : memref<66x80xi32, #tpu.memory_space<vmem>> -> memref<1x80xi32, #tpu.memory_space<vmem>>
      %dma_wait3A_593 = tpu.memref_squeeze %dma_wait3A_592 : memref<1x80xi32, #tpu.memory_space<vmem>> -> memref<80xi32, #tpu.memory_space<vmem>>
      %dma_wait3A_594 = arith.constant 0 : i32
      %dma_wait3A_595 = arith.constant 0 : i32
      %dma_wait3A_596 = tpu.memref_slice %arg2[%dma_wait3A_594, %dma_wait3A_595] : memref<40960x128xf32, #tpu.memory_space<hbm>> -> memref<40960x128xf32, #tpu.memory_space<hbm>>
      tpu.wait_indirect_dma semaphore(%arg13 : memref<!tpu.dma_semaphore, #tpu.memory_space<semaphore_mem>>) src(%dma_wait3A_596 : memref<40960x128xf32, #tpu.memory_space<hbm>>) dst(%arg9 : memref<80x128xf32, #tpu.memory_space<vmem>>)
      %dma_start3A_597 = arith.constant 0 : i32
      %dma_start3A_598 = tpu.memref_slice %arg7[%add3A_589, %dma_start3A_597] : memref<64x80xi32, #tpu.memory_space<vmem>> -> memref<1x80xi32, #tpu.memory_space<vmem>>
      %dma_start3A_599 = tpu.memref_squeeze %dma_start3A_598 : memref<1x80xi32, #tpu.memory_space<vmem>> -> memref<80xi32, #tpu.memory_space<vmem>>
      %dma_start3A_600 = arith.constant 0 : i32
      %dma_start3A_601 = arith.constant 0 : i32
      %dma_start3A_602 = tpu.memref_slice %arg11[%dma_start3A_600, %dma_start3A_601] : memref<10240x128xf32, #tpu.memory_space<vmem_shared>> -> memref<10240x128xf32, #tpu.memory_space<vmem_shared>>
      tpu.enqueue_indirect_dma source(%arg9 : memref<80x128xf32, #tpu.memory_space<vmem>>) target(%dma_start3A_602 : memref<10240x128xf32, #tpu.memory_space<vmem_shared>>) offsets(%dma_start3A_599 : memref<80xi32, #tpu.memory_space<vmem>>) semaphore(%arg16 : memref<!tpu.dma_semaphore, #tpu.memory_space<semaphore_mem>>) {add = true}
      %dma_wait3A_603 = arith.constant 0 : i32
      %dma_wait3A_604 = arith.constant 0 : i32
      %dma_wait3A_605 = tpu.memref_slice %arg7[%dma_wait3A_603, %dma_wait3A_604] : memref<64x80xi32, #tpu.memory_space<vmem>> -> memref<1x80xi32, #tpu.memory_space<vmem>>
      %dma_wait3A_606 = tpu.memref_squeeze %dma_wait3A_605 : memref<1x80xi32, #tpu.memory_space<vmem>> -> memref<80xi32, #tpu.memory_space<vmem>>
      %dma_wait3A_607 = arith.constant 0 : i32
      %dma_wait3A_608 = arith.constant 0 : i32
      %dma_wait3A_609 = tpu.memref_slice %arg11[%dma_wait3A_607, %dma_wait3A_608] : memref<10240x128xf32, #tpu.memory_space<vmem_shared>> -> memref<10240x128xf32, #tpu.memory_space<vmem_shared>>
      tpu.wait_indirect_dma semaphore(%arg15 : memref<!tpu.dma_semaphore, #tpu.memory_space<semaphore_mem>>) src(%arg8 : memref<80x128xf32, #tpu.memory_space<vmem>>) dst(%dma_wait3A_609 : memref<10240x128xf32, #tpu.memory_space<vmem_shared>>)
      %add3A_610 = arith.constant 2 : i32
      %add3A_611 = arith.addi %add3A_589, %add3A_610 : i32
      %dma_start3A_612 = arith.constant 0 : i32
      %dma_start3A_613 = tpu.memref_slice %arg6[%add3A_611, %dma_start3A_612] : memref<66x80xi32, #tpu.memory_space<vmem>> -> memref<1x80xi32, #tpu.memory_space<vmem>>
      %dma_start3A_614 = tpu.memref_squeeze %dma_start3A_613 : memref<1x80xi32, #tpu.memory_space<vmem>> -> memref<80xi32, #tpu.memory_space<vmem>>
      %dma_start3A_615 = arith.constant 0 : i32
      %dma_start3A_616 = arith.constant 0 : i32
      %dma_start3A_617 = tpu.memref_slice %arg2[%dma_start3A_615, %dma_start3A_616] : memref<40960x128xf32, #tpu.memory_space<hbm>> -> memref<40960x128xf32, #tpu.memory_space<hbm>>
      tpu.enqueue_indirect_dma source(%dma_start3A_617 : memref<40960x128xf32, #tpu.memory_space<hbm>>) target(%arg8 : memref<80x128xf32, #tpu.memory_space<vmem>>) offsets(%dma_start3A_614 : memref<80xi32, #tpu.memory_space<vmem>>) semaphore(%arg12 : memref<!tpu.dma_semaphore, #tpu.memory_space<semaphore_mem>>)
      %add3A_618 = arith.constant 2 : i32
      %add3A_619 = arith.addi %mul3A_559, %add3A_618 : i32
      %dma_wait3A_620 = arith.constant 0 : i32
      %dma_wait3A_621 = arith.constant 0 : i32
      %dma_wait3A_622 = tpu.memref_slice %arg6[%dma_wait3A_620, %dma_wait3A_621] : memref<66x80xi32, #tpu.memory_space<vmem>> -> memref<1x80xi32, #tpu.memory_space<vmem>>
      %dma_wait3A_623 = tpu.memref_squeeze %dma_wait3A_622 : memref<1x80xi32, #tpu.memory_space<vmem>> -> memref<80xi32, #tpu.memory_space<vmem>>
      %dma_wait3A_624 = arith.constant 0 : i32
      %dma_wait3A_625 = arith.constant 0 : i32
      %dma_wait3A_626 = tpu.memref_slice %arg2[%dma_wait3A_624, %dma_wait3A_625] : memref<40960x128xf32, #tpu.memory_space<hbm>> -> memref<40960x128xf32, #tpu.memory_space<hbm>>
      tpu.wait_indirect_dma semaphore(%arg14 : memref<!tpu.dma_semaphore, #tpu.memory_space<semaphore_mem>>) src(%dma_wait3A_626 : memref<40960x128xf32, #tpu.memory_space<hbm>>) dst(%arg10 : memref<80x128xf32, #tpu.memory_space<vmem>>)
      %dma_start3A_627 = arith.constant 0 : i32
      %dma_start3A_628 = tpu.memref_slice %arg7[%add3A_619, %dma_start3A_627] : memref<64x80xi32, #tpu.memory_space<vmem>> -> memref<1x80xi32, #tpu.memory_space<vmem>>
      %dma_start3A_629 = tpu.memref_squeeze %dma_start3A_628 : memref<1x80xi32, #tpu.memory_space<vmem>> -> memref<80xi32, #tpu.memory_space<vmem>>
      %dma_start3A_630 = arith.constant 0 : i32
      %dma_start3A_631 = arith.constant 0 : i32
      %dma_start3A_632 = tpu.memref_slice %arg11[%dma_start3A_630, %dma_start3A_631] : memref<10240x128xf32, #tpu.memory_space<vmem_shared>> -> memref<10240x128xf32, #tpu.memory_space<vmem_shared>>
      tpu.enqueue_indirect_dma source(%arg10 : memref<80x128xf32, #tpu.memory_space<vmem>>) target(%dma_start3A_632 : memref<10240x128xf32, #tpu.memory_space<vmem_shared>>) offsets(%dma_start3A_629 : memref<80xi32, #tpu.memory_space<vmem>>) semaphore(%arg17 : memref<!tpu.dma_semaphore, #tpu.memory_space<semaphore_mem>>) {add = true}
      %dma_wait3A_633 = arith.constant 0 : i32
      %dma_wait3A_634 = arith.constant 0 : i32
      %dma_wait3A_635 = tpu.memref_slice %arg7[%dma_wait3A_633, %dma_wait3A_634] : memref<64x80xi32, #tpu.memory_space<vmem>> -> memref<1x80xi32, #tpu.memory_space<vmem>>
      %dma_wait3A_636 = tpu.memref_squeeze %dma_wait3A_635 : memref<1x80xi32, #tpu.memory_space<vmem>> -> memref<80xi32, #tpu.memory_space<vmem>>
      %dma_wait3A_637 = arith.constant 0 : i32
      %dma_wait3A_638 = arith.constant 0 : i32
      %dma_wait3A_639 = tpu.memref_slice %arg11[%dma_wait3A_637, %dma_wait3A_638] : memref<10240x128xf32, #tpu.memory_space<vmem_shared>> -> memref<10240x128xf32, #tpu.memory_space<vmem_shared>>
      tpu.wait_indirect_dma semaphore(%arg16 : memref<!tpu.dma_semaphore, #tpu.memory_space<semaphore_mem>>) src(%arg9 : memref<80x128xf32, #tpu.memory_space<vmem>>) dst(%dma_wait3A_639 : memref<10240x128xf32, #tpu.memory_space<vmem_shared>>)
      %add3A_640 = arith.constant 2 : i32
      %add3A_641 = arith.addi %add3A_619, %add3A_640 : i32
      %dma_start3A_642 = arith.constant 0 : i32
      %dma_start3A_643 = tpu.memref_slice %arg6[%add3A_641, %dma_start3A_642] : memref<66x80xi32, #tpu.memory_space<vmem>> -> memref<1x80xi32, #tpu.memory_space<vmem>>
      %dma_start3A_644 = tpu.memref_squeeze %dma_start3A_643 : memref<1x80xi32, #tpu.memory_space<vmem>> -> memref<80xi32, #tpu.memory_space<vmem>>
      %dma_start3A_645 = arith.constant 0 : i32
      %dma_start3A_646 = arith.constant 0 : i32
      %dma_start3A_647 = tpu.memref_slice %arg2[%dma_start3A_645, %dma_start3A_646] : memref<40960x128xf32, #tpu.memory_space<hbm>> -> memref<40960x128xf32, #tpu.memory_space<hbm>>
      tpu.enqueue_indirect_dma source(%dma_start3A_647 : memref<40960x128xf32, #tpu.memory_space<hbm>>) target(%arg9 : memref<80x128xf32, #tpu.memory_space<vmem>>) offsets(%dma_start3A_644 : memref<80xi32, #tpu.memory_space<vmem>>) semaphore(%arg13 : memref<!tpu.dma_semaphore, #tpu.memory_space<semaphore_mem>>)
    }
    %scan3A_501 = arith.constant 20 : i32
    %dma_wait3A_502 = arith.constant 0 : i32
    %dma_wait3A_503 = arith.constant 0 : i32
    %dma_wait3A_504 = tpu.memref_slice %arg6[%dma_wait3A_502, %dma_wait3A_503] : memref<66x80xi32, #tpu.memory_space<vmem>> -> memref<1x80xi32, #tpu.memory_space<vmem>>
    %dma_wait3A_505 = tpu.memref_squeeze %dma_wait3A_504 : memref<1x80xi32, #tpu.memory_space<vmem>> -> memref<80xi32, #tpu.memory_space<vmem>>
    %dma_wait3A_506 = arith.constant 0 : i32
    %dma_wait3A_507 = arith.constant 0 : i32
    %dma_wait3A_508 = tpu.memref_slice %arg2[%dma_wait3A_506, %dma_wait3A_507] : memref<40960x128xf32, #tpu.memory_space<hbm>> -> memref<40960x128xf32, #tpu.memory_space<hbm>>
    tpu.wait_indirect_dma semaphore(%arg12 : memref<!tpu.dma_semaphore, #tpu.memory_space<semaphore_mem>>) src(%dma_wait3A_508 : memref<40960x128xf32, #tpu.memory_space<hbm>>) dst(%arg8 : memref<80x128xf32, #tpu.memory_space<vmem>>)
    %dma_start3A_509 = arith.constant 63 : i32
    %dma_start3A_510 = arith.constant 0 : i32
    %dma_start3A_511 = tpu.memref_slice %arg7[%dma_start3A_509, %dma_start3A_510] : memref<64x80xi32, #tpu.memory_space<vmem>> -> memref<1x80xi32, #tpu.memory_space<vmem>>
    %dma_start3A_512 = tpu.memref_squeeze %dma_start3A_511 : memref<1x80xi32, #tpu.memory_space<vmem>> -> memref<80xi32, #tpu.memory_space<vmem>>
    %dma_start3A_513 = arith.constant 0 : i32
    %dma_start3A_514 = arith.constant 0 : i32
    %dma_start3A_515 = tpu.memref_slice %arg11[%dma_start3A_513, %dma_start3A_514] : memref<10240x128xf32, #tpu.memory_space<vmem_shared>> -> memref<10240x128xf32, #tpu.memory_space<vmem_shared>>
    tpu.enqueue_indirect_dma source(%arg8 : memref<80x128xf32, #tpu.memory_space<vmem>>) target(%dma_start3A_515 : memref<10240x128xf32, #tpu.memory_space<vmem_shared>>) offsets(%dma_start3A_512 : memref<80xi32, #tpu.memory_space<vmem>>) semaphore(%arg15 : memref<!tpu.dma_semaphore, #tpu.memory_space<semaphore_mem>>) {add = true}
    %dma_wait3A_516 = arith.constant 0 : i32
    %dma_wait3A_517 = arith.constant 0 : i32
    %dma_wait3A_518 = tpu.memref_slice %arg7[%dma_wait3A_516, %dma_wait3A_517] : memref<64x80xi32, #tpu.memory_space<vmem>> -> memref<1x80xi32, #tpu.memory_space<vmem>>
    %dma_wait3A_519 = tpu.memref_squeeze %dma_wait3A_518 : memref<1x80xi32, #tpu.memory_space<vmem>> -> memref<80xi32, #tpu.memory_space<vmem>>
    %dma_wait3A_520 = arith.constant 0 : i32
    %dma_wait3A_521 = arith.constant 0 : i32
    %dma_wait3A_522 = tpu.memref_slice %arg11[%dma_wait3A_520, %dma_wait3A_521] : memref<10240x128xf32, #tpu.memory_space<vmem_shared>> -> memref<10240x128xf32, #tpu.memory_space<vmem_shared>>
    tpu.wait_indirect_dma semaphore(%arg17 : memref<!tpu.dma_semaphore, #tpu.memory_space<semaphore_mem>>) src(%arg10 : memref<80x128xf32, #tpu.memory_space<vmem>>) dst(%dma_wait3A_522 : memref<10240x128xf32, #tpu.memory_space<vmem_shared>>)
    %dma_start3A_523 = arith.constant 65 : i32
    %dma_start3A_524 = arith.constant 0 : i32
    %dma_start3A_525 = tpu.memref_slice %arg6[%dma_start3A_523, %dma_start3A_524] : memref<66x80xi32, #tpu.memory_space<vmem>> -> memref<1x80xi32, #tpu.memory_space<vmem>>
    %dma_start3A_526 = tpu.memref_squeeze %dma_start3A_525 : memref<1x80xi32, #tpu.memory_space<vmem>> -> memref<80xi32, #tpu.memory_space<vmem>>
    %dma_start3A_527 = arith.constant 0 : i32
    %dma_start3A_528 = arith.constant 0 : i32
    %dma_start3A_529 = tpu.memref_slice %arg2[%dma_start3A_527, %dma_start3A_528] : memref<40960x128xf32, #tpu.memory_space<hbm>> -> memref<40960x128xf32, #tpu.memory_space<hbm>>
    tpu.enqueue_indirect_dma source(%dma_start3A_529 : memref<40960x128xf32, #tpu.memory_space<hbm>>) target(%arg10 : memref<80x128xf32, #tpu.memory_space<vmem>>) offsets(%dma_start3A_526 : memref<80xi32, #tpu.memory_space<vmem>>) semaphore(%arg14 : memref<!tpu.dma_semaphore, #tpu.memory_space<semaphore_mem>>)
    %dma_wait3A_530 = arith.constant 0 : i32
    %dma_wait3A_531 = arith.constant 0 : i32
    %dma_wait3A_532 = tpu.memref_slice %arg7[%dma_wait3A_530, %dma_wait3A_531] : memref<64x80xi32, #tpu.memory_space<vmem>> -> memref<1x80xi32, #tpu.memory_space<vmem>>
    %dma_wait3A_533 = tpu.memref_squeeze %dma_wait3A_532 : memref<1x80xi32, #tpu.memory_space<vmem>> -> memref<80xi32, #tpu.memory_space<vmem>>
    %dma_wait3A_534 = arith.constant 0 : i32
    %dma_wait3A_535 = arith.constant 0 : i32
    %dma_wait3A_536 = tpu.memref_slice %arg11[%dma_wait3A_534, %dma_wait3A_535] : memref<10240x128xf32, #tpu.memory_space<vmem_shared>> -> memref<10240x128xf32, #tpu.memory_space<vmem_shared>>
    tpu.wait_indirect_dma semaphore(%arg15 : memref<!tpu.dma_semaphore, #tpu.memory_space<semaphore_mem>>) src(%arg8 : memref<80x128xf32, #tpu.memory_space<vmem>>) dst(%dma_wait3A_536 : memref<10240x128xf32, #tpu.memory_space<vmem_shared>>)
    %dma_wait3A_537 = arith.constant 0 : i32
    %dma_wait3A_538 = arith.constant 0 : i32
    %dma_wait3A_539 = tpu.memref_slice %arg6[%dma_wait3A_537, %dma_wait3A_538] : memref<66x80xi32, #tpu.memory_space<vmem>> -> memref<1x80xi32, #tpu.memory_space<vmem>>
    %dma_wait3A_540 = tpu.memref_squeeze %dma_wait3A_539 : memref<1x80xi32, #tpu.memory_space<vmem>> -> memref<80xi32, #tpu.memory_space<vmem>>
    %dma_wait3A_541 = arith.constant 0 : i32
    %dma_wait3A_542 = arith.constant 0 : i32
    %dma_wait3A_543 = tpu.memref_slice %arg2[%dma_wait3A_541, %dma_wait3A_542] : memref<40960x128xf32, #tpu.memory_space<hbm>> -> memref<40960x128xf32, #tpu.memory_space<hbm>>
    tpu.wait_indirect_dma semaphore(%arg13 : memref<!tpu.dma_semaphore, #tpu.memory_space<semaphore_mem>>) src(%dma_wait3A_543 : memref<40960x128xf32, #tpu.memory_space<hbm>>) dst(%arg9 : memref<80x128xf32, #tpu.memory_space<vmem>>)
    %dma_wait3A_544 = arith.constant 0 : i32
    %dma_wait3A_545 = arith.constant 0 : i32
    %dma_wait3A_546 = tpu.memref_slice %arg6[%dma_wait3A_544, %dma_wait3A_545] : memref<66x80xi32, #tpu.memory_space<vmem>> -> memref<1x80xi32, #tpu.memory_space<vmem>>
    %dma_wait3A_547 = tpu.memref_squeeze %dma_wait3A_546 : memref<1x80xi32, #tpu.memory_space<vmem>> -> memref<80xi32, #tpu.memory_space<vmem>>
    %dma_wait3A_548 = arith.constant 0 : i32
    %dma_wait3A_549 = arith.constant 0 : i32
    %dma_wait3A_550 = tpu.memref_slice %arg2[%dma_wait3A_548, %dma_wait3A_549] : memref<40960x128xf32, #tpu.memory_space<hbm>> -> memref<40960x128xf32, #tpu.memory_space<hbm>>
    tpu.wait_indirect_dma semaphore(%arg14 : memref<!tpu.dma_semaphore, #tpu.memory_space<semaphore_mem>>) src(%dma_wait3A_550 : memref<40960x128xf32, #tpu.memory_space<hbm>>) dst(%arg10 : memref<80x128xf32, #tpu.memory_space<vmem>>)
    %barrier3A_551 = arith.constant 0 : index
    tpu.barrier barrier_id(%barrier3A_551)
    %mul3A_552 = arith.constant 640 : i32
    %mul3A_553 = arith.muli %arg1, %mul3A_552 : i32
    %mul3A_554 = arith.constant 640 : i32
    %mul3A_555 = arith.muli %arg1, %mul3A_554 : i32
    "tpu.region"() ({
      %run_scoped3A = tpu.sem_alloc : memref<!tpu.dma_semaphore, #tpu.memory_space<semaphore_mem>>
      %dma_start3A_557 = arith.constant 0 : i32
      %dma_start3A_558 = tpu.memref_slice %arg5[%add3A_278, %mul3A_555, %dma_start3A_557] : memref<4x10240x128xf32, #tpu.memory_space<hbm>> -> memref<1x640x128xf32, #tpu.memory_space<hbm>>
      %dma_start3A_559 = tpu.memref_squeeze %dma_start3A_558 : memref<1x640x128xf32, #tpu.memory_space<hbm>> -> memref<640x128xf32, #tpu.memory_space<hbm>>
      %dma_start3A_560 = arith.constant 0 : i32
      %dma_start3A_561 = tpu.memref_slice %arg11[%mul3A_553, %dma_start3A_560] : memref<10240x128xf32, #tpu.memory_space<vmem_shared>> -> memref<640x128xf32, #tpu.memory_space<vmem_shared>>
      tpu.enqueue_dma source(%dma_start3A_561 : memref<640x128xf32, #tpu.memory_space<vmem_shared>>) target(%dma_start3A_559 : memref<640x128xf32, #tpu.memory_space<hbm>>) target_semaphore(%run_scoped3A : memref<!tpu.dma_semaphore, #tpu.memory_space<semaphore_mem>>)
      %dma_wait3A_562 = arith.constant 0 : i32
      %dma_wait3A_563 = tpu.memref_slice %arg5[%add3A_278, %mul3A_555, %dma_wait3A_562] : memref<4x10240x128xf32, #tpu.memory_space<hbm>> -> memref<1x640x128xf32, #tpu.memory_space<hbm>>
      %dma_wait3A_564 = tpu.memref_squeeze %dma_wait3A_563 : memref<1x640x128xf32, #tpu.memory_space<hbm>> -> memref<640x128xf32, #tpu.memory_space<hbm>>
      %dma_wait3A_565 = arith.constant 0 : i32
      %dma_wait3A_566 = tpu.memref_slice %arg11[%mul3A_553, %dma_wait3A_565] : memref<10240x128xf32, #tpu.memory_space<vmem_shared>> -> memref<640x128xf32, #tpu.memory_space<vmem_shared>>
      tpu.wait_dma2 semaphore(%run_scoped3A : memref<!tpu.dma_semaphore, #tpu.memory_space<semaphore_mem>>) src(%dma_wait3A_566 : memref<640x128xf32, #tpu.memory_space<vmem_shared>>) dst(%dma_wait3A_564 : memref<640x128xf32, #tpu.memory_space<hbm>>)
      tpu.yield
    }) : () -> ()
    %barrier3A_556 = arith.constant 0 : index
    tpu.barrier barrier_id(%barrier3A_556)
    return
  }
}

module attributes {stable_mosaic.version = 14 : i64} {
  func.func @_zmm_body(%arg0: i32, %arg1: memref<512x128xf32, #tpu.memory_space<vmem>>, %arg2: memref<4x1x16x512xf32, #tpu.memory_space<vmem>>, %arg3: memref<4x128x128xf32, #tpu.memory_space<vmem>>, %arg4: memref<4x512x128xf32, #tpu.memory_space<vmem>>) attributes {dimension_semantics = [#tpu.dimension_semantics<arbitrary>], iteration_bounds = array<i64: 20>, scalar_prefetch = 0 : i64, scratch_operands = 0 : i64, tpu.core_type = #tpu.core_type<tc>, window_params = [{transform_indices = @transform_0, window_bounds = array<i64: 512, 128>}, {transform_indices = @transform_1, window_bounds = array<i64: 4, 1, 16, 512>}, {pipeline_mode = #tpu.pipeline_mode<synchronous>, transform_indices = @transform_2, window_bounds = array<i64: 4, 128, 128>}, {transform_indices = @transform_3, window_bounds = array<i64: 4, 512, 128>}]} {
    %get3A = arith.constant 0 : index
    %get3A_0 = arith.constant 0 : index
    %get3A_1 = vector.load %arg1[%get3A, %get3A_0] : memref<512x128xf32, #tpu.memory_space<vmem>>, vector<512x128xf32>
    %get3A_2 = arith.constant 0 : index
    %get3A_3 = arith.constant 0 : index
    %get3A_4 = arith.constant 0 : index
    %get3A_5 = arith.constant 0 : index
    %get3A_6 = vector.load %arg2[%get3A_2, %get3A_3, %get3A_4, %get3A_5] : memref<4x1x16x512xf32, #tpu.memory_space<vmem>>, vector<1x1x16x512xf32>
    %get3A_7 = vector.shape_cast %get3A_6 : vector<1x1x16x512xf32> to vector<16x512xf32>
    %reduce_sum3A = arith.constant dense<0.000000e+00> : vector<512xf32>
    %reduce_sum3A_8 = vector.multi_reduction <add>, %get3A_7, %reduce_sum3A [0] : vector<16x512xf32> to vector<512xf32>
    %max3A = arith.constant 1.000000e+00 : f32
    %max3A_9 = vector.broadcast %max3A : f32 to vector<512xf32>
    %max3A_10 = arith.maximumf %reduce_sum3A_8, %max3A_9 : vector<512xf32>
    %rsqrt3A = math.rsqrt %max3A_10 : vector<512xf32>
    %broadcast_in_dim3A = vector.shape_cast %rsqrt3A : vector<512xf32> to vector<512x1xf32>
    %mul3A = vector.broadcast %broadcast_in_dim3A : vector<512x1xf32> to vector<512x128xf32>
    %mul3A_11 = arith.mulf %get3A_1, %mul3A : vector<512x128xf32>
    %get3A_12 = arith.constant 0 : index
    %get3A_13 = arith.constant 0 : index
    %get3A_14 = arith.constant 0 : index
    %get3A_15 = vector.load %arg3[%get3A_12, %get3A_13, %get3A_14] : memref<4x128x128xf32, #tpu.memory_space<vmem>>, vector<1x128x128xf32>
    %get3A_16 = vector.shape_cast %get3A_15 : vector<1x128x128xf32> to vector<128x128xf32>
    %dot_general3A = arith.constant dense<0.000000e+00> : vector<512x128xf32>
    %dot_general3A_17 = tpu.matmul %mul3A_11, %get3A_16, %dot_general3A {dimension_numbers = #tpu.dot_dimension_numbers<[1], [0], [0], [1], [0, 0, 1, 1], [], []>, transpose_lhs_hint = false} : vector<512x128xf32>, vector<128x128xf32>, vector<512x128xf32> -> vector<512x128xf32>
    %swap3A = arith.constant 0 : index
    %swap3A_18 = arith.constant 0 : index
    %swap3A_19 = arith.constant 0 : index
    %swap3A_20 = vector.load %arg4[%swap3A, %swap3A_18, %swap3A_19] : memref<4x512x128xf32, #tpu.memory_space<vmem>>, vector<1x512x128xf32>
    %swap3A_21 = vector.shape_cast %swap3A_20 : vector<1x512x128xf32> to vector<512x128xf32>
    %swap3A_22 = vector.shape_cast %dot_general3A_17 : vector<512x128xf32> to vector<1x512x128xf32>
    tpu.vector_store %arg4[%swap3A, %swap3A_18, %swap3A_19], %swap3A_22 {strides = array<i32>} : memref<4x512x128xf32, #tpu.memory_space<vmem>>, vector<1x512x128xf32>,
    %get3A_23 = arith.constant 1 : index
    %get3A_24 = arith.constant 0 : index
    %get3A_25 = arith.constant 0 : index
    %get3A_26 = arith.constant 0 : index
    %get3A_27 = vector.load %arg2[%get3A_23, %get3A_24, %get3A_25, %get3A_26] : memref<4x1x16x512xf32, #tpu.memory_space<vmem>>, vector<1x1x16x512xf32>
    %get3A_28 = vector.shape_cast %get3A_27 : vector<1x1x16x512xf32> to vector<16x512xf32>
    %reduce_sum3A_29 = arith.constant dense<0.000000e+00> : vector<512xf32>
    %reduce_sum3A_30 = vector.multi_reduction <add>, %get3A_28, %reduce_sum3A_29 [0] : vector<16x512xf32> to vector<512xf32>
    %max3A_31 = arith.constant 1.000000e+00 : f32
    %max3A_32 = vector.broadcast %max3A_31 : f32 to vector<512xf32>
    %max3A_33 = arith.maximumf %reduce_sum3A_30, %max3A_32 : vector<512xf32>
    %rsqrt3A_34 = math.rsqrt %max3A_33 : vector<512xf32>
    %broadcast_in_dim3A_35 = vector.shape_cast %rsqrt3A_34 : vector<512xf32> to vector<512x1xf32>
    %mul3A_36 = vector.broadcast %broadcast_in_dim3A_35 : vector<512x1xf32> to vector<512x128xf32>
    %mul3A_37 = arith.mulf %get3A_1, %mul3A_36 : vector<512x128xf32>
    %get3A_38 = arith.constant 1 : index
    %get3A_39 = arith.constant 0 : index
    %get3A_40 = arith.constant 0 : index
    %get3A_41 = vector.load %arg3[%get3A_38, %get3A_39, %get3A_40] : memref<4x128x128xf32, #tpu.memory_space<vmem>>, vector<1x128x128xf32>
    %get3A_42 = vector.shape_cast %get3A_41 : vector<1x128x128xf32> to vector<128x128xf32>
    %dot_general3A_43 = arith.constant dense<0.000000e+00> : vector<512x128xf32>
    %dot_general3A_44 = tpu.matmul %mul3A_37, %get3A_42, %dot_general3A_43 {dimension_numbers = #tpu.dot_dimension_numbers<[1], [0], [0], [1], [0, 0, 1, 1], [], []>, transpose_lhs_hint = false} : vector<512x128xf32>, vector<128x128xf32>, vector<512x128xf32> -> vector<512x128xf32>
    %swap3A_45 = arith.constant 1 : index
    %swap3A_46 = arith.constant 0 : index
    %swap3A_47 = arith.constant 0 : index
    %swap3A_48 = vector.load %arg4[%swap3A_45, %swap3A_46, %swap3A_47] : memref<4x512x128xf32, #tpu.memory_space<vmem>>, vector<1x512x128xf32>
    %swap3A_49 = vector.shape_cast %swap3A_48 : vector<1x512x128xf32> to vector<512x128xf32>
    %swap3A_50 = vector.shape_cast %dot_general3A_44 : vector<512x128xf32> to vector<1x512x128xf32>
    tpu.vector_store %arg4[%swap3A_45, %swap3A_46, %swap3A_47], %swap3A_50 {strides = array<i32>} : memref<4x512x128xf32, #tpu.memory_space<vmem>>, vector<1x512x128xf32>,
    %get3A_51 = arith.constant 2 : index
    %get3A_52 = arith.constant 0 : index
    %get3A_53 = arith.constant 0 : index
    %get3A_54 = arith.constant 0 : index
    %get3A_55 = vector.load %arg2[%get3A_51, %get3A_52, %get3A_53, %get3A_54] : memref<4x1x16x512xf32, #tpu.memory_space<vmem>>, vector<1x1x16x512xf32>
    %get3A_56 = vector.shape_cast %get3A_55 : vector<1x1x16x512xf32> to vector<16x512xf32>
    %reduce_sum3A_57 = arith.constant dense<0.000000e+00> : vector<512xf32>
    %reduce_sum3A_58 = vector.multi_reduction <add>, %get3A_56, %reduce_sum3A_57 [0] : vector<16x512xf32> to vector<512xf32>
    %max3A_59 = arith.constant 1.000000e+00 : f32
    %max3A_60 = vector.broadcast %max3A_59 : f32 to vector<512xf32>
    %max3A_61 = arith.maximumf %reduce_sum3A_58, %max3A_60 : vector<512xf32>
    %rsqrt3A_62 = math.rsqrt %max3A_61 : vector<512xf32>
    %broadcast_in_dim3A_63 = vector.shape_cast %rsqrt3A_62 : vector<512xf32> to vector<512x1xf32>
    %mul3A_64 = vector.broadcast %broadcast_in_dim3A_63 : vector<512x1xf32> to vector<512x128xf32>
    %mul3A_65 = arith.mulf %get3A_1, %mul3A_64 : vector<512x128xf32>
    %get3A_66 = arith.constant 2 : index
    %get3A_67 = arith.constant 0 : index
    %get3A_68 = arith.constant 0 : index
    %get3A_69 = vector.load %arg3[%get3A_66, %get3A_67, %get3A_68] : memref<4x128x128xf32, #tpu.memory_space<vmem>>, vector<1x128x128xf32>
    %get3A_70 = vector.shape_cast %get3A_69 : vector<1x128x128xf32> to vector<128x128xf32>
    %dot_general3A_71 = arith.constant dense<0.000000e+00> : vector<512x128xf32>
    %dot_general3A_72 = tpu.matmul %mul3A_65, %get3A_70, %dot_general3A_71 {dimension_numbers = #tpu.dot_dimension_numbers<[1], [0], [0], [1], [0, 0, 1, 1], [], []>, transpose_lhs_hint = false} : vector<512x128xf32>, vector<128x128xf32>, vector<512x128xf32> -> vector<512x128xf32>
    %swap3A_73 = arith.constant 2 : index
    %swap3A_74 = arith.constant 0 : index
    %swap3A_75 = arith.constant 0 : index
    %swap3A_76 = vector.load %arg4[%swap3A_73, %swap3A_74, %swap3A_75] : memref<4x512x128xf32, #tpu.memory_space<vmem>>, vector<1x512x128xf32>
    %swap3A_77 = vector.shape_cast %swap3A_76 : vector<1x512x128xf32> to vector<512x128xf32>
    %swap3A_78 = vector.shape_cast %dot_general3A_72 : vector<512x128xf32> to vector<1x512x128xf32>
    tpu.vector_store %arg4[%swap3A_73, %swap3A_74, %swap3A_75], %swap3A_78 {strides = array<i32>} : memref<4x512x128xf32, #tpu.memory_space<vmem>>, vector<1x512x128xf32>,
    %get3A_79 = arith.constant 3 : index
    %get3A_80 = arith.constant 0 : index
    %get3A_81 = arith.constant 0 : index
    %get3A_82 = arith.constant 0 : index
    %get3A_83 = vector.load %arg2[%get3A_79, %get3A_80, %get3A_81, %get3A_82] : memref<4x1x16x512xf32, #tpu.memory_space<vmem>>, vector<1x1x16x512xf32>
    %get3A_84 = vector.shape_cast %get3A_83 : vector<1x1x16x512xf32> to vector<16x512xf32>
    %reduce_sum3A_85 = arith.constant dense<0.000000e+00> : vector<512xf32>
    %reduce_sum3A_86 = vector.multi_reduction <add>, %get3A_84, %reduce_sum3A_85 [0] : vector<16x512xf32> to vector<512xf32>
    %max3A_87 = arith.constant 1.000000e+00 : f32
    %max3A_88 = vector.broadcast %max3A_87 : f32 to vector<512xf32>
    %max3A_89 = arith.maximumf %reduce_sum3A_86, %max3A_88 : vector<512xf32>
    %rsqrt3A_90 = math.rsqrt %max3A_89 : vector<512xf32>
    %broadcast_in_dim3A_91 = vector.shape_cast %rsqrt3A_90 : vector<512xf32> to vector<512x1xf32>
    %mul3A_92 = vector.broadcast %broadcast_in_dim3A_91 : vector<512x1xf32> to vector<512x128xf32>
    %mul3A_93 = arith.mulf %get3A_1, %mul3A_92 : vector<512x128xf32>
    %get3A_94 = arith.constant 3 : index
    %get3A_95 = arith.constant 0 : index
    %get3A_96 = arith.constant 0 : index
    %get3A_97 = vector.load %arg3[%get3A_94, %get3A_95, %get3A_96] : memref<4x128x128xf32, #tpu.memory_space<vmem>>, vector<1x128x128xf32>
    %get3A_98 = vector.shape_cast %get3A_97 : vector<1x128x128xf32> to vector<128x128xf32>
    %dot_general3A_99 = arith.constant dense<0.000000e+00> : vector<512x128xf32>
    %dot_general3A_100 = tpu.matmul %mul3A_93, %get3A_98, %dot_general3A_99 {dimension_numbers = #tpu.dot_dimension_numbers<[1], [0], [0], [1], [0, 0, 1, 1], [], []>, transpose_lhs_hint = false} : vector<512x128xf32>, vector<128x128xf32>, vector<512x128xf32> -> vector<512x128xf32>
    %swap3A_101 = arith.constant 3 : index
    %swap3A_102 = arith.constant 0 : index
    %swap3A_103 = arith.constant 0 : index
    %swap3A_104 = vector.load %arg4[%swap3A_101, %swap3A_102, %swap3A_103] : memref<4x512x128xf32, #tpu.memory_space<vmem>>, vector<1x512x128xf32>
    %swap3A_105 = vector.shape_cast %swap3A_104 : vector<1x512x128xf32> to vector<512x128xf32>
    %swap3A_106 = vector.shape_cast %dot_general3A_100 : vector<512x128xf32> to vector<1x512x128xf32>
    tpu.vector_store %arg4[%swap3A_101, %swap3A_102, %swap3A_103], %swap3A_106 {strides = array<i32>} : memref<4x512x128xf32, #tpu.memory_space<vmem>>, vector<1x512x128xf32>,
    return
  }
  func.func @transform_0(%arg0: i32) -> (i32, i32) {
    %c0_i32 = arith.constant 0 : i32
    %c0_i32_0 = arith.constant 0 : i32
    return %arg0, %c0_i32 : i32, i32
  }
  func.func @transform_1(%arg0: i32) -> (i32, i32, i32, i32) {
    %c0_i32 = arith.constant 0 : i32
    %c0_i32_0 = arith.constant 0 : i32
    %c0_i32_1 = arith.constant 0 : i32
    %c0_i32_2 = arith.constant 0 : i32
    return %c0_i32, %c0_i32_0, %c0_i32_1, %arg0 : i32, i32, i32, i32
  }
  func.func @transform_2(%arg0: i32) -> (i32, i32, i32) {
    %c0_i32 = arith.constant 0 : i32
    %c0_i32_0 = arith.constant 0 : i32
    %c0_i32_1 = arith.constant 0 : i32
    %c0_i32_2 = arith.constant 0 : i32
    return %c0_i32, %c0_i32_0, %c0_i32_1 : i32, i32, i32
  }
  func.func @transform_3(%arg0: i32) -> (i32, i32, i32) {
    %c0_i32 = arith.constant 0 : i32
    %c0_i32_0 = arith.constant 0 : i32
    %c0_i32_1 = arith.constant 0 : i32
    return %c0_i32, %arg0, %c0_i32_0 : i32, i32, i32
  }
}

module attributes {stable_mosaic.version = 14 : i64} {
  func.func @_out_body(%arg0: i32, %arg1: memref<4x1024x128xf32, #tpu.memory_space<vmem>>, %arg2: memref<4x1x16x1024xf32, #tpu.memory_space<vmem>>, %arg3: memref<4x128xf32, #tpu.memory_space<vmem>>, %arg4: memref<1024x128xf32, #tpu.memory_space<vmem>>) attributes {dimension_semantics = [#tpu.dimension_semantics<arbitrary>], iteration_bounds = array<i64: 10>, scalar_prefetch = 0 : i64, scratch_operands = 0 : i64, tpu.core_type = #tpu.core_type<tc>, window_params = [{transform_indices = @transform_0, window_bounds = array<i64: 4, 1024, 128>}, {transform_indices = @transform_1, window_bounds = array<i64: 4, 1, 16, 1024>}, {pipeline_mode = #tpu.pipeline_mode<synchronous>, transform_indices = @transform_2, window_bounds = array<i64: 4, 128>}, {transform_indices = @transform_3, window_bounds = array<i64: 1024, 128>}]} {
    %get3A = arith.constant 0 : index
    %get3A_0 = arith.constant 0 : index
    %get3A_1 = vector.load %arg3[%get3A, %get3A_0] : memref<4x128xf32, #tpu.memory_space<vmem>>, vector<4x128xf32>
    %reduce_sum3A = arith.constant dense<0.000000e+00> : vector<128xf32>
    %reduce_sum3A_2 = vector.multi_reduction <add>, %get3A_1, %reduce_sum3A [0] : vector<4x128xf32> to vector<128xf32>
    %broadcast_in_dim3A = vector.shape_cast %reduce_sum3A_2 : vector<128xf32> to vector<1x128xf32>
    %broadcast_in_dim3A_3 = vector.shape_cast %broadcast_in_dim3A : vector<1x128xf32> to vector<1x128xf32>
    %broadcast_in_dim3A_4 = vector.broadcast %broadcast_in_dim3A_3 : vector<1x128xf32> to vector<1024x128xf32>
    %get3A_5 = arith.constant 0 : index
    %get3A_6 = arith.constant 0 : index
    %get3A_7 = arith.constant 0 : index
    %get3A_8 = arith.constant 0 : index
    %get3A_9 = vector.load %arg2[%get3A_5, %get3A_6, %get3A_7, %get3A_8] : memref<4x1x16x1024xf32, #tpu.memory_space<vmem>>, vector<1x1x16x1024xf32>
    %get3A_10 = vector.shape_cast %get3A_9 : vector<1x1x16x1024xf32> to vector<16x1024xf32>
    %reduce_sum3A_11 = arith.constant dense<0.000000e+00> : vector<1024xf32>
    %reduce_sum3A_12 = vector.multi_reduction <add>, %get3A_10, %reduce_sum3A_11 [0] : vector<16x1024xf32> to vector<1024xf32>
    %max3A = arith.constant 1.000000e+00 : f32
    %max3A_13 = vector.broadcast %max3A : f32 to vector<1024xf32>
    %max3A_14 = arith.maximumf %reduce_sum3A_12, %max3A_13 : vector<1024xf32>
    %rsqrt3A = math.rsqrt %max3A_14 : vector<1024xf32>
    %get3A_15 = arith.constant 0 : index
    %get3A_16 = arith.constant 0 : index
    %get3A_17 = arith.constant 0 : index
    %get3A_18 = vector.load %arg1[%get3A_15, %get3A_16, %get3A_17] : memref<4x1024x128xf32, #tpu.memory_space<vmem>>, vector<1x1024x128xf32>
    %get3A_19 = vector.shape_cast %get3A_18 : vector<1x1024x128xf32> to vector<1024x128xf32>
    %broadcast_in_dim3A_20 = vector.shape_cast %rsqrt3A : vector<1024xf32> to vector<1024x1xf32>
    %mul3A = vector.broadcast %broadcast_in_dim3A_20 : vector<1024x1xf32> to vector<1024x128xf32>
    %mul3A_21 = arith.mulf %get3A_19, %mul3A : vector<1024x128xf32>
    %add3A = arith.addf %broadcast_in_dim3A_4, %mul3A_21 : vector<1024x128xf32>
    %get3A_22 = arith.constant 1 : index
    %get3A_23 = arith.constant 0 : index
    %get3A_24 = arith.constant 0 : index
    %get3A_25 = arith.constant 0 : index
    %get3A_26 = vector.load %arg2[%get3A_22, %get3A_23, %get3A_24, %get3A_25] : memref<4x1x16x1024xf32, #tpu.memory_space<vmem>>, vector<1x1x16x1024xf32>
    %get3A_27 = vector.shape_cast %get3A_26 : vector<1x1x16x1024xf32> to vector<16x1024xf32>
    %reduce_sum3A_28 = arith.constant dense<0.000000e+00> : vector<1024xf32>
    %reduce_sum3A_29 = vector.multi_reduction <add>, %get3A_27, %reduce_sum3A_28 [0] : vector<16x1024xf32> to vector<1024xf32>
    %max3A_30 = arith.constant 1.000000e+00 : f32
    %max3A_31 = vector.broadcast %max3A_30 : f32 to vector<1024xf32>
    %max3A_32 = arith.maximumf %reduce_sum3A_29, %max3A_31 : vector<1024xf32>
    %rsqrt3A_33 = math.rsqrt %max3A_32 : vector<1024xf32>
    %get3A_34 = arith.constant 1 : index
    %get3A_35 = arith.constant 0 : index
    %get3A_36 = arith.constant 0 : index
    %get3A_37 = vector.load %arg1[%get3A_34, %get3A_35, %get3A_36] : memref<4x1024x128xf32, #tpu.memory_space<vmem>>, vector<1x1024x128xf32>
    %get3A_38 = vector.shape_cast %get3A_37 : vector<1x1024x128xf32> to vector<1024x128xf32>
    %broadcast_in_dim3A_39 = vector.shape_cast %rsqrt3A_33 : vector<1024xf32> to vector<1024x1xf32>
    %mul3A_40 = vector.broadcast %broadcast_in_dim3A_39 : vector<1024x1xf32> to vector<1024x128xf32>
    %mul3A_41 = arith.mulf %get3A_38, %mul3A_40 : vector<1024x128xf32>
    %add3A_42 = arith.addf %add3A, %mul3A_41 : vector<1024x128xf32>
    %get3A_43 = arith.constant 2 : index
    %get3A_44 = arith.constant 0 : index
    %get3A_45 = arith.constant 0 : index
    %get3A_46 = arith.constant 0 : index
    %get3A_47 = vector.load %arg2[%get3A_43, %get3A_44, %get3A_45, %get3A_46] : memref<4x1x16x1024xf32, #tpu.memory_space<vmem>>, vector<1x1x16x1024xf32>
    %get3A_48 = vector.shape_cast %get3A_47 : vector<1x1x16x1024xf32> to vector<16x1024xf32>
    %reduce_sum3A_49 = arith.constant dense<0.000000e+00> : vector<1024xf32>
    %reduce_sum3A_50 = vector.multi_reduction <add>, %get3A_48, %reduce_sum3A_49 [0] : vector<16x1024xf32> to vector<1024xf32>
    %max3A_51 = arith.constant 1.000000e+00 : f32
    %max3A_52 = vector.broadcast %max3A_51 : f32 to vector<1024xf32>
    %max3A_53 = arith.maximumf %reduce_sum3A_50, %max3A_52 : vector<1024xf32>
    %rsqrt3A_54 = math.rsqrt %max3A_53 : vector<1024xf32>
    %get3A_55 = arith.constant 2 : index
    %get3A_56 = arith.constant 0 : index
    %get3A_57 = arith.constant 0 : index
    %get3A_58 = vector.load %arg1[%get3A_55, %get3A_56, %get3A_57] : memref<4x1024x128xf32, #tpu.memory_space<vmem>>, vector<1x1024x128xf32>
    %get3A_59 = vector.shape_cast %get3A_58 : vector<1x1024x128xf32> to vector<1024x128xf32>
    %broadcast_in_dim3A_60 = vector.shape_cast %rsqrt3A_54 : vector<1024xf32> to vector<1024x1xf32>
    %mul3A_61 = vector.broadcast %broadcast_in_dim3A_60 : vector<1024x1xf32> to vector<1024x128xf32>
    %mul3A_62 = arith.mulf %get3A_59, %mul3A_61 : vector<1024x128xf32>
    %add3A_63 = arith.addf %add3A_42, %mul3A_62 : vector<1024x128xf32>
    %get3A_64 = arith.constant 3 : index
    %get3A_65 = arith.constant 0 : index
    %get3A_66 = arith.constant 0 : index
    %get3A_67 = arith.constant 0 : index
    %get3A_68 = vector.load %arg2[%get3A_64, %get3A_65, %get3A_66, %get3A_67] : memref<4x1x16x1024xf32, #tpu.memory_space<vmem>>, vector<1x1x16x1024xf32>
    %get3A_69 = vector.shape_cast %get3A_68 : vector<1x1x16x1024xf32> to vector<16x1024xf32>
    %reduce_sum3A_70 = arith.constant dense<0.000000e+00> : vector<1024xf32>
    %reduce_sum3A_71 = vector.multi_reduction <add>, %get3A_69, %reduce_sum3A_70 [0] : vector<16x1024xf32> to vector<1024xf32>
    %max3A_72 = arith.constant 1.000000e+00 : f32
    %max3A_73 = vector.broadcast %max3A_72 : f32 to vector<1024xf32>
    %max3A_74 = arith.maximumf %reduce_sum3A_71, %max3A_73 : vector<1024xf32>
    %rsqrt3A_75 = math.rsqrt %max3A_74 : vector<1024xf32>
    %get3A_76 = arith.constant 3 : index
    %get3A_77 = arith.constant 0 : index
    %get3A_78 = arith.constant 0 : index
    %get3A_79 = vector.load %arg1[%get3A_76, %get3A_77, %get3A_78] : memref<4x1024x128xf32, #tpu.memory_space<vmem>>, vector<1x1024x128xf32>
    %get3A_80 = vector.shape_cast %get3A_79 : vector<1x1024x128xf32> to vector<1024x128xf32>
    %broadcast_in_dim3A_81 = vector.shape_cast %rsqrt3A_75 : vector<1024xf32> to vector<1024x1xf32>
    %mul3A_82 = vector.broadcast %broadcast_in_dim3A_81 : vector<1024x1xf32> to vector<1024x128xf32>
    %mul3A_83 = arith.mulf %get3A_80, %mul3A_82 : vector<1024x128xf32>
    %add3A_84 = arith.addf %add3A_63, %mul3A_83 : vector<1024x128xf32>
    %swap3A = arith.constant 0 : index
    %swap3A_85 = arith.constant 0 : index
    %swap3A_86 = vector.load %arg4[%swap3A, %swap3A_85] : memref<1024x128xf32, #tpu.memory_space<vmem>>, vector<1024x128xf32>
    tpu.vector_store %arg4[%swap3A, %swap3A_85], %add3A_84 {strides = array<i32>} : memref<1024x128xf32, #tpu.memory_space<vmem>>, vector<1024x128xf32>,
    return
  }
  func.func @transform_0(%arg0: i32) -> (i32, i32, i32) {
    %c0_i32 = arith.constant 0 : i32
    %c0_i32_0 = arith.constant 0 : i32
    %c0_i32_1 = arith.constant 0 : i32
    return %c0_i32, %arg0, %c0_i32_0 : i32, i32, i32
  }
  func.func @transform_1(%arg0: i32) -> (i32, i32, i32, i32) {
    %c0_i32 = arith.constant 0 : i32
    %c1_i32 = arith.constant 1 : i32
    %c0_i32_0 = arith.constant 0 : i32
    %c0_i32_1 = arith.constant 0 : i32
    return %c0_i32, %c1_i32, %c0_i32_0, %arg0 : i32, i32, i32, i32
  }
  func.func @transform_2(%arg0: i32) -> (i32, i32) {
    %c0_i32 = arith.constant 0 : i32
    %c0_i32_0 = arith.constant 0 : i32
    %c0_i32_1 = arith.constant 0 : i32
    return %c0_i32, %c0_i32_0 : i32, i32
  }
  func.func @transform_3(%arg0: i32) -> (i32, i32) {
    %c0_i32 = arith.constant 0 : i32
    %c0_i32_0 = arith.constant 0 : i32
    return %arg0, %c0_i32 : i32, i32
  }
}

</mosaic_0001>

<sc_bundles>
// kernel: kernel.6.cloned.1.call-start
scs
__scs_entry_jumppad:
0x0: {  	(pc) =	sbr.rel $0x88, $3  }
0x1: {  	(tag) =	ssettag $0x0;
	lr =	simm.s32 $0x1  }
0x2: {  	[smem:$0x3F9D] =	sst lr;
	_ =	strace $0xD0000000  }
0x3: {  	_ = 	snop  }
0x4: {  	_ = 	snop  }
0x5: {  	_ = 	snop  }
0x6: {  	_ = 	snop  }
0x7: {  	_ = 	snop  }
__scs_overlays_trampoline_lowered:
0x8: {  	[smem:$0x3FAC] =	sst s0  }
0x9: {  	[smem:$0x3FAD] =	sst s1  }
0xa: {  	[smem:$0x3FAE] =	sst s2  }
0xb: {  	[smem:$0x3FAF] =	sst s3  }
0xc: {  	[smem:$0x3FB0] =	sst s4  }
0xd: {  	[smem:$0x3FB1] =	sst s5  }
0xe: {  	[smem:$0x3FB2] =	sst s6  }
0xf: {  	[smem:$0x3FB3] =	sst s7  }
0x10: {  	[smem:$0x3FB4] =	sst s8  }
0x11: {  	[smem:$0x3FB5] =	sst s9;
	s0 =	simm.s32 @!p0 $0x0  }
0x12: {  	s1 =	sld [smem:$0x3F9B];
	s0 =	simm.s32 @p0 $0x1  }
0x13: {  	[smem:$0x3FB6] =	sst s0;
	s0 =	simm.s32 @!p1 $0x0  }
0x14: {  	s2 =	sld [smem:$0x3F9A];
	s0 =	simm.s32 @p1 $0x1  }
0x15: {  	[smem:$0x3FB7] =	sst s0;
	s0 =	simm.s32 @!p2 $0x0  }
0x16: {  	s3 =	sld [smem:$0x3FDB];
	s0 =	simm.s32 @p2 $0x1  }
0x17: {  	s4 =	simm.s32 $0x1BF5;
	[smem:$0x3FB9] =	sst s0  }
0x18: {  	s0 =	sld [smem:$0x3F9C];
	_ =	swait.ge [sflag:s4], $0x0  }
0x19: {  	s7 =	sld [smem:$0x3F9D]  }
0x1a: {  	s8 =	sadd.s32 $0xFFFFE003, lr  }
0x1b: {  	s9 =	sadd.s32 $0xFFFFFEF7, lr;
	s5 =	simm.s32 $0xFFFFFFFF;
	p2 =	slt.u32 s8, $0xFFFFF086  }
0x1c: {  	p1 =	slt.u32 s9, $0xF7A;
	s5 =	simm.s32 @!p2 $0x0  }
0x1d: {  	s5 =	simm.s32 @p1 $0x1;
	p0 =	seq.s32 s7, s2  }
0x1e: {  	s7 =	smul.u32 @!p0 $0xF7A, s2;
	p2 =	seq.s32 @!p0 s5, $0x0  }
0x1f: {  	s9 =	smul.u32 $0xF7A, s1;
	s8 =	simm.s32 @!p0 $0x1BF5;
	p2 =	por !p2, p0  }
0x20: {  	[sflag:s8] =	ssyncset.s32 @!p0 $0xFFFFF086;
	s6 =	sadd.s32 @!p0 s3, s7;
	s7 =	simm.s32 @!p0 $0x108  }
0x21: {  	s3 =	sadd.s32 s3, s9;
	s6 =	sadd.s32 @!p0 $0x88, s6;
	s7 =	simm.s32 @p2 $0x1082  }
0x22: {  	[simem:s7], [sflag:s8] =	dma.local @!p0 [hbm:s6], $0xF7A  }
0x23: {  	s9 =	sor.u32 $0xD0000000, s2;
	s6 =	simm.s32 $0x108;
	_ =	swait.ge @!p0 [sflag:s8], $0x0  }
0x24: {  	s3 =	sadd.s32 $0x88, s3;
	s6 =	simm.s32 @!p1 $0x1082;
	[sflag:s4] =	ssyncset.s32 $0xFFFFF086  }
0x25: {  	[simem:s6], [sflag:s4] =	dma.local [hbm:s3], $0xF7A  }
0x26: {  	[smem:$0x3F9D] =	sst s1;
	(tag) =	ssettag s2;
	_ =	strace s9  }
0x27: {  	s1 =	sld [smem:$0x3FAD]  }
0x28: {  	s2 =	sld [smem:$0x3FAE]  }
0x29: {  	s4 =	sld [smem:$0x3FB0]  }
0x2a: {  	p0 =	seq.s32 s5, $0x0;
	s5 =	sld [smem:$0x3FB1]  }
0x2b: {  	s6 =	sld [smem:$0x3FB2]  }
0x2c: {  	s7 =	sld [smem:$0x3FB3]  }
0x2d: {  	s3 =	simm.s32 $0x108;
	s8 =	sld [smem:$0x3FB4]  }
0x2e: {  	s3 =	simm.s32 @!p0 $0x1082;
	s9 =	sld [smem:$0x3FB5]  }
0x2f: {  	lr =	sadd.s32 s0, s3;
	s0 =	sld [smem:$0x3FAC]  }
0x30: {  	s3 =	sld [smem:$0x3FAF]  }
0x31: {  	[smem:$0x3FB8] =	sst s10  }
0x32: {  	s10 =	sld [smem:$0x3FB6];
	_ =	sdelay $0x3  }
0x33: {  	p0 =	seq.s32 s10, $0x1;
	s10 =	sld [smem:$0x3FB8];
	_ =	sdelay $0x3  }
0x34: {  	[smem:$0x3FB8] =	sst s10  }
0x35: {  	s10 =	sld [smem:$0x3FB7];
	_ =	sdelay $0x3  }
0x36: {  	p1 =	seq.s32 s10, $0x1;
	s10 =	sld [smem:$0x3FB8];
	_ =	sdelay $0x3  }
0x37: {  	[smem:$0x3FB8] =	sst s10  }
0x38: {  	s10 =	sld [smem:$0x3FB9]  }
0x39: {  	_ = 	snop;
	(pc) =	sbr.ind lr, $3  }
0x3a: {  	_ = 	snop  }
0x3b: {  	_ = 	snop  }
0x3c: {  	p2 =	seq.s32 s10, $0x1;
	s10 =	sld [smem:$0x3FB8]  }
0x3d: {  	_ =	shalt  }
0x3e: {  	_ =	shalt  }
0x3f: {  	_ =	shalt  }
0x40: {  	_ =	shalt  }
0x41: {  	_ =	shalt  }
0x42: {  	_ =	shalt  }
0x43: {  	_ =	shalt  }
0x44: {  	_ =	shalt  }
0x45: {  	_ =	shalt  }
0x46: {  	_ =	shalt  }
0x47: {  	_ =	shalt  }
0x48: {  	_ =	shalt  }
0x49: {  	_ =	shalt  }
0x4a: {  	_ =	shalt  }
0x4b: {  	_ =	shalt  }
0x4c: {  	_ =	shalt  }
0x4d: {  	_ =	shalt  }
0x4e: {  	_ =	shalt  }
0x4f: {  	_ =	shalt  }
0x50: {  	_ =	shalt  }
0x51: {  	_ =	shalt  }
0x52: {  	_ =	shalt  }
0x53: {  	_ =	shalt  }
0x54: {  	_ =	shalt  }
0x55: {  	_ =	shalt  }
0x56: {  	_ =	shalt  }
0x57: {  	_ =	shalt  }
0x58: {  	_ =	shalt  }
0x59: {  	_ =	shalt  }
0x5a: {  	_ =	shalt  }
0x5b: {  	_ =	shalt  }
0x5c: {  	_ =	shalt  }
0x5d: {  	_ =	shalt  }
0x5e: {  	_ =	shalt  }
0x5f: {  	_ =	shalt  }
0x60: {  	_ =	shalt  }
0x61: {  	_ =	shalt  }
0x62: {  	_ =	shalt  }
0x63: {  	_ =	shalt  }
0x64: {  	_ =	shalt  }
0x65: {  	_ =	shalt  }
0x66: {  	_ =	shalt  }
0x67: {  	_ =	shalt  }
0x68: {  	_ =	shalt  }
0x69: {  	_ =	shalt  }
0x6a: {  	_ =	shalt  }
0x6b: {  	_ =	shalt  }
0x6c: {  	_ =	shalt  }
0x6d: {  	_ =	shalt  }
0x6e: {  	_ =	shalt  }
0x6f: {  	_ =	shalt  }
0x70: {  	_ =	shalt  }
0x71: {  	_ =	shalt  }
0x72: {  	_ =	shalt  }
0x73: {  	_ =	shalt  }
0x74: {  	_ =	shalt  }
0x75: {  	_ =	shalt  }
0x76: {  	_ =	shalt  }
0x77: {  	_ =	shalt  }
0x78: {  	_ =	shalt  }
0x79: {  	_ =	shalt  }
0x7a: {  	_ =	shalt  }
0x7b: {  	_ =	shalt  }
0x7c: {  	_ =	shalt  }
0x7d: {  	_ =	shalt  }
0x7e: {  	_ =	shalt  }
0x7f: {  	_ =	shalt  }
0x80: {  	_ =	shalt  }
0x81: {  	_ =	shalt  }
0x82: {  	_ =	shalt  }
0x83: {  	_ =	shalt  }
0x84: {  	_ =	shalt  }
0x85: {  	_ =	shalt  }
0x86: {  	_ =	shalt  }
0x87: {  	_ =	shalt  }
.Lfunc_end0:
.L_simem_size_0:
called_computation_lowered:
.L_overlay_start_0:
0x88: {  	s2 =	sld [smem:$0x3FD9]  }
0x89: {  	s3 =	sld [smem:$0x3FFE];
	_ =	sdelay $0x1  }
0x8a: {  	s1 =	srdreg.scid  }
0x8b: {  	s0 =	sand.u32 $0x1, s1  }
0x8c: {  	s17 =	sshll.u32 s0, $0xA;
	s2 =	sadd.s32 s3, s2  }
0x8d: {  	s2 =	sadd.s32 s2, s17  }
0x8e: {  	[smem:$0x3FC4] =	sst s2  }
0x8f: {  	_ = 	snop  }
0x90: {  	s2 =	sld [smem:$0x3FD0];
	(tm) =	ssettm $0x1  }
0x91: {  	s18 =	sld [smem:$0x3FFB];
	_ =	sdelay $0x3  }
0x92: {  	_ =	strace s18  }
0x93: {  	s3 =	sld [smem:$0x3FFC];
	_ =	sdelay $0x3  }
0x94: {  	_ =	strace s3  }
0x95: {  	s3 =	sld [smem:$0x3FFD];
	_ =	sdelay $0x3  }
0x96: {  	_ =	strace s3  }
0x97: {  	_ =	strace $0x8FFFFFFF  }
0x98: {  	s19 =	sld [smem:$0x3FDB];
	_ =	sdelay $0x1  }
0x99: {  	s4 =	simm.s32 $_scs_section_size  }
0x9a: {  	s5 =	simm.s32 $_size__tile_overlayer_lowered;
	s6 =	simm.s32 $_tile_overlayer_lowered  }
0x9b: {  	s22 =	simm.s32 $0x1BFF;
	s21 =	sshll.u32 s6, $0x1;
	s3 =	sadd.s32 s4, s19  }
0x9c: {  	s7 =	simm.s32 $0x0;
	s20 =	sshll.u32 s5, $0x1;
	s5 =	sadd.s32 s21, s3  }
0x9d: {  	[timem:s7], [sflag:s22] =	dma.local [hbm:s5], s20  }
0x9e: {  	_ =	swait.ge [sflag:s22], s20  }
0x9f: {  	s4 =	ssub.s32 $0x0, s20;
	[sflag:s22] =	ssyncset.done $0x0  }
0xa0: {  	[sflag:s22] =	ssyncadd.s32 s4;
	_ =	sdelay $0x1  }
0xa1: {  	s23 =	simm.s32 $0x1B8B  }
0xa2: {  	_ =	swait.ge [sflag:s23], $0x1  }
0xa3: {  	[sflag:s23] =	ssyncset.done $0x0  }
0xa4: {  	s25 =	simm.s32 $0x1B8E;
	s24 =	sld [smem:$0x3FFE];
	[sflag:s23] =	ssyncadd.s32 $0xFFFFFFFF  }
0xa5: {  	s26 =	simm.s32 $execute0_lowered;
	[smem:$0x3FD2] =	sst s25  }
0xa6: {  	s5 =	sshll.u32 s26, $0x1;
	_ =	strace $0x80000046;
	[dreg:$0x1] =	wrdreg $0xFFFFFFFF  }
0xa7: {  	s28 =	simm.s32 $_size_execute0_lowered;
	s3 =	sadd.s32 s3, s5;
	[dreg:$0x0] =	wrdreg $0x0  }
0xa8: {  	s5 =	sshll.u32 s28, $0x1;
	[dreg:$0x2] =	wrdreg s3  }
0xa9: {  	[dreg:$0x3] =	wrdreg s5  }
0xaa: {  	[dreg:$0x4] =	wrdreg $0xC0  }
0xab: {  	_ =	task [dreg:s7], $0x5FFFF  }
0xac: {  	[dreg:$0x1] =	wrdreg $0xFFFFFFFF  }
0xad: {  	[dreg:$0x0] =	wrdreg $0x60  }
0xae: {  	[dreg:$0x2] =	wrdreg s2  }
0xaf: {  	[dreg:$0x3] =	wrdreg s24  }
0xb0: {  	[dreg:$0x4] =	wrdreg $0x9  }
0xb1: {  	_ =	task.clear_ibuf [dreg:s7], $0x5FFFF;
	_ =	strace $0x90000046  }
0xb2: {  	s29 =	simm.s32 $0x9;
	_ =	strace $0x80000048  }
0xb3: {  	_ =	swait.ge [sflag:s29], $0x1  }
0xb4: {  	[sflag:s29] =	ssyncadd.s32 $0xFFFFFFFF  }
0xb5: {  	_ =	strace $0x90000048  }
0xb6: {  	_ =	sfence  }
0xb7: {  	s30 =	sld [smem:$0x0];
	_ =	sdelay $0x2  }
0xb8: {  	s31 =	sshll.u32 s1, $0xD;
	s1 =	sshrl.u32 s1, $0x2  }
0xb9: {  	s3 =	sand.u32 $0x4000, s31;
	s1 =	sadd.s32 s1, s30  }
0xba: {  	s0 =	sor.u32 s3, s0;
	s1 =	sshll.u32 s1, $0x11  }
0xbb: {  	s0 =	sor.u32 s1, s0  }
0xbc: {  	s0 =	sadd.s32 $0x8F2B, s0  }
0xbd: {  	[sflag:s0] =	ssyncadd.remote.s32 $0x1  }
0xbe: {  	_ =	sfence.sel $0xFFFF  }
0xbf: {  	[dreg:$0x0] =	wrdreg $0xFFFFFFFF;
	(pc) =	sbr.abs _section_cstart, $3  }
0xc0: {  	[dreg:$0x1] =	wrdreg $0xFFFFFFFF  }
0xc1: {  	_ =	task.clear_ibuf [dreg:s7], $0x2FFFF;
	_ =	strace $0x9FFFFFFF  }
0xc2: {  	(tm) =	ssettm $0x7FFFFFFF  }
0xc3: {  	_ =	shalt  }
tec
execute0_lowered:
.L_overlay_start_1:
0x0: {  	(tag) =	ssettag $0x1  }
0x1: {  	s7 =	rddreg [dreg:$0x0]  }
0x2: {  	s3 =	rddreg [dreg:$0x1]  }
0x3: {  	s0 =	rddreg [dreg:$0x2];
	s1 =	simm.s32 $0x0;
	s2 =	srdreg.scid  }
0x4: {  	[smem:$0x7FF] =	sst s1;
	s5 =	sand.u32 $0x1, s2  }
0x5: {  	s2 =	stileid.u32;
	s10 =	sadd.s32 $0x1C00, s3;
	s16 =	sadd.s32 $0x4000, s7  }
0x6: {  	_ =	strace $0x80000047;
	s4 =	ssub.s32 $0x2, s5;
	s8 =	sshrl.u32 s2, $0x3  }
0x7: {  	s9 =	smul.u32 $0xA0000, s5;
	s12 =	sshll.u32 s2, $0xD;
	s25 =	sshll.u32 s5, $0x13  }
0x8: {  	s26 =	sshll.u32 s2, $0x7;
	s15 =	sshllo.u32 s5, $0x1;
	s6 =	sshrl.u32 s4, $0x1  }
0x9: {  	s8 =	smul.u32 $0x14000, s8;
	s3 =	sor.u32 s12, s25;
	s13 =	sand.u32 $0x380, s26  }
0xa: {  	s17 =	smul.u32 $0x50000, s15;
	s30 =	sshll.u32 s15, $0x12;
	s15 =	simm.s32 $0x400  }
0xb: {  	s11 =	ssub.s32 s4, s6;
	s29 =	sshrl.u32 s3, $0x3;
	s28 =	sor.u32 s9, s8  }
0xc: {  	s14 =	sadd.s32 $0x28000, s8;
	s3 =	sadd.s32 s7, s29;
	s5 =	sadd.s32 s29, s16  }
0xd: {  	s8 =	sadd.s32 s8, s17;
	s11 =	smax.u32 s11, $0x1;
	s4 =	sor.u32 s13, s28  }
0xe: {  	s9 =	sadd.s32 s9, s14;
	s31 =	sor.u32 s13, s14;
	s8 =	sor.u32 s13, s8  }
0xf: {  	s14 =	simm.s32 $0x80;
	s4 =	sshrl.u32 s4, $0x3;
	s9 =	sor.u32 s13, s9  }
0x10: {  	s8 =	sshrl.u32 s8, $0x3;
	s13 =	simm.s32 $0x2000;
	s9 =	sshrl.u32 s9, $0x3  }
0x11: {  	s4 =	sadd.s32 s10, s4;
	s6 =	sadd.s32 s10, s9;
	s9 =	sor.u32 s12, s30  }
0x12: {  	s8 =	sadd.s32 s10, s8;
	s12 =	sadd.s32 s17, s31;
	s9 =	sshrl.u32 s9, $0x3  }
0x13: {  	s12 =	sshrl.u32 s12, $0x3;
	s7 =	sadd.s32 s7, s9;
	s9 =	sadd.s32 s9, s16  }
0x14: {  	v0 =	vimm.f32 $0.0e+00;
	v1 =	vimm.f32 $1.000000000e+00;
	s10 =	sadd.s32 s10, s12;
	s12 =	simm.s32 $0x1;
	s16 =	simm.s32 $0x0  }
.LBB2_1:
0x15: {  	[tilespmem:s1], [sflag:$0x1] =	stream.linear.gather [hbm4b:s3+s1], $0x2000, $0x38;
	[tilespmem:$0x4800] =	vst v63  }
0x16: {  	_ =	swait.ge [sflag:s12], $0x2000  }
0x17: {  	[sflag:s12] =	ssyncset.done $0x0  }
0x18: {  	s17 =	simm.s32 $0x0;
	s18 =	simm.s32 $0x400;
	[sflag:s12] =	ssyncadd.s32 $0xFFFFE000  }
.LBB2_2:
0x19: {  	p0 =	sne.s32 s18, $0x9C00;
	[tilespmem:s17+$0x20F0] =	vst v0  }
0x1a: {  	[tilespmem:s17+$0x2000] =	vst v0  }
0x1b: {  	[tilespmem:s17+$0x2010] =	vst v0  }
0x1c: {  	[tilespmem:s17+$0x2020] =	vst v0  }
0x1d: {  	[tilespmem:s17+$0x2030] =	vst v0  }
0x1e: {  	[tilespmem:s17+$0x2040] =	vst v0  }
0x1f: {  	[tilespmem:s17+$0x2050] =	vst v0  }
0x20: {  	[tilespmem:s17+$0x2060] =	vst v0  }
0x21: {  	[tilespmem:s17+$0x2070] =	vst v0  }
0x22: {  	[tilespmem:s17+$0x2080] =	vst v0  }
0x23: {  	[tilespmem:s17+$0x2090] =	vst v0  }
.Ltmp0:
0x24: {  	[tilespmem:s17+$0x20A0] =	vst v0;
	(pc) =	sbr.rel @p0 .LBB2_2-.Ltmp0, $4  }
0x25: {  	[tilespmem:s17+$0x20B0] =	vst v0  }
0x26: {  	[tilespmem:s17+$0x20C0] =	vst v0  }
0x27: {  	[tilespmem:s17+$0x20D0] =	vst v0  }
0x28: {  	[tilespmem:s17+$0x20E0] =	vst v0;
	s17 =	sshra.s32 s18, $0x2;
	s18 =	sadd.s32 $0x400, s18  }
0x29: {  	[tilespmem:s17+$0x20F0] =	vst v0  }
0x2a: {  	[tilespmem:s17+$0x2000] =	vst v0  }
0x2b: {  	[tilespmem:s17+$0x2010] =	vst v0  }
0x2c: {  	[tilespmem:s17+$0x2020] =	vst v0  }
0x2d: {  	[tilespmem:s17+$0x2030] =	vst v0  }
0x2e: {  	[tilespmem:s17+$0x2040] =	vst v0  }
0x2f: {  	[tilespmem:s17+$0x2050] =	vst v0  }
0x30: {  	[tilespmem:s17+$0x2060] =	vst v0  }
0x31: {  	[tilespmem:s17+$0x2070] =	vst v0  }
0x32: {  	[tilespmem:s17+$0x2080] =	vst v0  }
0x33: {  	[tilespmem:s17+$0x2090] =	vst v0  }
0x34: {  	[tilespmem:s17+$0x20A0] =	vst v0  }
0x35: {  	[tilespmem:s17+$0x20B0] =	vst v0  }
0x36: {  	[tilespmem:s17+$0x20C0] =	vst v0  }
0x37: {  	[tilespmem:s17+$0x20D0] =	vst v0  }
0x38: {  	[tilespmem:s17+$0x20E0] =	vst v0;
	s17 =	simm.s32 $0x0  }
.LBB2_4:
0x39: {  	s18 =	sshra.s32 s17, $0x2  }
0x3a: {  	v2 =	vld [tilespmem:s18+$0x0];
	_ =	sdelay $0x7  }
0x3b: {  	[tilespmem:v2+s13+$0x0] =	vst.idx.add.f32.msk $0xffff, v1  }
0x3c: {  	v2 =	vld [tilespmem:s18+$0x10];
	_ =	sdelay $0x7  }
0x3d: {  	[tilespmem:v2+s13+$0x0] =	vst.idx.add.f32.msk $0xffff, v1  }
0x3e: {  	v2 =	vld [tilespmem:s18+$0x20];
	_ =	sdelay $0x7  }
0x3f: {  	[tilespmem:v2+s13+$0x0] =	vst.idx.add.f32.msk $0xffff, v1  }
0x40: {  	v2 =	vld [tilespmem:s18+$0x30];
	_ =	sdelay $0x7  }
0x41: {  	[tilespmem:v2+s13+$0x0] =	vst.idx.add.f32.msk $0xffff, v1  }
0x42: {  	v2 =	vld [tilespmem:s18+$0x40];
	_ =	sdelay $0x2  }
0x43: {  	p0 =	sne.s32 s17, $0x7E00  }
.Ltmp1:
0x44: {  	_ = 	snop;
	(pc) =	sbr.rel @p0 .LBB2_4-.Ltmp1, $2  }
0x45: {  	_ =	sdelay $0x2  }
0x46: {  	s17 =	sadd.s32 $0x200, s17;
	[tilespmem:v2+s13+$0x0] =	vst.idx.add.f32.msk $0xffff, v1  }
0x47: {  	[hbm4b:s4+s14] =	stream.strided.scatter [tilespmem:s13], [sflag:$0x1], $0x2800, s15, s14, $0x38;
	[tilespmem:$0x4800] =	vst v63  }
0x48: {  	_ =	swait.ge [sflag:s12], $0x2800  }
0x49: {  	[sflag:s12] =	ssyncset.done $0x0  }
0x4a: {  	s17 =	simm.s32 $0x0;
	[sflag:s12] =	ssyncadd.s32 $0xFFFFD800  }
0x4b: {  	[tilespmem:s17], [sflag:$0x1] =	stream.linear.gather [hbm4b:s5+s17], $0x2000, $0x38;
	[tilespmem:$0x4800] =	vst v63  }
0x4c: {  	_ =	swait.ge [sflag:s12], $0x2000  }
0x4d: {  	[sflag:s12] =	ssyncset.done $0x0  }
0x4e: {  	s18 =	simm.s32 $0x0;
	s19 =	simm.s32 $0x400;
	[sflag:s12] =	ssyncadd.s32 $0xFFFFE000  }
.LBB2_6:
0x4f: {  	p0 =	sne.s32 s19, $0x9C00;
	[tilespmem:s18+$0x20F0] =	vst v0  }
0x50: {  	[tilespmem:s18+$0x2000] =	vst v0  }
0x51: {  	[tilespmem:s18+$0x2010] =	vst v0  }
0x52: {  	[tilespmem:s18+$0x2020] =	vst v0  }
0x53: {  	[tilespmem:s18+$0x2030] =	vst v0  }
0x54: {  	[tilespmem:s18+$0x2040] =	vst v0  }
0x55: {  	[tilespmem:s18+$0x2050] =	vst v0  }
0x56: {  	[tilespmem:s18+$0x2060] =	vst v0  }
0x57: {  	[tilespmem:s18+$0x2070] =	vst v0  }
0x58: {  	[tilespmem:s18+$0x2080] =	vst v0  }
0x59: {  	[tilespmem:s18+$0x2090] =	vst v0  }
.Ltmp2:
0x5a: {  	[tilespmem:s18+$0x20A0] =	vst v0;
	(pc) =	sbr.rel @p0 .LBB2_6-.Ltmp2, $4  }
0x5b: {  	[tilespmem:s18+$0x20B0] =	vst v0  }
0x5c: {  	[tilespmem:s18+$0x20C0] =	vst v0  }
0x5d: {  	[tilespmem:s18+$0x20D0] =	vst v0  }
0x5e: {  	[tilespmem:s18+$0x20E0] =	vst v0;
	s18 =	sshra.s32 s19, $0x2;
	s19 =	sadd.s32 $0x400, s19  }
0x5f: {  	[tilespmem:s18+$0x20F0] =	vst v0  }
0x60: {  	[tilespmem:s18+$0x2000] =	vst v0  }
0x61: {  	[tilespmem:s18+$0x2010] =	vst v0  }
0x62: {  	[tilespmem:s18+$0x2020] =	vst v0  }
0x63: {  	[tilespmem:s18+$0x2030] =	vst v0  }
0x64: {  	[tilespmem:s18+$0x2040] =	vst v0  }
0x65: {  	[tilespmem:s18+$0x2050] =	vst v0  }
0x66: {  	[tilespmem:s18+$0x2060] =	vst v0  }
0x67: {  	[tilespmem:s18+$0x2070] =	vst v0  }
0x68: {  	[tilespmem:s18+$0x2080] =	vst v0  }
0x69: {  	[tilespmem:s18+$0x2090] =	vst v0  }
0x6a: {  	[tilespmem:s18+$0x20A0] =	vst v0  }
0x6b: {  	[tilespmem:s18+$0x20B0] =	vst v0  }
0x6c: {  	[tilespmem:s18+$0x20C0] =	vst v0  }
0x6d: {  	[tilespmem:s18+$0x20D0] =	vst v0  }
0x6e: {  	[tilespmem:s18+$0x20E0] =	vst v0  }
.LBB2_8:
0x6f: {  	s18 =	sshra.s32 s17, $0x2  }
0x70: {  	v2 =	vld [tilespmem:s18+$0x0];
	_ =	sdelay $0x7  }
0x71: {  	[tilespmem:v2+s13+$0x0] =	vst.idx.add.f32.msk $0xffff, v1  }
0x72: {  	v2 =	vld [tilespmem:s18+$0x10];
	_ =	sdelay $0x7  }
0x73: {  	[tilespmem:v2+s13+$0x0] =	vst.idx.add.f32.msk $0xffff, v1  }
0x74: {  	v2 =	vld [tilespmem:s18+$0x20];
	_ =	sdelay $0x7  }
0x75: {  	[tilespmem:v2+s13+$0x0] =	vst.idx.add.f32.msk $0xffff, v1  }
0x76: {  	v2 =	vld [tilespmem:s18+$0x30];
	_ =	sdelay $0x7  }
0x77: {  	[tilespmem:v2+s13+$0x0] =	vst.idx.add.f32.msk $0xffff, v1  }
0x78: {  	v2 =	vld [tilespmem:s18+$0x40];
	_ =	sdelay $0x2  }
0x79: {  	p0 =	sne.s32 s17, $0x7E00  }
.Ltmp3:
0x7a: {  	_ = 	snop;
	(pc) =	sbr.rel @p0 .LBB2_8-.Ltmp3, $2  }
0x7b: {  	_ =	sdelay $0x2  }
0x7c: {  	s17 =	sadd.s32 $0x200, s17;
	[tilespmem:v2+s13+$0x0] =	vst.idx.add.f32.msk $0xffff, v1  }
0x7d: {  	[hbm4b:s6+s14] =	stream.strided.scatter [tilespmem:s13], [sflag:$0x1], $0x2800, s15, s14, $0x38;
	[tilespmem:$0x4800] =	vst v63  }
0x7e: {  	_ =	swait.ge [sflag:s12], $0x2800  }
0x7f: {  	[sflag:s12] =	ssyncset.done $0x0  }
0x80: {  	s17 =	simm.s32 $0x0;
	[sflag:s12] =	ssyncadd.s32 $0xFFFFD800  }
0x81: {  	[tilespmem:s17], [sflag:$0x1] =	stream.linear.gather [hbm4b:s7+s17], $0x2000, $0x38;
	[tilespmem:$0x4800] =	vst v63  }
0x82: {  	_ =	swait.ge [sflag:s12], $0x2000  }
0x83: {  	[sflag:s12] =	ssyncset.done $0x0  }
0x84: {  	s18 =	simm.s32 $0x0;
	s19 =	simm.s32 $0x400;
	[sflag:s12] =	ssyncadd.s32 $0xFFFFE000  }
.LBB2_10:
0x85: {  	p0 =	sne.s32 s19, $0x9C00;
	[tilespmem:s18+$0x20F0] =	vst v0  }
0x86: {  	[tilespmem:s18+$0x2000] =	vst v0  }
0x87: {  	[tilespmem:s18+$0x2010] =	vst v0  }
0x88: {  	[tilespmem:s18+$0x2020] =	vst v0  }
0x89: {  	[tilespmem:s18+$0x2030] =	vst v0  }
0x8a: {  	[tilespmem:s18+$0x2040] =	vst v0  }
0x8b: {  	[tilespmem:s18+$0x2050] =	vst v0  }
0x8c: {  	[tilespmem:s18+$0x2060] =	vst v0  }
0x8d: {  	[tilespmem:s18+$0x2070] =	vst v0  }
0x8e: {  	[tilespmem:s18+$0x2080] =	vst v0  }
0x8f: {  	[tilespmem:s18+$0x2090] =	vst v0  }
.Ltmp4:
0x90: {  	[tilespmem:s18+$0x20A0] =	vst v0;
	(pc) =	sbr.rel @p0 .LBB2_10-.Ltmp4, $4  }
0x91: {  	[tilespmem:s18+$0x20B0] =	vst v0  }
0x92: {  	[tilespmem:s18+$0x20C0] =	vst v0  }
0x93: {  	[tilespmem:s18+$0x20D0] =	vst v0  }
0x94: {  	[tilespmem:s18+$0x20E0] =	vst v0;
	s18 =	sshra.s32 s19, $0x2;
	s19 =	sadd.s32 $0x400, s19  }
0x95: {  	[tilespmem:s18+$0x20F0] =	vst v0  }
0x96: {  	[tilespmem:s18+$0x2000] =	vst v0  }
0x97: {  	[tilespmem:s18+$0x2010] =	vst v0  }
0x98: {  	[tilespmem:s18+$0x2020] =	vst v0  }
0x99: {  	[tilespmem:s18+$0x2030] =	vst v0  }
0x9a: {  	[tilespmem:s18+$0x2040] =	vst v0  }
0x9b: {  	[tilespmem:s18+$0x2050] =	vst v0  }
0x9c: {  	[tilespmem:s18+$0x2060] =	vst v0  }
0x9d: {  	[tilespmem:s18+$0x2070] =	vst v0  }
0x9e: {  	[tilespmem:s18+$0x2080] =	vst v0  }
0x9f: {  	[tilespmem:s18+$0x2090] =	vst v0  }
0xa0: {  	[tilespmem:s18+$0x20A0] =	vst v0  }
0xa1: {  	[tilespmem:s18+$0x20B0] =	vst v0  }
0xa2: {  	[tilespmem:s18+$0x20C0] =	vst v0  }
0xa3: {  	[tilespmem:s18+$0x20D0] =	vst v0  }
0xa4: {  	[tilespmem:s18+$0x20E0] =	vst v0  }
.LBB2_12:
0xa5: {  	s18 =	sshra.s32 s17, $0x2  }
0xa6: {  	v2 =	vld [tilespmem:s18+$0x0];
	_ =	sdelay $0x7  }
0xa7: {  	[tilespmem:v2+s13+$0x0] =	vst.idx.add.f32.msk $0xffff, v1  }
0xa8: {  	v2 =	vld [tilespmem:s18+$0x10];
	_ =	sdelay $0x7  }
0xa9: {  	[tilespmem:v2+s13+$0x0] =	vst.idx.add.f32.msk $0xffff, v1  }
0xaa: {  	v2 =	vld [tilespmem:s18+$0x20];
	_ =	sdelay $0x7  }
0xab: {  	[tilespmem:v2+s13+$0x0] =	vst.idx.add.f32.msk $0xffff, v1  }
0xac: {  	v2 =	vld [tilespmem:s18+$0x30];
	_ =	sdelay $0x7  }
0xad: {  	[tilespmem:v2+s13+$0x0] =	vst.idx.add.f32.msk $0xffff, v1  }
0xae: {  	v2 =	vld [tilespmem:s18+$0x40];
	_ =	sdelay $0x2  }
0xaf: {  	p0 =	sne.s32 s17, $0x7E00  }
.Ltmp5:
0xb0: {  	_ = 	snop;
	(pc) =	sbr.rel @p0 .LBB2_12-.Ltmp5, $2  }
0xb1: {  	_ =	sdelay $0x2  }
0xb2: {  	s17 =	sadd.s32 $0x200, s17;
	[tilespmem:v2+s13+$0x0] =	vst.idx.add.f32.msk $0xffff, v1  }
0xb3: {  	[hbm4b:s8+s14] =	stream.strided.scatter [tilespmem:s13], [sflag:$0x1], $0x2800, s15, s14, $0x38;
	[tilespmem:$0x4800] =	vst v63  }
0xb4: {  	_ =	swait.ge [sflag:s12], $0x2800  }
0xb5: {  	[sflag:s12] =	ssyncset.done $0x0  }
0xb6: {  	s17 =	simm.s32 $0x0;
	[sflag:s12] =	ssyncadd.s32 $0xFFFFD800  }
0xb7: {  	[tilespmem:s17], [sflag:$0x1] =	stream.linear.gather [hbm4b:s9+s17], $0x2000, $0x38;
	[tilespmem:$0x4800] =	vst v63  }
0xb8: {  	_ =	swait.ge [sflag:s12], $0x2000  }
0xb9: {  	[sflag:s12] =	ssyncset.done $0x0  }
0xba: {  	s18 =	simm.s32 $0x0;
	s19 =	simm.s32 $0x400;
	[sflag:s12] =	ssyncadd.s32 $0xFFFFE000  }
.LBB2_14:
0xbb: {  	p0 =	sne.s32 s19, $0x9C00;
	[tilespmem:s18+$0x20F0] =	vst v0  }
0xbc: {  	[tilespmem:s18+$0x2000] =	vst v0  }
0xbd: {  	[tilespmem:s18+$0x2010] =	vst v0  }
0xbe: {  	[tilespmem:s18+$0x2020] =	vst v0  }
0xbf: {  	[tilespmem:s18+$0x2030] =	vst v0  }
0xc0: {  	[tilespmem:s18+$0x2040] =	vst v0  }
0xc1: {  	[tilespmem:s18+$0x2050] =	vst v0  }
0xc2: {  	[tilespmem:s18+$0x2060] =	vst v0  }
0xc3: {  	[tilespmem:s18+$0x2070] =	vst v0  }
0xc4: {  	[tilespmem:s18+$0x2080] =	vst v0  }
0xc5: {  	[tilespmem:s18+$0x2090] =	vst v0  }
.Ltmp6:
0xc6: {  	[tilespmem:s18+$0x20A0] =	vst v0;
	(pc) =	sbr.rel @p0 .LBB2_14-.Ltmp6, $4  }
0xc7: {  	[tilespmem:s18+$0x20B0] =	vst v0  }
0xc8: {  	[tilespmem:s18+$0x20C0] =	vst v0  }
0xc9: {  	[tilespmem:s18+$0x20D0] =	vst v0  }
0xca: {  	[tilespmem:s18+$0x20E0] =	vst v0;
	s18 =	sshra.s32 s19, $0x2;
	s19 =	sadd.s32 $0x400, s19  }
0xcb: {  	[tilespmem:s18+$0x20F0] =	vst v0  }
0xcc: {  	[tilespmem:s18+$0x2000] =	vst v0  }
0xcd: {  	[tilespmem:s18+$0x2010] =	vst v0  }
0xce: {  	[tilespmem:s18+$0x2020] =	vst v0  }
0xcf: {  	[tilespmem:s18+$0x2030] =	vst v0  }
0xd0: {  	[tilespmem:s18+$0x2040] =	vst v0  }
0xd1: {  	[tilespmem:s18+$0x2050] =	vst v0  }
0xd2: {  	[tilespmem:s18+$0x2060] =	vst v0  }
0xd3: {  	[tilespmem:s18+$0x2070] =	vst v0  }
0xd4: {  	[tilespmem:s18+$0x2080] =	vst v0  }
0xd5: {  	[tilespmem:s18+$0x2090] =	vst v0  }
0xd6: {  	[tilespmem:s18+$0x20A0] =	vst v0  }
0xd7: {  	[tilespmem:s18+$0x20B0] =	vst v0  }
0xd8: {  	[tilespmem:s18+$0x20C0] =	vst v0  }
0xd9: {  	[tilespmem:s18+$0x20D0] =	vst v0  }
0xda: {  	[tilespmem:s18+$0x20E0] =	vst v0  }
.LBB2_16:
0xdb: {  	s18 =	sshra.s32 s17, $0x2  }
0xdc: {  	v2 =	vld [tilespmem:s18+$0x0];
	_ =	sdelay $0x7  }
0xdd: {  	[tilespmem:v2+s13+$0x0] =	vst.idx.add.f32.msk $0xffff, v1  }
0xde: {  	v2 =	vld [tilespmem:s18+$0x10];
	_ =	sdelay $0x7  }
0xdf: {  	[tilespmem:v2+s13+$0x0] =	vst.idx.add.f32.msk $0xffff, v1  }
0xe0: {  	v2 =	vld [tilespmem:s18+$0x20];
	_ =	sdelay $0x7  }
0xe1: {  	[tilespmem:v2+s13+$0x0] =	vst.idx.add.f32.msk $0xffff, v1  }
0xe2: {  	v2 =	vld [tilespmem:s18+$0x30];
	_ =	sdelay $0x7  }
0xe3: {  	[tilespmem:v2+s13+$0x0] =	vst.idx.add.f32.msk $0xffff, v1  }
0xe4: {  	v2 =	vld [tilespmem:s18+$0x40];
	_ =	sdelay $0x2  }
0xe5: {  	p0 =	sne.s32 s17, $0x7E00  }
.Ltmp7:
0xe6: {  	_ = 	snop;
	(pc) =	sbr.rel @p0 .LBB2_16-.Ltmp7, $2  }
0xe7: {  	_ =	sdelay $0x2  }
0xe8: {  	s17 =	sadd.s32 $0x200, s17;
	[tilespmem:v2+s13+$0x0] =	vst.idx.add.f32.msk $0xffff, v1  }
0xe9: {  	s16 =	sadd.s32 $0x1, s16  }
0xea: {  	p0 =	sne.s32 s16, s11  }
.Ltmp8:
0xeb: {  	_ = 	snop;
	(pc) =	sbr.rel @p0 .LBB2_1-.Ltmp8, $4  }
0xec: {  	[hbm4b:s10+s14] =	stream.strided.scatter [tilespmem:s13], [sflag:$0x1], $0x2800, s15, s14, $0x38;
	[tilespmem:$0x4800] =	vst v63  }
0xed: {  	_ =	swait.ge [sflag:s12], $0x2800  }
0xee: {  	[sflag:s12] =	ssyncset.done $0x0  }
0xef: {  	[sflag:s12] =	ssyncadd.s32 $0xFFFFD800  }
0xf0: {  	_ =	sfence.sel $0x180000  }
0xf1: {  	[bflag:$0x0] =	sbarrier.arrive $0xFFFF  }
0xf2: {  	p0 =	sne.s32 s2, $0x0;
	_ =	strace $0x90000047  }
0xf3: {  	s0 =	sadd.s32 @!p0 $0x100000, s0;
	[bflag:$0x2] =	sbarrier.arrive $0xFFFF  }
0xf4: {  	[sflag:s0] =	ssyncadd.tile.s32 @!p0 $0x1;
	_ =	shalt  }
.Lfunc_end2:
_tile_overlayer_lowered:
.L_overlay_start_2:
0xf5: {  	(tag) =	ssettag $0x2  }
0xf6: {  	s0 =	rddreg [dreg:$0x0];
	s2 =	stileid.u32  }
0xf7: {  	s1 =	rddreg [dreg:$0x1];
	p0 =	sne.s32 s2, $0x0  }
0xf8: {  	s3 =	rddreg [dreg:$0x2];
	[bflag:$0x3] =	sbarrier.arrive $0xFFFF;
	s2 =	simm.s32 @!p0 $0x1C01  }
0xf9: {  	[timem:s3], [sflag:s2] =	dma.local @!p0 [hbm:s0], s1  }
0xfa: {  	s0 =	simm.s32 @!p0 $0x1  }
0xfb: {  	_ =	swait.ge @!p0 [sflag:s0], s1  }
0xfc: {  	s1 =	ssub.s32 @!p0 $0x0, s1;
	[sflag:s0] =	ssyncset.done @!p0 $0x0  }
0xfd: {  	[sflag:s0] =	ssyncadd.s32 @!p0 s1  }
0xfe: {  	[bflag:$0x3] =	sbarrier.arrive $0xFFFF  }
0xff: {  	_ =	shalt  }

// kernel: kernel.9.cloned.1.call-start
scs
__scs_entry_jumppad:
0x0: {  	(pc) =	sbr.rel $0x88, $3  }
0x1: {  	(tag) =	ssettag $0x0;
	lr =	simm.s32 $0x1  }
0x2: {  	[smem:$0x3F9D] =	sst lr;
	_ =	strace $0xD0000000  }
0x3: {  	_ = 	snop  }
0x4: {  	_ = 	snop  }
0x5: {  	_ = 	snop  }
0x6: {  	_ = 	snop  }
0x7: {  	_ = 	snop  }
__scs_overlays_trampoline_lowered:
0x8: {  	[smem:$0x3FAC] =	sst s0  }
0x9: {  	[smem:$0x3FAD] =	sst s1  }
0xa: {  	[smem:$0x3FAE] =	sst s2  }
0xb: {  	[smem:$0x3FAF] =	sst s3  }
0xc: {  	[smem:$0x3FB0] =	sst s4  }
0xd: {  	[smem:$0x3FB1] =	sst s5  }
0xe: {  	[smem:$0x3FB2] =	sst s6  }
0xf: {  	[smem:$0x3FB3] =	sst s7  }
0x10: {  	[smem:$0x3FB4] =	sst s8  }
0x11: {  	[smem:$0x3FB5] =	sst s9;
	s0 =	simm.s32 @!p0 $0x0  }
0x12: {  	s1 =	sld [smem:$0x3F9B];
	s0 =	simm.s32 @p0 $0x1  }
0x13: {  	[smem:$0x3FB6] =	sst s0;
	s0 =	simm.s32 @!p1 $0x0  }
0x14: {  	s2 =	sld [smem:$0x3F9A];
	s0 =	simm.s32 @p1 $0x1  }
0x15: {  	[smem:$0x3FB7] =	sst s0;
	s0 =	simm.s32 @!p2 $0x0  }
0x16: {  	s3 =	sld [smem:$0x3FDB];
	s0 =	simm.s32 @p2 $0x1  }
0x17: {  	s4 =	simm.s32 $0x1BF5;
	[smem:$0x3FB9] =	sst s0  }
0x18: {  	s0 =	sld [smem:$0x3F9C];
	_ =	swait.ge [sflag:s4], $0x0  }
0x19: {  	s7 =	sld [smem:$0x3F9D]  }
0x1a: {  	s8 =	sadd.s32 $0xFFFFE003, lr  }
0x1b: {  	s9 =	sadd.s32 $0xFFFFFEF7, lr;
	s5 =	simm.s32 $0xFFFFFFFF;
	p2 =	slt.u32 s8, $0xFFFFF086  }
0x1c: {  	p1 =	slt.u32 s9, $0xF7A;
	s5 =	simm.s32 @!p2 $0x0  }
0x1d: {  	s5 =	simm.s32 @p1 $0x1;
	p0 =	seq.s32 s7, s2  }
0x1e: {  	s7 =	smul.u32 @!p0 $0xF7A, s2;
	p2 =	seq.s32 @!p0 s5, $0x0  }
0x1f: {  	s9 =	smul.u32 $0xF7A, s1;
	s8 =	simm.s32 @!p0 $0x1BF5;
	p2 =	por !p2, p0  }
0x20: {  	[sflag:s8] =	ssyncset.s32 @!p0 $0xFFFFF086;
	s6 =	sadd.s32 @!p0 s3, s7;
	s7 =	simm.s32 @!p0 $0x108  }
0x21: {  	s3 =	sadd.s32 s3, s9;
	s6 =	sadd.s32 @!p0 $0x88, s6;
	s7 =	simm.s32 @p2 $0x1082  }
0x22: {  	[simem:s7], [sflag:s8] =	dma.local @!p0 [hbm:s6], $0xF7A  }
0x23: {  	s9 =	sor.u32 $0xD0000000, s2;
	s6 =	simm.s32 $0x108;
	_ =	swait.ge @!p0 [sflag:s8], $0x0  }
0x24: {  	s3 =	sadd.s32 $0x88, s3;
	s6 =	simm.s32 @!p1 $0x1082;
	[sflag:s4] =	ssyncset.s32 $0xFFFFF086  }
0x25: {  	[simem:s6], [sflag:s4] =	dma.local [hbm:s3], $0xF7A  }
0x26: {  	[smem:$0x3F9D] =	sst s1;
	(tag) =	ssettag s2;
	_ =	strace s9  }
0x27: {  	s1 =	sld [smem:$0x3FAD]  }
0x28: {  	s2 =	sld [smem:$0x3FAE]  }
0x29: {  	s4 =	sld [smem:$0x3FB0]  }
0x2a: {  	p0 =	seq.s32 s5, $0x0;
	s5 =	sld [smem:$0x3FB1]  }
0x2b: {  	s6 =	sld [smem:$0x3FB2]  }
0x2c: {  	s7 =	sld [smem:$0x3FB3]  }
0x2d: {  	s3 =	simm.s32 $0x108;
	s8 =	sld [smem:$0x3FB4]  }
0x2e: {  	s3 =	simm.s32 @!p0 $0x1082;
	s9 =	sld [smem:$0x3FB5]  }
0x2f: {  	lr =	sadd.s32 s0, s3;
	s0 =	sld [smem:$0x3FAC]  }
0x30: {  	s3 =	sld [smem:$0x3FAF]  }
0x31: {  	[smem:$0x3FB8] =	sst s10  }
0x32: {  	s10 =	sld [smem:$0x3FB6];
	_ =	sdelay $0x3  }
0x33: {  	p0 =	seq.s32 s10, $0x1;
	s10 =	sld [smem:$0x3FB8];
	_ =	sdelay $0x3  }
0x34: {  	[smem:$0x3FB8] =	sst s10  }
0x35: {  	s10 =	sld [smem:$0x3FB7];
	_ =	sdelay $0x3  }
0x36: {  	p1 =	seq.s32 s10, $0x1;
	s10 =	sld [smem:$0x3FB8];
	_ =	sdelay $0x3  }
0x37: {  	[smem:$0x3FB8] =	sst s10  }
0x38: {  	s10 =	sld [smem:$0x3FB9]  }
0x39: {  	_ = 	snop;
	(pc) =	sbr.ind lr, $3  }
0x3a: {  	_ = 	snop  }
0x3b: {  	_ = 	snop  }
0x3c: {  	p2 =	seq.s32 s10, $0x1;
	s10 =	sld [smem:$0x3FB8]  }
0x3d: {  	_ =	shalt  }
0x3e: {  	_ =	shalt  }
0x3f: {  	_ =	shalt  }
0x40: {  	_ =	shalt  }
0x41: {  	_ =	shalt  }
0x42: {  	_ =	shalt  }
0x43: {  	_ =	shalt  }
0x44: {  	_ =	shalt  }
0x45: {  	_ =	shalt  }
0x46: {  	_ =	shalt  }
0x47: {  	_ =	shalt  }
0x48: {  	_ =	shalt  }
0x49: {  	_ =	shalt  }
0x4a: {  	_ =	shalt  }
0x4b: {  	_ =	shalt  }
0x4c: {  	_ =	shalt  }
0x4d: {  	_ =	shalt  }
0x4e: {  	_ =	shalt  }
0x4f: {  	_ =	shalt  }
0x50: {  	_ =	shalt  }
0x51: {  	_ =	shalt  }
0x52: {  	_ =	shalt  }
0x53: {  	_ =	shalt  }
0x54: {  	_ =	shalt  }
0x55: {  	_ =	shalt  }
0x56: {  	_ =	shalt  }
0x57: {  	_ =	shalt  }
0x58: {  	_ =	shalt  }
0x59: {  	_ =	shalt  }
0x5a: {  	_ =	shalt  }
0x5b: {  	_ =	shalt  }
0x5c: {  	_ =	shalt  }
0x5d: {  	_ =	shalt  }
0x5e: {  	_ =	shalt  }
0x5f: {  	_ =	shalt  }
0x60: {  	_ =	shalt  }
0x61: {  	_ =	shalt  }
0x62: {  	_ =	shalt  }
0x63: {  	_ =	shalt  }
0x64: {  	_ =	shalt  }
0x65: {  	_ =	shalt  }
0x66: {  	_ =	shalt  }
0x67: {  	_ =	shalt  }
0x68: {  	_ =	shalt  }
0x69: {  	_ =	shalt  }
0x6a: {  	_ =	shalt  }
0x6b: {  	_ =	shalt  }
0x6c: {  	_ =	shalt  }
0x6d: {  	_ =	shalt  }
0x6e: {  	_ =	shalt  }
0x6f: {  	_ =	shalt  }
0x70: {  	_ =	shalt  }
0x71: {  	_ =	shalt  }
0x72: {  	_ =	shalt  }
0x73: {  	_ =	shalt  }
0x74: {  	_ =	shalt  }
0x75: {  	_ =	shalt  }
0x76: {  	_ =	shalt  }
0x77: {  	_ =	shalt  }
0x78: {  	_ =	shalt  }
0x79: {  	_ =	shalt  }
0x7a: {  	_ =	shalt  }
0x7b: {  	_ =	shalt  }
0x7c: {  	_ =	shalt  }
0x7d: {  	_ =	shalt  }
0x7e: {  	_ =	shalt  }
0x7f: {  	_ =	shalt  }
0x80: {  	_ =	shalt  }
0x81: {  	_ =	shalt  }
0x82: {  	_ =	shalt  }
0x83: {  	_ =	shalt  }
0x84: {  	_ =	shalt  }
0x85: {  	_ =	shalt  }
0x86: {  	_ =	shalt  }
0x87: {  	_ =	shalt  }
.Lfunc_end0:
.L_simem_size_0:
called_computation.1_lowered:
.L_overlay_start_0:
0x88: {  	s2 =	sld [smem:$0x3FD9]  }
0x89: {  	s3 =	sld [smem:$0x3FFE];
	_ =	sdelay $0x1  }
0x8a: {  	s1 =	srdreg.scid  }
0x8b: {  	s0 =	sand.u32 $0x1, s1  }
0x8c: {  	s16 =	sshll.u32 s0, $0xA;
	s2 =	sadd.s32 s3, s2  }
0x8d: {  	s2 =	sadd.s32 s2, s16  }
0x8e: {  	[smem:$0x3FC4] =	sst s2  }
0x8f: {  	_ = 	snop  }
0x90: {  	(tm) =	ssettm $0x1  }
0x91: {  	s17 =	sld [smem:$0x3FFB];
	_ =	sdelay $0x3  }
0x92: {  	_ =	strace s17  }
0x93: {  	s2 =	sld [smem:$0x3FFC];
	_ =	sdelay $0x3  }
0x94: {  	_ =	strace s2  }
0x95: {  	s2 =	sld [smem:$0x3FFD];
	_ =	sdelay $0x3  }
0x96: {  	_ =	strace s2  }
0x97: {  	_ =	strace $0x8FFFFFFF  }
0x98: {  	s18 =	sld [smem:$0x3FDB];
	_ =	sdelay $0x1  }
0x99: {  	s19 =	simm.s32 $_scs_section_size  }
0x9a: {  	s4 =	simm.s32 $_size__tile_overlayer_lowered;
	s5 =	simm.s32 $_tile_overlayer_lowered  }
0x9b: {  	s22 =	simm.s32 $0x1BFF;
	s21 =	sshll.u32 s5, $0x1;
	s2 =	sadd.s32 s19, s18  }
0x9c: {  	s6 =	simm.s32 $0x0;
	s20 =	sshll.u32 s4, $0x1;
	s4 =	sadd.s32 s21, s2  }
0x9d: {  	[timem:s6], [sflag:s22] =	dma.local [hbm:s4], s20  }
0x9e: {  	_ =	swait.ge [sflag:s22], s20  }
0x9f: {  	s3 =	ssub.s32 $0x0, s20;
	[sflag:s22] =	ssyncset.done $0x0  }
0xa0: {  	[sflag:s22] =	ssyncadd.s32 s3;
	_ =	sdelay $0x1  }
0xa1: {  	s23 =	simm.s32 $0x1B8B  }
0xa2: {  	_ =	swait.ge [sflag:s23], $0x1  }
0xa3: {  	[sflag:s23] =	ssyncset.done $0x0  }
0xa4: {  	s25 =	simm.s32 $0x1B8E;
	s24 =	sld [smem:$0x3FFE];
	[sflag:s23] =	ssyncadd.s32 $0xFFFFFFFF  }
0xa5: {  	s26 =	simm.s32 $execute0_lowered;
	[smem:$0x3FD2] =	sst s25  }
0xa6: {  	s4 =	sshll.u32 s26, $0x1;
	_ =	strace $0x80000049;
	[dreg:$0x1] =	wrdreg $0xFFFFFFFF  }
0xa7: {  	s28 =	simm.s32 $_size_execute0_lowered;
	s2 =	sadd.s32 s2, s4;
	[dreg:$0x0] =	wrdreg $0x0  }
0xa8: {  	s4 =	sshll.u32 s28, $0x1;
	[dreg:$0x2] =	wrdreg s2  }
0xa9: {  	[dreg:$0x3] =	wrdreg s4  }
0xaa: {  	[dreg:$0x4] =	wrdreg $0xC0  }
0xab: {  	_ =	task [dreg:s6], $0x5FFFF  }
0xac: {  	[dreg:$0x1] =	wrdreg $0xFFFFFFFF  }
0xad: {  	[dreg:$0x0] =	wrdreg $0x60  }
0xae: {  	[dreg:$0x2] =	wrdreg s24  }
0xaf: {  	[dreg:$0x3] =	wrdreg $0xBC000  }
0xb0: {  	[dreg:$0x4] =	wrdreg $0x9  }
0xb1: {  	_ =	task.clear_ibuf [dreg:s6], $0x5FFFF;
	_ =	strace $0x90000049  }
0xb2: {  	s29 =	simm.s32 $0x9;
	_ =	strace $0x8000004B  }
0xb3: {  	_ =	swait.ge [sflag:s29], $0x1  }
0xb4: {  	[sflag:s29] =	ssyncadd.s32 $0xFFFFFFFF  }
0xb5: {  	_ =	strace $0x9000004B  }
0xb6: {  	_ =	sfence  }
0xb7: {  	s30 =	sld [smem:$0x0];
	_ =	sdelay $0x2  }
0xb8: {  	s31 =	sshll.u32 s1, $0xD;
	s1 =	sshrl.u32 s1, $0x2  }
0xb9: {  	s3 =	sand.u32 $0x4000, s31;
	s1 =	sadd.s32 s1, s30  }
0xba: {  	s0 =	sor.u32 s3, s0;
	s1 =	sshll.u32 s1, $0x11  }
0xbb: {  	s0 =	sor.u32 s1, s0  }
0xbc: {  	s0 =	sadd.s32 $0x8F2B, s0  }
0xbd: {  	[sflag:s0] =	ssyncadd.remote.s32 $0x1  }
0xbe: {  	_ =	sfence.sel $0xFFFF  }
0xbf: {  	[dreg:$0x0] =	wrdreg $0xFFFFFFFF;
	(pc) =	sbr.abs _section_cstart, $3  }
0xc0: {  	[dreg:$0x1] =	wrdreg $0xFFFFFFFF  }
0xc1: {  	_ =	task.clear_ibuf [dreg:s6], $0x2FFFF;
	_ =	strace $0x9FFFFFFF  }
0xc2: {  	(tm) =	ssettm $0x7FFFFFFF  }
0xc3: {  	_ =	shalt  }
tec
execute0_lowered:
.L_overlay_start_1:
0x0: {  	(tag) =	ssettag $0x1  }
0x1: {  	s0 =	rddreg [dreg:$0x0]  }
0x2: {  	s2 =	rddreg [dreg:$0x1];
	s3 =	simm.s32 $0x0;
	s19 =	stileid.u32  }
0x3: {  	s1 =	srdreg.scid;
	s22 =	simm.s32 $0x2400;
	s29 =	simm.s32 $0x9400  }
0x4: {  	s30 =	simm.s32 $0x2;
	[smem:$0x7FF] =	sst s3;
	s5 =	smul.u32 $0x50000, s19  }
0x5: {  	s4 =	sadd.s32 $0x49C00, s0;
	s13 =	sadd.s32 $0x29C00, s0;
	s1 =	sand.u32 $0x1, s1  }
0x6: {  	s14 =	sadd.s32 $0x39C00, s0;
	s17 =	sshll.u32 s19, $0xD;
	s19 =	smul.u32 $0x14000, s19  }
0x7: {  	s0 =	sadd.s32 $0xE9C00, s0;
	_ =	strace $0x8000004A;
	s16 =	smul.u32 $0x5000, s1  }
0x8: {  	s6 =	ssub.s32 $0x2, s1;
	s12 =	sshll.u32 s1, $0x12;
	s20 =	smul.u32 $0x280000, s1  }
0x9: {  	s1 =	sshllo.u32 s1, $0x1;
	s5 =	sshrl.u32 s5, $0x2;
	s7 =	sshrl.u32 s6, $0x1  }
0xa: {  	s18 =	sor.u32 s17, s12;
	s24 =	sshll.u32 s1, $0x11;
	s25 =	smul.u32 $0x140000, s1  }
0xb: {  	s1 =	smul.u32 $0x2800, s1;
	s5 =	sadd.s32 s5, s2;
	s15 =	ssub.s32 s6, s7  }
0xc: {  	s18 =	sshrl.u32 s18, $0x3;
	s23 =	sadd.s32 s19, s20;
	s17 =	sor.u32 s17, s24  }
0xd: {  	s24 =	sadd.s32 $0x2710, s16;
	s20 =	simm.s32 $0x4400;
	v0 =	vmov s16;
	s16 =	simm.s32 $0x200  }
0xe: {  	s6 =	sadd.s32 $0x2800, s5;
	s7 =	sadd.s32 $0x5000, s5;
	s8 =	sadd.s32 $0x7800, s5  }
0xf: {  	s9 =	sadd.s32 $0xA000, s5;
	s10 =	sadd.s32 $0xC800, s5;
	s11 =	sadd.s32 $0xF000, s5  }
0x10: {  	v7 =	vlaneseq.u32;
	s12 =	sadd.s32 $0x11800, s5;
	s21 =	sadd.s32 s13, s18;
	s18 =	sadd.s32 s14, s18  }
0x11: {  	v8 =	vor.u32 $0x10, v7;
	v9 =	vor.u32 $0x20, v7;
	v10 =	vor.u32 $0x30, v7;
	s17 =	sshrl.u32 s17, $0x3;
	s19 =	sadd.s32 s19, s25;
	s28 =	sadd.s32 $0x2710, s1  }
0x12: {  	v11 =	vor.u32 $0x40, v7;
	s31 =	smax.u32 s15, $0x1;
	v1 =	vor.u32 s24, v7;
	v2 =	vadd.s32 s24, v8;
	s25 =	simm.s32 $0x6C00;
	[dreg:$0x3] =	wrdreg s21  }
0x13: {  	v3 =	vor.u32 s24, v9;
	v4 =	vadd.s32 s24, v10;
	v5 =	vor.u32 s24, v11;
	s15 =	simm.s32 $0x5;
	s24 =	simm.s32 $0x4380;
	[dreg:$0x4] =	wrdreg s18  }
0x14: {  	s18 =	sshrl.u32 s23, $0x3;
	s13 =	sadd.s32 s13, s17;
	s26 =	sshrl.u32 s19, $0x3  }
0x15: {  	s14 =	sadd.s32 s14, s17;
	[dreg:$0x9] =	wrdreg s31;
	s21 =	simm.s32 $0x7  }
0x16: {  	s23 =	simm.s32 $0x50;
	s17 =	simm.s32 $0x6;
	[dreg:$0x6] =	wrdreg s13  }
0x17: {  	v12 =	vimm.f32 $0.0e+00;
	s18 =	sadd.s32 s0, s18;
	[dreg:$0x7] =	wrdreg s14;
	s0 =	sadd.s32 s0, s26  }
0x18: {  	v6 =	vmov s1;
	v7 =	vor.u32 s28, v7;
	v8 =	vadd.s32 s28, v8;
	s26 =	simm.s32 $0x1;
	s13 =	simm.s32 $0x3;
	[dreg:$0x5] =	wrdreg s18  }
0x19: {  	v9 =	vor.u32 s28, v9;
	v10 =	vadd.s32 s28, v10;
	v11 =	vor.u32 s28, v11;
	[dreg:$0x8] =	wrdreg s0;
	s0 =	simm.s32 $0x4;
	s18 =	simm.s32 $0x2080  }
.LBB2_1:
0x1a: {  	s19 =	simm.s32 $0x0;
	s1 =	simm.s32 $0x200  }
.LBB2_2:
0x1b: {  	p0 =	sne.s32 s1, $0x9E00;
	[tilespmem:s19+$0x4470] =	vst v12  }
0x1c: {  	[tilespmem:s19+$0x4400] =	vst v12  }
0x1d: {  	[tilespmem:s19+$0x4410] =	vst v12  }
.Ltmp0:
0x1e: {  	[tilespmem:s19+$0x4420] =	vst v12;
	(pc) =	sbr.rel @p0 .LBB2_2-.Ltmp0, $4  }
0x1f: {  	[tilespmem:s19+$0x4430] =	vst v12  }
0x20: {  	[tilespmem:s19+$0x4440] =	vst v12  }
0x21: {  	[tilespmem:s19+$0x4450] =	vst v12  }
0x22: {  	[tilespmem:s19+$0x4460] =	vst v12;
	s19 =	sshra.s32 s1, $0x2;
	s1 =	sadd.s32 $0x200, s1  }
0x23: {  	[tilespmem:s19+$0x4470] =	vst v12  }
0x24: {  	[tilespmem:s19+$0x4400] =	vst v12  }
0x25: {  	[tilespmem:s19+$0x4410] =	vst v12  }
0x26: {  	[tilespmem:s19+$0x4420] =	vst v12  }
0x27: {  	[tilespmem:s19+$0x4430] =	vst v12  }
0x28: {  	[tilespmem:s19+$0x4440] =	vst v12  }
0x29: {  	[tilespmem:s19+$0x4450] =	vst v12  }
0x2a: {  	[tilespmem:s19+$0x4460] =	vst v12  }
0x2b: {  	[spmem:s5] =	stream.linear.scatter [tilespmem:s20], [sflag:$0x7], $0x2800, $0x38;
	[tilespmem:$0x1FC00] =	vst v63  }
0x2c: {  	_ =	swait.ge [sflag:s21], $0x2800  }
0x2d: {  	[sflag:s21] =	ssyncset.done $0x0  }
0x2e: {  	[sflag:s21] =	ssyncadd.s32 $0xFFFFD800  }
0x2f: {  	[spmem:s6] =	stream.linear.scatter [tilespmem:s20], [sflag:$0x7], $0x2800, $0x38;
	[tilespmem:$0x1FC00] =	vst v63  }
0x30: {  	_ =	swait.ge [sflag:s21], $0x2800  }
0x31: {  	[sflag:s21] =	ssyncset.done $0x0  }
0x32: {  	[sflag:s21] =	ssyncadd.s32 $0xFFFFD800  }
0x33: {  	[spmem:s7] =	stream.linear.scatter [tilespmem:s20], [sflag:$0x7], $0x2800, $0x38;
	[tilespmem:$0x1FC00] =	vst v63  }
0x34: {  	_ =	swait.ge [sflag:s21], $0x2800  }
0x35: {  	[sflag:s21] =	ssyncset.done $0x0  }
0x36: {  	[sflag:s21] =	ssyncadd.s32 $0xFFFFD800  }
0x37: {  	[spmem:s8] =	stream.linear.scatter [tilespmem:s20], [sflag:$0x7], $0x2800, $0x38;
	[tilespmem:$0x1FC00] =	vst v63  }
0x38: {  	_ =	swait.ge [sflag:s21], $0x2800  }
0x39: {  	[sflag:s21] =	ssyncset.done $0x0  }
0x3a: {  	[sflag:s21] =	ssyncadd.s32 $0xFFFFD800  }
0x3b: {  	[spmem:s9] =	stream.linear.scatter [tilespmem:s20], [sflag:$0x7], $0x2800, $0x38;
	[tilespmem:$0x1FC00] =	vst v63  }
0x3c: {  	_ =	swait.ge [sflag:s21], $0x2800  }
0x3d: {  	[sflag:s21] =	ssyncset.done $0x0  }
0x3e: {  	[sflag:s21] =	ssyncadd.s32 $0xFFFFD800  }
0x3f: {  	[spmem:s10] =	stream.linear.scatter [tilespmem:s20], [sflag:$0x7], $0x2800, $0x38;
	[tilespmem:$0x1FC00] =	vst v63  }
0x40: {  	_ =	swait.ge [sflag:s21], $0x2800  }
0x41: {  	[sflag:s21] =	ssyncset.done $0x0  }
0x42: {  	[sflag:s21] =	ssyncadd.s32 $0xFFFFD800  }
0x43: {  	[spmem:s11] =	stream.linear.scatter [tilespmem:s20], [sflag:$0x7], $0x2800, $0x38;
	[tilespmem:$0x1FC00] =	vst v63  }
0x44: {  	_ =	swait.ge [sflag:s21], $0x2800  }
0x45: {  	[sflag:s21] =	ssyncset.done $0x0  }
0x46: {  	[sflag:s21] =	ssyncadd.s32 $0xFFFFD800  }
0x47: {  	[spmem:s12] =	stream.linear.scatter [tilespmem:s20], [sflag:$0x7], $0x2800, $0x38;
	[tilespmem:$0x1FC00] =	vst v63  }
0x48: {  	_ =	swait.ge [sflag:s21], $0x2800  }
0x49: {  	[sflag:s21] =	ssyncset.done $0x0  }
0x4a: {  	[sflag:s21] =	ssyncadd.s32 $0xFFFFD800  }
0x4b: {  	[bflag:$0x0] =	sbarrier.arrive $0xFFFF  }
0x4c: {  	s1 =	simm.s32 $0x0;
	s14 =	rddreg [dreg:$0x3]  }
0x4d: {  	[tilespmem:s1], [sflag:$0x7] =	stream.linear.gather [hbm4b:s14+s1], $0x2000, $0x38;
	[tilespmem:$0x1FC00] =	vst v63  }
0x4e: {  	_ =	swait.ge [sflag:s21], $0x2000  }
0x4f: {  	[sflag:s21] =	ssyncset.done $0x0  }
0x50: {  	s31 =	rddreg [dreg:$0x4];
	[sflag:s21] =	ssyncadd.s32 $0xFFFFE000  }
0x51: {  	[tilespmem:s22], [sflag:$0x7] =	stream.linear.gather [hbm4b:s31+s1], $0x2000, $0x38;
	[tilespmem:$0x1FC00] =	vst v63  }
0x52: {  	_ =	swait.ge [sflag:s21], $0x2000  }
0x53: {  	[sflag:s21] =	ssyncset.done $0x0  }
0x54: {  	s19 =	simm.s32 $0x0;
	[sflag:s21] =	ssyncadd.s32 $0xFFFFE000  }
0x55: {  	v16 =	vld [tilespmem:s19+$0x0]  }
0x56: {  	v15 =	vld [tilespmem:s19+$0x10]  }
0x57: {  	v14 =	vld [tilespmem:s19+$0x20]  }
0x58: {  	s28 =	simm.s32 $0x200;
	v13 =	vld [tilespmem:s19+$0x30]  }
.LBB2_4:
0x59: {  	p0 =	sne.s32 s28, $0x7E00;
	v17 =	vld [tilespmem:s19+$0x40]  }
0x5a: {  	v16 =	vadd.s32 v0, v16  }
.Ltmp1:
0x5b: {  	s1 =	sshra.s32 s28, $0x2;
	[tilespmem:s19+$0x0] =	vst v16;
	v15 =	vadd.s32 v0, v15;
	(pc) =	sbr.rel @p0 .LBB2_4-.Ltmp1, $4  }
0x5c: {  	v16 =	vld [tilespmem:s1+$0x0];
	[tilespmem:s19+$0x10] =	vst v15;
	v14 =	vadd.s32 v0, v14  }
0x5d: {  	v15 =	vld [tilespmem:s1+$0x10];
	[tilespmem:s19+$0x20] =	vst v14;
	v13 =	vadd.s32 v0, v13  }
0x5e: {  	v14 =	vld [tilespmem:s1+$0x20];
	[tilespmem:s19+$0x30] =	vst v13;
	v17 =	vadd.s32 v0, v17  }
0x5f: {  	s28 =	sadd.s32 $0x200, s28;
	v13 =	vld [tilespmem:s1+$0x30];
	[tilespmem:s19+$0x40] =	vst v17;
	s19 =	smov.u32 s1  }
0x60: {  	v17 =	vld [tilespmem:s19+$0x40]  }
0x61: {  	v16 =	vadd.s32 v0, v16  }
0x62: {  	[tilespmem:s19+$0x0] =	vst v16;
	v15 =	vadd.s32 v0, v15  }
0x63: {  	[tilespmem:s19+$0x10] =	vst v15;
	v14 =	vadd.s32 v0, v14  }
0x64: {  	[tilespmem:s19+$0x20] =	vst v14;
	v13 =	vadd.s32 v0, v13  }
0x65: {  	[tilespmem:s19+$0x30] =	vst v13;
	v13 =	vadd.s32 v0, v17  }
0x66: {  	[tilespmem:s19+$0x40] =	vst v13  }
0x67: {  	[tilespmem:$0x2000] =	vst v1  }
0x68: {  	[tilespmem:$0x2010] =	vst v2  }
0x69: {  	[tilespmem:$0x2020] =	vst v3  }
0x6a: {  	[tilespmem:$0x2030] =	vst v4  }
0x6b: {  	[tilespmem:$0x2040] =	vst v5  }
0x6c: {  	[tilespmem:$0x2080] =	vst v1  }
0x6d: {  	[tilespmem:$0x2090] =	vst v2  }
0x6e: {  	[tilespmem:$0x20A0] =	vst v3  }
0x6f: {  	[tilespmem:$0x20B0] =	vst v4  }
0x70: {  	s1 =	simm.s32 $0x0;
	[tilespmem:$0x20C0] =	vst v5  }
0x71: {  	[tilespmem:s20], [sflag:$0x1] =	stream.indirect.gather [hbm4b:s4+s23], $0x80, s1, s23, $0xb8;
	[tilespmem:$0x1FC00] =	vst v63  }
0x72: {  	s28 =	simm.s32 $0x80  }
0x73: {  	[tilespmem:s25], [sflag:$0x2] =	stream.indirect.gather [hbm4b:s4+s23], $0x80, s28, s23, $0xb8;
	[tilespmem:$0x1FC00] =	vst v63  }
0x74: {  	_ =	swait.ge [sflag:s26], $0x2800  }
0x75: {  	[sflag:s26] =	ssyncset.done $0x0  }
0x76: {  	[sflag:s26] =	ssyncadd.s32 $0xFFFFD800  }
0x77: {  	[spmem:s2] =	stream.indirect.scatter.add.f32 [tilespmem:s20], [sflag:$0x4], $0x80, s22, s23, $0xb8;
	[tilespmem:$0x1FC00] =	vst v63  }
0x78: {  	s31 =	simm.s32 $0x100  }
0x79: {  	[tilespmem:s29], [sflag:$0x3] =	stream.indirect.gather [hbm4b:s4+s23], $0x80, s31, s23, $0xb8;
	[tilespmem:$0x1FC00] =	vst v63  }
0x7a: {  	_ =	swait.ge [sflag:s30], $0x2800  }
0x7b: {  	[sflag:s30] =	ssyncset.done $0x0  }
0x7c: {  	s14 =	simm.s32 $0x2480;
	[sflag:s30] =	ssyncadd.s32 $0xFFFFD800  }
0x7d: {  	[spmem:s2] =	stream.indirect.scatter.add.f32 [tilespmem:s25], [sflag:$0x5], $0x80, s14, s23, $0xb8;
	[tilespmem:$0x1FC00] =	vst v63  }
0x7e: {  	_ =	swait.ge [sflag:s0], $0x2800  }
0x7f: {  	[sflag:s0] =	ssyncset.done $0x0  }
0x80: {  	s19 =	simm.s32 $0x180;
	[sflag:s0] =	ssyncadd.s32 $0xFFFFD800  }
0x81: {  	[tilespmem:s20], [sflag:$0x1] =	stream.indirect.gather [hbm4b:s4+s23], $0x80, s19, s23, $0xb8;
	[tilespmem:$0x1FC00] =	vst v63  }
0x82: {  	_ =	swait.ge [sflag:s13], $0x2800  }
0x83: {  	[sflag:s13] =	ssyncset.done $0x0  }
0x84: {  	s28 =	simm.s32 $0x2500;
	[sflag:s13] =	ssyncadd.s32 $0xFFFFD800  }
0x85: {  	[spmem:s2] =	stream.indirect.scatter.add.f32 [tilespmem:s29], [sflag:$0x6], $0x80, s28, s23, $0xb8;
	[tilespmem:$0x1FC00] =	vst v63  }
0x86: {  	_ =	swait.ge [sflag:s15], $0x2800  }
0x87: {  	[sflag:s15] =	ssyncset.done $0x0  }
0x88: {  	[sflag:s15] =	ssyncadd.s32 $0xFFFFD800  }
0x89: {  	[tilespmem:s25], [sflag:$0x2] =	stream.indirect.gather [hbm4b:s4+s23], $0x80, s16, s23, $0xb8;
	[tilespmem:$0x1FC00] =	vst v63  }
0x8a: {  	_ =	swait.ge [sflag:s26], $0x2800  }
0x8b: {  	[sflag:s26] =	ssyncset.done $0x0  }
0x8c: {  	s31 =	simm.s32 $0x2580;
	[sflag:s26] =	ssyncadd.s32 $0xFFFFD800  }
0x8d: {  	[spmem:s2] =	stream.indirect.scatter.add.f32 [tilespmem:s20], [sflag:$0x4], $0x80, s31, s23, $0xb8;
	[tilespmem:$0x1FC00] =	vst v63  }
0x8e: {  	_ =	swait.ge [sflag:s17], $0x2800  }
0x8f: {  	[sflag:s17] =	ssyncset.done $0x0  }
0x90: {  	s14 =	simm.s32 $0x280;
	[sflag:s17] =	ssyncadd.s32 $0xFFFFD800  }
0x91: {  	[tilespmem:s29], [sflag:$0x3] =	stream.indirect.gather [hbm4b:s4+s23], $0x80, s14, s23, $0xb8;
	[tilespmem:$0x1FC00] =	vst v63  }
0x92: {  	_ =	swait.ge [sflag:s30], $0x2800  }
0x93: {  	[sflag:s30] =	ssyncset.done $0x0  }
0x94: {  	s19 =	simm.s32 $0x2600;
	[sflag:s30] =	ssyncadd.s32 $0xFFFFD800  }
0x95: {  	[spmem:s2] =	stream.indirect.scatter.add.f32 [tilespmem:s25], [sflag:$0x5], $0x80, s19, s23, $0xb8;
	[tilespmem:$0x1FC00] =	vst v63  }
0x96: {  	_ =	swait.ge [sflag:s0], $0x2800  }
0x97: {  	[sflag:s0] =	ssyncset.done $0x0  }
0x98: {  	s28 =	simm.s32 $0x300;
	[sflag:s0] =	ssyncadd.s32 $0xFFFFD800  }
0x99: {  	[tilespmem:s20], [sflag:$0x1] =	stream.indirect.gather [hbm4b:s4+s23], $0x80, s28, s23, $0xb8;
	[tilespmem:$0x1FC00] =	vst v63  }
0x9a: {  	_ =	swait.ge [sflag:s13], $0x2800  }
0x9b: {  	[sflag:s13] =	ssyncset.done $0x0  }
0x9c: {  	s31 =	simm.s32 $0x2680;
	[sflag:s13] =	ssyncadd.s32 $0xFFFFD800  }
0x9d: {  	[spmem:s2] =	stream.indirect.scatter.add.f32 [tilespmem:s29], [sflag:$0x6], $0x80, s31, s23, $0xb8;
	[tilespmem:$0x1FC00] =	vst v63  }
0x9e: {  	_ =	swait.ge [sflag:s15], $0x2800  }
0x9f: {  	[sflag:s15] =	ssyncset.done $0x0  }
0xa0: {  	s1 =	simm.s32 $0x380;
	s19 =	simm.s32 $0x600;
	[sflag:s15] =	ssyncadd.s32 $0xFFFFD800  }
.LBB2_6:
0xa1: {  	[tilespmem:s25], [sflag:$0x2] =	stream.indirect.gather [hbm4b:s4+s23], $0x80, s1, s23, $0xb8;
	[tilespmem:$0x1FC00] =	vst v63  }
0xa2: {  	s1 =	smov.u32 s19  }
0xa3: {  	p0 =	sne.s32 s19, $0x7200;
	s19 =	sadd.s32 $0x600, s19;
	_ =	swait.ge [sflag:s26], $0x2800  }
0xa4: {  	s1 =	sshra.s32 s1, $0x2;
	[sflag:s26] =	ssyncset.done $0x0  }
0xa5: {  	s28 =	sadd.s32 $0x2580, s1;
	[sflag:s26] =	ssyncadd.s32 $0xFFFFD800  }
0xa6: {  	[spmem:s2] =	stream.indirect.scatter.add.f32 [tilespmem:s20], [sflag:$0x4], $0x80, s28, s23, $0xb8;
	[tilespmem:$0x1FC00] =	vst v63  }
0xa7: {  	_ =	swait.ge [sflag:s17], $0x2800  }
0xa8: {  	[sflag:s17] =	ssyncset.done $0x0  }
0xa9: {  	s28 =	sadd.s32 $0x280, s1;
	[sflag:s17] =	ssyncadd.s32 $0xFFFFD800  }
0xaa: {  	[tilespmem:s29], [sflag:$0x3] =	stream.indirect.gather [hbm4b:s4+s23], $0x80, s28, s23, $0xb8;
	[tilespmem:$0x1FC00] =	vst v63  }
0xab: {  	_ =	swait.ge [sflag:s30], $0x2800  }
0xac: {  	[sflag:s30] =	ssyncset.done $0x0  }
0xad: {  	s28 =	sadd.s32 $0x2600, s1;
	[sflag:s30] =	ssyncadd.s32 $0xFFFFD800  }
0xae: {  	[spmem:s2] =	stream.indirect.scatter.add.f32 [tilespmem:s25], [sflag:$0x5], $0x80, s28, s23, $0xb8;
	[tilespmem:$0x1FC00] =	vst v63  }
0xaf: {  	_ =	swait.ge [sflag:s0], $0x2800  }
0xb0: {  	[sflag:s0] =	ssyncset.done $0x0  }
0xb1: {  	s28 =	sadd.s32 $0x300, s1;
	[sflag:s0] =	ssyncadd.s32 $0xFFFFD800  }
0xb2: {  	[tilespmem:s20], [sflag:$0x1] =	stream.indirect.gather [hbm4b:s4+s23], $0x80, s28, s23, $0xb8;
	[tilespmem:$0x1FC00] =	vst v63  }
0xb3: {  	_ =	swait.ge [sflag:s13], $0x2800  }
0xb4: {  	[sflag:s13] =	ssyncset.done $0x0  }
.Ltmp2:
0xb5: {  	s28 =	sadd.s32 $0x2680, s1;
	[sflag:s13] =	ssyncadd.s32 $0xFFFFD800;
	(pc) =	sbr.rel @p0 .LBB2_6-.Ltmp2, $4  }
0xb6: {  	[spmem:s2] =	stream.indirect.scatter.add.f32 [tilespmem:s29], [sflag:$0x6], $0x80, s28, s23, $0xb8;
	[tilespmem:$0x1FC00] =	vst v63  }
0xb7: {  	_ =	swait.ge [sflag:s15], $0x2800  }
0xb8: {  	[sflag:s15] =	ssyncset.done $0x0  }
0xb9: {  	s1 =	sadd.s32 $0x380, s1;
	[sflag:s15] =	ssyncadd.s32 $0xFFFFD800  }
0xba: {  	[tilespmem:s25], [sflag:$0x2] =	stream.indirect.gather [hbm4b:s4+s23], $0x80, s1, s23, $0xb8;
	[tilespmem:$0x1FC00] =	vst v63  }
0xbb: {  	_ =	swait.ge [sflag:s26], $0x2800  }
0xbc: {  	[sflag:s26] =	ssyncset.done $0x0  }
0xbd: {  	[sflag:s26] =	ssyncadd.s32 $0xFFFFD800  }
0xbe: {  	[spmem:s2] =	stream.indirect.scatter.add.f32 [tilespmem:s20], [sflag:$0x4], $0x80, s24, s23, $0xb8;
	[tilespmem:$0x1FC00] =	vst v63  }
0xbf: {  	_ =	swait.ge [sflag:s17], $0x2800  }
0xc0: {  	[sflag:s17] =	ssyncset.done $0x0  }
0xc1: {  	[sflag:s17] =	ssyncadd.s32 $0xFFFFD800  }
0xc2: {  	[tilespmem:s29], [sflag:$0x3] =	stream.indirect.gather [hbm4b:s4+s23], $0x80, s18, s23, $0xb8;
	[tilespmem:$0x1FC00] =	vst v63  }
0xc3: {  	_ =	swait.ge [sflag:s0], $0x2800  }
0xc4: {  	[sflag:s0] =	ssyncset.done $0x0  }
0xc5: {  	[sflag:s0] =	ssyncadd.s32 $0xFFFFD800  }
0xc6: {  	_ =	swait.ge [sflag:s30], $0x2800  }
0xc7: {  	[sflag:s30] =	ssyncset.done $0x0  }
0xc8: {  	[sflag:s30] =	ssyncadd.s32 $0xFFFFD800  }
0xc9: {  	_ =	swait.ge [sflag:s13], $0x2800  }
0xca: {  	[sflag:s13] =	ssyncset.done $0x0  }
0xcb: {  	s19 =	stileid.u32;
	[sflag:s13] =	ssyncadd.s32 $0xFFFFD800  }
0xcc: {  	s1 =	sshll.u32 s19, $0x6;
	[bflag:$0x0] =	sbarrier.arrive $0xFFFF  }
0xcd: {  	s28 =	sshrl.u32 s5, $0x3;
	s19 =	sor.u32 $0x1C07, s1;
	s14 =	rddreg [dreg:$0x5]  }
0xce: {  	[hbm:s14], [sflag:s19] =	dma.local [spmem:s28], $0x2800  }
0xcf: {  	_ =	swait.ge [sflag:s21], $0x2800  }
0xd0: {  	[sflag:s21] =	ssyncset.done $0x0  }
0xd1: {  	[sflag:s21] =	ssyncadd.s32 $0xFFFFD800  }
0xd2: {  	s31 =	simm.s32 $0x0;
	s1 =	simm.s32 $0x200;
	[bflag:$0x0] =	sbarrier.arrive $0xFFFF  }
.LBB2_8:
0xd3: {  	p0 =	sne.s32 s1, $0x9E00;
	[tilespmem:s31+$0x4470] =	vst v12  }
0xd4: {  	[tilespmem:s31+$0x4400] =	vst v12  }
0xd5: {  	[tilespmem:s31+$0x4410] =	vst v12  }
.Ltmp3:
0xd6: {  	[tilespmem:s31+$0x4420] =	vst v12;
	(pc) =	sbr.rel @p0 .LBB2_8-.Ltmp3, $4  }
0xd7: {  	[tilespmem:s31+$0x4430] =	vst v12  }
0xd8: {  	[tilespmem:s31+$0x4440] =	vst v12  }
0xd9: {  	[tilespmem:s31+$0x4450] =	vst v12  }
0xda: {  	[tilespmem:s31+$0x4460] =	vst v12;
	s31 =	sshra.s32 s1, $0x2;
	s1 =	sadd.s32 $0x200, s1  }
0xdb: {  	[tilespmem:s31+$0x4470] =	vst v12  }
0xdc: {  	[tilespmem:s31+$0x4400] =	vst v12  }
0xdd: {  	[tilespmem:s31+$0x4410] =	vst v12  }
0xde: {  	[tilespmem:s31+$0x4420] =	vst v12  }
0xdf: {  	[tilespmem:s31+$0x4430] =	vst v12  }
0xe0: {  	[tilespmem:s31+$0x4440] =	vst v12  }
0xe1: {  	[tilespmem:s31+$0x4450] =	vst v12  }
0xe2: {  	[tilespmem:s31+$0x4460] =	vst v12  }
0xe3: {  	[spmem:s5] =	stream.linear.scatter [tilespmem:s20], [sflag:$0x7], $0x2800, $0x38;
	[tilespmem:$0x1FC00] =	vst v63  }
0xe4: {  	_ =	swait.ge [sflag:s21], $0x2800  }
0xe5: {  	[sflag:s21] =	ssyncset.done $0x0  }
0xe6: {  	[sflag:s21] =	ssyncadd.s32 $0xFFFFD800  }
0xe7: {  	[spmem:s6] =	stream.linear.scatter [tilespmem:s20], [sflag:$0x7], $0x2800, $0x38;
	[tilespmem:$0x1FC00] =	vst v63  }
0xe8: {  	_ =	swait.ge [sflag:s21], $0x2800  }
0xe9: {  	[sflag:s21] =	ssyncset.done $0x0  }
0xea: {  	[sflag:s21] =	ssyncadd.s32 $0xFFFFD800  }
0xeb: {  	[spmem:s7] =	stream.linear.scatter [tilespmem:s20], [sflag:$0x7], $0x2800, $0x38;
	[tilespmem:$0x1FC00] =	vst v63  }
0xec: {  	_ =	swait.ge [sflag:s21], $0x2800  }
0xed: {  	[sflag:s21] =	ssyncset.done $0x0  }
0xee: {  	[sflag:s21] =	ssyncadd.s32 $0xFFFFD800  }
0xef: {  	[spmem:s8] =	stream.linear.scatter [tilespmem:s20], [sflag:$0x7], $0x2800, $0x38;
	[tilespmem:$0x1FC00] =	vst v63  }
0xf0: {  	_ =	swait.ge [sflag:s21], $0x2800  }
0xf1: {  	[sflag:s21] =	ssyncset.done $0x0  }
0xf2: {  	[sflag:s21] =	ssyncadd.s32 $0xFFFFD800  }
0xf3: {  	[spmem:s9] =	stream.linear.scatter [tilespmem:s20], [sflag:$0x7], $0x2800, $0x38;
	[tilespmem:$0x1FC00] =	vst v63  }
0xf4: {  	_ =	swait.ge [sflag:s21], $0x2800  }
0xf5: {  	[sflag:s21] =	ssyncset.done $0x0  }
0xf6: {  	[sflag:s21] =	ssyncadd.s32 $0xFFFFD800  }
0xf7: {  	[spmem:s10] =	stream.linear.scatter [tilespmem:s20], [sflag:$0x7], $0x2800, $0x38;
	[tilespmem:$0x1FC00] =	vst v63  }
0xf8: {  	_ =	swait.ge [sflag:s21], $0x2800  }
0xf9: {  	[sflag:s21] =	ssyncset.done $0x0  }
0xfa: {  	[sflag:s21] =	ssyncadd.s32 $0xFFFFD800  }
0xfb: {  	[spmem:s11] =	stream.linear.scatter [tilespmem:s20], [sflag:$0x7], $0x2800, $0x38;
	[tilespmem:$0x1FC00] =	vst v63  }
0xfc: {  	_ =	swait.ge [sflag:s21], $0x2800  }
0xfd: {  	[sflag:s21] =	ssyncset.done $0x0  }
0xfe: {  	[sflag:s21] =	ssyncadd.s32 $0xFFFFD800  }
0xff: {  	[spmem:s12] =	stream.linear.scatter [tilespmem:s20], [sflag:$0x7], $0x2800, $0x38;
	[tilespmem:$0x1FC00] =	vst v63  }
0x100: {  	_ =	swait.ge [sflag:s21], $0x2800  }
0x101: {  	[sflag:s21] =	ssyncset.done $0x0  }
0x102: {  	[sflag:s21] =	ssyncadd.s32 $0xFFFFD800  }
0x103: {  	[bflag:$0x0] =	sbarrier.arrive $0xFFFF  }
0x104: {  	s1 =	simm.s32 $0x0;
	s14 =	rddreg [dreg:$0x6]  }
0x105: {  	[tilespmem:s1], [sflag:$0x7] =	stream.linear.gather [hbm4b:s14+s1], $0x2000, $0x38;
	[tilespmem:$0x1FC00] =	vst v63  }
0x106: {  	_ =	swait.ge [sflag:s21], $0x2000  }
0x107: {  	[sflag:s21] =	ssyncset.done $0x0  }
0x108: {  	s14 =	rddreg [dreg:$0x7];
	[sflag:s21] =	ssyncadd.s32 $0xFFFFE000  }
0x109: {  	[tilespmem:s22], [sflag:$0x7] =	stream.linear.gather [hbm4b:s14+s1], $0x2000, $0x38;
	[tilespmem:$0x1FC00] =	vst v63  }
0x10a: {  	_ =	swait.ge [sflag:s21], $0x2000  }
0x10b: {  	[sflag:s21] =	ssyncset.done $0x0  }
0x10c: {  	s31 =	simm.s32 $0x0;
	[sflag:s21] =	ssyncadd.s32 $0xFFFFE000  }
0x10d: {  	v16 =	vld [tilespmem:s31+$0x0]  }
0x10e: {  	v15 =	vld [tilespmem:s31+$0x10]  }
0x10f: {  	v14 =	vld [tilespmem:s31+$0x20]  }
0x110: {  	s1 =	simm.s32 $0x200;
	v13 =	vld [tilespmem:s31+$0x30]  }
.LBB2_10:
0x111: {  	p0 =	sne.s32 s1, $0x7E00;
	v17 =	vld [tilespmem:s31+$0x40]  }
0x112: {  	v16 =	vadd.s32 v6, v16  }
.Ltmp4:
0x113: {  	s14 =	sshra.s32 s1, $0x2;
	[tilespmem:s31+$0x0] =	vst v16;
	v15 =	vadd.s32 v6, v15;
	(pc) =	sbr.rel @p0 .LBB2_10-.Ltmp4, $4  }
0x114: {  	v16 =	vld [tilespmem:s14+$0x0];
	[tilespmem:s31+$0x10] =	vst v15;
	v14 =	vadd.s32 v6, v14  }
0x115: {  	v15 =	vld [tilespmem:s14+$0x10];
	[tilespmem:s31+$0x20] =	vst v14;
	v13 =	vadd.s32 v6, v13  }
0x116: {  	v14 =	vld [tilespmem:s14+$0x20];
	[tilespmem:s31+$0x30] =	vst v13;
	v17 =	vadd.s32 v6, v17  }
0x117: {  	s1 =	sadd.s32 $0x200, s1;
	v13 =	vld [tilespmem:s14+$0x30];
	[tilespmem:s31+$0x40] =	vst v17;
	s31 =	smov.u32 s14  }
0x118: {  	v17 =	vld [tilespmem:s31+$0x40]  }
0x119: {  	v16 =	vadd.s32 v6, v16  }
0x11a: {  	[tilespmem:s31+$0x0] =	vst v16;
	v15 =	vadd.s32 v6, v15  }
0x11b: {  	[tilespmem:s31+$0x10] =	vst v15;
	v14 =	vadd.s32 v6, v14  }
0x11c: {  	[tilespmem:s31+$0x20] =	vst v14;
	v13 =	vadd.s32 v6, v13  }
0x11d: {  	[tilespmem:s31+$0x30] =	vst v13;
	v13 =	vadd.s32 v6, v17  }
0x11e: {  	[tilespmem:s31+$0x40] =	vst v13  }
0x11f: {  	[tilespmem:$0x2000] =	vst v7  }
0x120: {  	[tilespmem:$0x2010] =	vst v8  }
0x121: {  	[tilespmem:$0x2020] =	vst v9  }
0x122: {  	[tilespmem:$0x2030] =	vst v10  }
0x123: {  	[tilespmem:$0x2040] =	vst v11  }
0x124: {  	[tilespmem:$0x2080] =	vst v7  }
0x125: {  	[tilespmem:$0x2090] =	vst v8  }
0x126: {  	[tilespmem:$0x20A0] =	vst v9  }
0x127: {  	[tilespmem:$0x20B0] =	vst v10  }
0x128: {  	s1 =	simm.s32 $0x0;
	[tilespmem:$0x20C0] =	vst v11  }
0x129: {  	[tilespmem:s20], [sflag:$0x1] =	stream.indirect.gather [hbm4b:s4+s23], $0x80, s1, s23, $0xb8;
	[tilespmem:$0x1FC00] =	vst v63  }
0x12a: {  	s14 =	simm.s32 $0x80  }
0x12b: {  	[tilespmem:s25], [sflag:$0x2] =	stream.indirect.gather [hbm4b:s4+s23], $0x80, s14, s23, $0xb8;
	[tilespmem:$0x1FC00] =	vst v63  }
0x12c: {  	_ =	swait.ge [sflag:s26], $0x2800  }
0x12d: {  	[sflag:s26] =	ssyncset.done $0x0  }
0x12e: {  	[sflag:s26] =	ssyncadd.s32 $0xFFFFD800  }
0x12f: {  	[spmem:s2] =	stream.indirect.scatter.add.f32 [tilespmem:s20], [sflag:$0x4], $0x80, s22, s23, $0xb8;
	[tilespmem:$0x1FC00] =	vst v63  }
0x130: {  	s14 =	simm.s32 $0x100  }
0x131: {  	[tilespmem:s29], [sflag:$0x3] =	stream.indirect.gather [hbm4b:s4+s23], $0x80, s14, s23, $0xb8;
	[tilespmem:$0x1FC00] =	vst v63  }
0x132: {  	_ =	swait.ge [sflag:s30], $0x2800  }
0x133: {  	[sflag:s30] =	ssyncset.done $0x0  }
0x134: {  	s14 =	simm.s32 $0x2480;
	[sflag:s30] =	ssyncadd.s32 $0xFFFFD800  }
0x135: {  	[spmem:s2] =	stream.indirect.scatter.add.f32 [tilespmem:s25], [sflag:$0x5], $0x80, s14, s23, $0xb8;
	[tilespmem:$0x1FC00] =	vst v63  }
0x136: {  	_ =	swait.ge [sflag:s0], $0x2800  }
0x137: {  	[sflag:s0] =	ssyncset.done $0x0  }
0x138: {  	s14 =	simm.s32 $0x180;
	[sflag:s0] =	ssyncadd.s32 $0xFFFFD800  }
0x139: {  	[tilespmem:s20], [sflag:$0x1] =	stream.indirect.gather [hbm4b:s4+s23], $0x80, s14, s23, $0xb8;
	[tilespmem:$0x1FC00] =	vst v63  }
0x13a: {  	_ =	swait.ge [sflag:s13], $0x2800  }
0x13b: {  	[sflag:s13] =	ssyncset.done $0x0  }
0x13c: {  	s14 =	simm.s32 $0x2500;
	[sflag:s13] =	ssyncadd.s32 $0xFFFFD800  }
0x13d: {  	[spmem:s2] =	stream.indirect.scatter.add.f32 [tilespmem:s29], [sflag:$0x6], $0x80, s14, s23, $0xb8;
	[tilespmem:$0x1FC00] =	vst v63  }
0x13e: {  	_ =	swait.ge [sflag:s15], $0x2800  }
0x13f: {  	[sflag:s15] =	ssyncset.done $0x0  }
0x140: {  	[sflag:s15] =	ssyncadd.s32 $0xFFFFD800  }
0x141: {  	[tilespmem:s25], [sflag:$0x2] =	stream.indirect.gather [hbm4b:s4+s23], $0x80, s16, s23, $0xb8;
	[tilespmem:$0x1FC00] =	vst v63  }
0x142: {  	_ =	swait.ge [sflag:s26], $0x2800  }
0x143: {  	[sflag:s26] =	ssyncset.done $0x0  }
0x144: {  	s14 =	simm.s32 $0x2580;
	[sflag:s26] =	ssyncadd.s32 $0xFFFFD800  }
0x145: {  	[spmem:s2] =	stream.indirect.scatter.add.f32 [tilespmem:s20], [sflag:$0x4], $0x80, s14, s23, $0xb8;
	[tilespmem:$0x1FC00] =	vst v63  }
0x146: {  	_ =	swait.ge [sflag:s17], $0x2800  }
0x147: {  	[sflag:s17] =	ssyncset.done $0x0  }
0x148: {  	s14 =	simm.s32 $0x280;
	[sflag:s17] =	ssyncadd.s32 $0xFFFFD800  }
0x149: {  	[tilespmem:s29], [sflag:$0x3] =	stream.indirect.gather [hbm4b:s4+s23], $0x80, s14, s23, $0xb8;
	[tilespmem:$0x1FC00] =	vst v63  }
0x14a: {  	_ =	swait.ge [sflag:s30], $0x2800  }
0x14b: {  	[sflag:s30] =	ssyncset.done $0x0  }
0x14c: {  	s14 =	simm.s32 $0x2600;
	[sflag:s30] =	ssyncadd.s32 $0xFFFFD800  }
0x14d: {  	[spmem:s2] =	stream.indirect.scatter.add.f32 [tilespmem:s25], [sflag:$0x5], $0x80, s14, s23, $0xb8;
	[tilespmem:$0x1FC00] =	vst v63  }
0x14e: {  	_ =	swait.ge [sflag:s0], $0x2800  }
0x14f: {  	[sflag:s0] =	ssyncset.done $0x0  }
0x150: {  	s14 =	simm.s32 $0x300;
	[sflag:s0] =	ssyncadd.s32 $0xFFFFD800  }
0x151: {  	[tilespmem:s20], [sflag:$0x1] =	stream.indirect.gather [hbm4b:s4+s23], $0x80, s14, s23, $0xb8;
	[tilespmem:$0x1FC00] =	vst v63  }
0x152: {  	_ =	swait.ge [sflag:s13], $0x2800  }
0x153: {  	[sflag:s13] =	ssyncset.done $0x0  }
0x154: {  	s14 =	simm.s32 $0x2680;
	[sflag:s13] =	ssyncadd.s32 $0xFFFFD800  }
0x155: {  	[spmem:s2] =	stream.indirect.scatter.add.f32 [tilespmem:s29], [sflag:$0x6], $0x80, s14, s23, $0xb8;
	[tilespmem:$0x1FC00] =	vst v63  }
0x156: {  	_ =	swait.ge [sflag:s15], $0x2800  }
0x157: {  	[sflag:s15] =	ssyncset.done $0x0  }
0x158: {  	s31 =	simm.s32 $0x600;
	s1 =	simm.s32 $0x380;
	[sflag:s15] =	ssyncadd.s32 $0xFFFFD800  }
.LBB2_12:
0x159: {  	[tilespmem:s25], [sflag:$0x2] =	stream.indirect.gather [hbm4b:s4+s23], $0x80, s1, s23, $0xb8;
	[tilespmem:$0x1FC00] =	vst v63  }
0x15a: {  	s1 =	smov.u32 s31  }
0x15b: {  	p0 =	sne.s32 s31, $0x7200;
	s31 =	sadd.s32 $0x600, s31;
	_ =	swait.ge [sflag:s26], $0x2800  }
0x15c: {  	s1 =	sshra.s32 s1, $0x2;
	[sflag:s26] =	ssyncset.done $0x0  }
0x15d: {  	s14 =	sadd.s32 $0x2580, s1;
	[sflag:s26] =	ssyncadd.s32 $0xFFFFD800  }
0x15e: {  	[spmem:s2] =	stream.indirect.scatter.add.f32 [tilespmem:s20], [sflag:$0x4], $0x80, s14, s23, $0xb8;
	[tilespmem:$0x1FC00] =	vst v63  }
0x15f: {  	_ =	swait.ge [sflag:s17], $0x2800  }
0x160: {  	[sflag:s17] =	ssyncset.done $0x0  }
0x161: {  	s14 =	sadd.s32 $0x280, s1;
	[sflag:s17] =	ssyncadd.s32 $0xFFFFD800  }
0x162: {  	[tilespmem:s29], [sflag:$0x3] =	stream.indirect.gather [hbm4b:s4+s23], $0x80, s14, s23, $0xb8;
	[tilespmem:$0x1FC00] =	vst v63  }
0x163: {  	_ =	swait.ge [sflag:s30], $0x2800  }
0x164: {  	[sflag:s30] =	ssyncset.done $0x0  }
0x165: {  	s14 =	sadd.s32 $0x2600, s1;
	[sflag:s30] =	ssyncadd.s32 $0xFFFFD800  }
0x166: {  	[spmem:s2] =	stream.indirect.scatter.add.f32 [tilespmem:s25], [sflag:$0x5], $0x80, s14, s23, $0xb8;
	[tilespmem:$0x1FC00] =	vst v63  }
0x167: {  	_ =	swait.ge [sflag:s0], $0x2800  }
0x168: {  	[sflag:s0] =	ssyncset.done $0x0  }
0x169: {  	s14 =	sadd.s32 $0x300, s1;
	[sflag:s0] =	ssyncadd.s32 $0xFFFFD800  }
0x16a: {  	[tilespmem:s20], [sflag:$0x1] =	stream.indirect.gather [hbm4b:s4+s23], $0x80, s14, s23, $0xb8;
	[tilespmem:$0x1FC00] =	vst v63  }
0x16b: {  	_ =	swait.ge [sflag:s13], $0x2800  }
0x16c: {  	[sflag:s13] =	ssyncset.done $0x0  }
.Ltmp5:
0x16d: {  	s14 =	sadd.s32 $0x2680, s1;
	[sflag:s13] =	ssyncadd.s32 $0xFFFFD800;
	(pc) =	sbr.rel @p0 .LBB2_12-.Ltmp5, $4  }
0x16e: {  	[spmem:s2] =	stream.indirect.scatter.add.f32 [tilespmem:s29], [sflag:$0x6], $0x80, s14, s23, $0xb8;
	[tilespmem:$0x1FC00] =	vst v63  }
0x16f: {  	_ =	swait.ge [sflag:s15], $0x2800  }
0x170: {  	[sflag:s15] =	ssyncset.done $0x0  }
0x171: {  	s1 =	sadd.s32 $0x380, s1;
	[sflag:s15] =	ssyncadd.s32 $0xFFFFD800  }
0x172: {  	[tilespmem:s25], [sflag:$0x2] =	stream.indirect.gather [hbm4b:s4+s23], $0x80, s1, s23, $0xb8;
	[tilespmem:$0x1FC00] =	vst v63  }
0x173: {  	_ =	swait.ge [sflag:s26], $0x2800  }
0x174: {  	[sflag:s26] =	ssyncset.done $0x0  }
0x175: {  	[sflag:s26] =	ssyncadd.s32 $0xFFFFD800  }
0x176: {  	[spmem:s2] =	stream.indirect.scatter.add.f32 [tilespmem:s20], [sflag:$0x4], $0x80, s24, s23, $0xb8;
	[tilespmem:$0x1FC00] =	vst v63  }
0x177: {  	_ =	swait.ge [sflag:s17], $0x2800  }
0x178: {  	[sflag:s17] =	ssyncset.done $0x0  }
0x179: {  	[sflag:s17] =	ssyncadd.s32 $0xFFFFD800  }
0x17a: {  	[tilespmem:s29], [sflag:$0x3] =	stream.indirect.gather [hbm4b:s4+s23], $0x80, s18, s23, $0xb8;
	[tilespmem:$0x1FC00] =	vst v63  }
0x17b: {  	_ =	swait.ge [sflag:s0], $0x2800  }
0x17c: {  	[sflag:s0] =	ssyncset.done $0x0  }
0x17d: {  	[sflag:s0] =	ssyncadd.s32 $0xFFFFD800  }
0x17e: {  	_ =	swait.ge [sflag:s30], $0x2800  }
0x17f: {  	[sflag:s30] =	ssyncset.done $0x0  }
0x180: {  	[sflag:s30] =	ssyncadd.s32 $0xFFFFD800  }
0x181: {  	_ =	swait.ge [sflag:s13], $0x2800  }
0x182: {  	[sflag:s13] =	ssyncset.done $0x0  }
0x183: {  	[sflag:s13] =	ssyncadd.s32 $0xFFFFD800  }
0x184: {  	[bflag:$0x0] =	sbarrier.arrive $0xFFFF  }
0x185: {  	s14 =	rddreg [dreg:$0x8]  }
0x186: {  	[hbm:s14], [sflag:s19] =	dma.local [spmem:s28], $0x2800  }
0x187: {  	_ =	swait.ge [sflag:s21], $0x2800  }
0x188: {  	s3 =	sadd.s32 $0x1, s3;
	s31 =	rddreg [dreg:$0x9]  }
0x189: {  	p0 =	sne.s32 s3, s31  }
.Ltmp6:
0x18a: {  	_ = 	snop;
	(pc) =	sbr.rel @p0 .LBB2_1-.Ltmp6, $3  }
0x18b: {  	[sflag:s21] =	ssyncset.done $0x0  }
0x18c: {  	[sflag:s21] =	ssyncadd.s32 $0xFFFFD800  }
0x18d: {  	[bflag:$0x0] =	sbarrier.arrive $0xFFFF;
	_ =	sdelay $0x1  }
0x18e: {  	_ =	sfence.sel $0x180000  }
0x18f: {  	[bflag:$0x0] =	sbarrier.arrive $0xFFFF  }
0x190: {  	_ =	strace $0x9000004A  }
0x191: {  	s0 =	stileid.u32;
	[bflag:$0x2] =	sbarrier.arrive $0xFFFF  }
0x192: {  	p0 =	sne.s32 s0, $0x0;
	s0 =	rddreg [dreg:$0x2]  }
0x193: {  	s0 =	sadd.s32 @!p0 $0x100000, s0  }
0x194: {  	[sflag:s0] =	ssyncadd.tile.s32 @!p0 $0x1;
	_ =	shalt  }
.Lfunc_end2:
_tile_overlayer_lowered:
.L_overlay_start_2:
0x195: {  	(tag) =	ssettag $0x2  }
0x196: {  	s0 =	rddreg [dreg:$0x0];
	s2 =	stileid.u32  }
0x197: {  	s1 =	rddreg [dreg:$0x1];
	p0 =	sne.s32 s2, $0x0  }
0x198: {  	s3 =	rddreg [dreg:$0x2];
	[bflag:$0x3] =	sbarrier.arrive $0xFFFF;
	s2 =	simm.s32 @!p0 $0x1C07  }
0x199: {  	[timem:s3], [sflag:s2] =	dma.local @!p0 [hbm:s0], s1  }
0x19a: {  	s0 =	simm.s32 @!p0 $0x7  }
0x19b: {  	_ =	swait.ge @!p0 [sflag:s0], s1  }
0x19c: {  	s1 =	ssub.s32 @!p0 $0x0, s1;
	[sflag:s0] =	ssyncset.done @!p0 $0x0  }
0x19d: {  	[sflag:s0] =	ssyncadd.s32 @!p0 s1  }
0x19e: {  	[bflag:$0x3] =	sbarrier.arrive $0xFFFF  }
0x19f: {  	_ =	shalt  }

</sc_bundles>
